<compile_context>
chip_gen: v7x
topology: tpu7x:2x2x1
jax: 0.10.2.dev20260603
libtpu: 0.0.44.dev20260713+nightly
codegen_flags: <defaults>
</compile_context>

<pallas_src>
import functools

import jax
import jax.numpy as jnp
from jax import lax
from jax.experimental import pallas as pl
from jax.experimental.pallas import tpu as pltpu
from jax.experimental.pallas import tpu_sc as plsc

_NPTS = [1024, 512, 256, 128]
_NSMP = [32, 32, 32, 32]


def _mm(x, w):
    return jnp.dot(x.astype(jnp.bfloat16), w.astype(jnp.bfloat16),
                   preferred_element_type=jnp.float32)


def _fps_body(xyz_ref, newx_ref, *, npoint):
    x = xyz_ref[0]
    y = xyz_ref[1]
    z = xyz_ref[2]
    B, N = x.shape
    coln = jax.lax.broadcasted_iota(jnp.int32, (B, N), 1)
    colm = jax.lax.broadcasted_iota(jnp.int32, (B, npoint), 1)

    def body(i, st):
        dists, far, nx, ny, nz = st
        sel = coln == far
        cx = jnp.sum(jnp.where(sel, x, 0.0), axis=1, keepdims=True)
        cy = jnp.sum(jnp.where(sel, y, 0.0), axis=1, keepdims=True)
        cz = jnp.sum(jnp.where(sel, z, 0.0), axis=1, keepdims=True)
        upd = colm == i
        nx = jnp.where(upd, cx, nx)
        ny = jnp.where(upd, cy, ny)
        nz = jnp.where(upd, cz, nz)
        dx = x - cx
        dy = y - cy
        dz = z - cz
        d = dx * dx + dy * dy + dz * dz
        dists = jnp.minimum(dists, d)
        m = jnp.max(dists, axis=1, keepdims=True)
        far = jnp.min(jnp.where(dists == m, coln, N), axis=1, keepdims=True)
        return (dists, far, nx, ny, nz)

    st = (
        jnp.full((B, N), 1e10, jnp.float32),
        jnp.zeros((B, 1), jnp.int32),
        jnp.zeros((B, npoint), jnp.float32),
        jnp.zeros((B, npoint), jnp.float32),
        jnp.zeros((B, npoint), jnp.float32),
    )
    _, _, nx, ny, nz = jax.lax.fori_loop(0, npoint, body, st)
    newx_ref[0] = nx
    newx_ref[1] = ny
    newx_ref[2] = nz


def _fps(xyz_t, npoint):
    _, B, N = xyz_t.shape
    return pl.pallas_call(
        functools.partial(_fps_body, npoint=npoint),
        out_shape=jax.ShapeDtypeStruct((3, B, npoint), jnp.float32),
    )(xyz_t)


def _knn_body(newx_ref, xyz_ref, nidx_ref, d_scr, *, k):
    a = newx_ref[0]
    TM = a.shape[0]
    ax, ay, az = a[:, 0:1], a[:, 1:2], a[:, 2:3]
    bmat = xyz_ref[:, 0, 0, :]
    xb = xyz_ref[0, 0]
    yb = xyz_ref[1, 0]
    zb = xyz_ref[2, 0]
    N = xb.shape[1]
    na = (ax * ax + ay * ay) + az * az
    nb = (xb * xb + yb * yb) + zb * zb
    cross = jnp.dot(a.astype(jnp.bfloat16), bmat.astype(jnp.bfloat16),
                    preferred_element_type=jnp.float32)
    d_scr[...] = (na + nb) - 2.0 * cross
    coln = jax.lax.broadcasted_iota(jnp.int32, (TM, N), 1)
    colk = jax.lax.broadcasted_iota(jnp.int32, (TM, k), 1)

    def body(kk, nidx):
        dd = d_scr[...]
        m = jnp.min(dd, axis=1, keepdims=True)
        idx = jnp.min(jnp.where(dd == m, coln, N), axis=1, keepdims=True)
        d_scr[...] = jnp.where(coln == idx, jnp.inf, dd)
        return jnp.where(colk == kk, idx, nidx)

    nidx_ref[0] = jax.lax.fori_loop(0, k, body, jnp.zeros((TM, k), jnp.int32))


def _knn(newx, xyz_t, k, TM):
    B, M, _ = newx.shape
    _, _, N = xyz_t.shape
    return pl.pallas_call(
        functools.partial(_knn_body, k=k),
        grid=(B, M // TM),
        in_specs=[
            pl.BlockSpec((1, TM, 3), lambda b, m: (b, m, 0)),
            pl.BlockSpec((3, 1, 1, N), lambda b, m: (0, b, 0, 0)),
        ],
        out_specs=pl.BlockSpec((1, TM, k), lambda b, m: (b, m, 0)),
        out_shape=jax.ShapeDtypeStruct((B, M, k), jnp.int32),
        scratch_shapes=[pltpu.VMEM((TM, N), jnp.float32)],
    )(newx, xyz_t.reshape(3, B, 1, N))


def _sc_gather(table, idx, CH=128):
    R, D = table.shape
    S = idx.shape[0]
    NW = 32
    per = S // NW
    mesh = plsc.VectorSubcoreMesh(core_axis_name="c", subcore_axis_name="s")

    @functools.partial(
        pl.kernel, mesh=mesh,
        compiler_params=pltpu.CompilerParams(use_tc_tiling_on_sc=False),
        out_type=jax.ShapeDtypeStruct((S, D), jnp.float32),
        scratch_types=[
            pltpu.VMEM((CH,), jnp.int32),
            pltpu.VMEM((CH, D), jnp.float32),
            pltpu.SemaphoreType.DMA,
        ],
    )
    def k(table_hbm, idx_hbm, out_hbm, idx_v, rows_v, sem):
        wid = lax.axis_index("s") * 2 + lax.axis_index("c")
        base = wid * per

        def body(i, c):
            off = base + i * CH
            pltpu.sync_copy(idx_hbm.at[pl.ds(off, CH)], idx_v)
            pltpu.async_copy(table_hbm.at[idx_v], rows_v, sem).wait()
            pltpu.sync_copy(rows_v, out_hbm.at[pl.ds(off, CH)])
            return c

        lax.fori_loop(0, per // CH, body, 0)

    return k(table, idx)


def _sa2_body(g_ref, newx_ref, *wrefs, nsample):
    out_ref = wrefs[-1]
    wrefs = wrefs[:-1]
    nx = newx_ref[0]
    TM = nx.shape[0]
    Dp = g_ref.shape[3]
    nxpad = jnp.concatenate(
        [nx, jnp.zeros((TM, Dp - 3), jnp.float32)], axis=1)
    Cout = wrefs[-2].shape[1]
    g = g_ref[0]
    h = (g - nxpad[None]).reshape(nsample * TM, Dp)
    for li in range(len(wrefs) // 2):
        W = wrefs[2 * li][...]
        b = wrefs[2 * li + 1][...]
        h = jnp.maximum(_mm(h, W) + b, 0.0)
    out_ref[0] = jnp.max(h.reshape(nsample, TM, Cout), axis=0)


def _sa2(g, newx, layers, TM):
    B, nsample, M, Dp = g.shape
    Cin = layers[0][0].shape[0]
    Cout = layers[-1][0].shape[1]
    wspecs = []
    wargs = []
    for li, (W, b) in enumerate(layers):
        if li == 0:
            W = jnp.pad(W, ((0, Dp - Cin), (0, 0)))
        wspecs.append(pl.BlockSpec(W.shape, lambda bb, mm: (0, 0)))
        wspecs.append(pl.BlockSpec((1, b.shape[0]), lambda bb, mm: (0, 0)))
        wargs.append(W)
        wargs.append(b.reshape(1, -1))
    return pl.pallas_call(
        functools.partial(_sa2_body, nsample=nsample),
        grid=(B, M // TM),
        in_specs=[
            pl.BlockSpec((1, nsample, TM, Dp), lambda b, m: (b, 0, m, 0)),
            pl.BlockSpec((1, TM, 3), lambda b, m: (b, m, 0)),
        ] + wspecs,
        out_specs=pl.BlockSpec((1, TM, Cout), lambda b, m: (b, m, 0)),
        out_shape=jax.ShapeDtypeStruct((B, M, Cout), jnp.float32),
    )(g, newx, *wargs)


def _fp_body(xyz1_ref, xyz2_ref, feat1_ref, feat2_ref, *wrefs):
    out_ref = wrefs[-1]
    wrefs = wrefs[:-1]
    a = xyz1_ref[0]
    TM = a.shape[0]
    ax, ay, az = a[:, 0:1], a[:, 1:2], a[:, 2:3]
    bmat = xyz2_ref[:, 0, 0, :]
    xb = xyz2_ref[0, 0]
    yb = xyz2_ref[1, 0]
    zb = xyz2_ref[2, 0]
    N2 = xb.shape[1]
    na = (ax * ax + ay * ay) + az * az
    nb = (xb * xb + yb * yb) + zb * zb
    cross = jnp.dot(a.astype(jnp.bfloat16), bmat.astype(jnp.bfloat16),
                    preferred_element_type=jnp.float32)
    d = (na + nb) - 2.0 * cross
    coln = jax.lax.broadcasted_iota(jnp.int32, (TM, N2), 1)
    ws = []
    ohs = []
    dd = d
    for _ in range(3):
        m = jnp.min(dd, axis=1, keepdims=True)
        idx = jnp.min(jnp.where(dd == m, coln, N2), axis=1, keepdims=True)
        oh = coln == idx
        ws.append(1.0 / (jnp.maximum(m, 0.0) + 1e-8))
        ohs.append(oh)
        dd = jnp.where(oh, jnp.inf, dd)
    wtot = (ws[0] + ws[1]) + ws[2]
    Wmat = (
        jnp.where(ohs[0], ws[0] / wtot, 0.0)
        + jnp.where(ohs[1], ws[1] / wtot, 0.0)
        + jnp.where(ohs[2], ws[2] / wtot, 0.0)
    )
    interp = jnp.dot(Wmat, feat2_ref[0], preferred_element_type=jnp.float32)
    h = jnp.concatenate([feat1_ref[0], interp], axis=1)
    for li in range(len(wrefs) // 2):
        W = wrefs[2 * li][...]
        b = wrefs[2 * li + 1][...]
        h = jnp.maximum(_mm(h, W) + b, 0.0)
    out_ref[0] = h


def _fp(xyz1, xyz2_t, feat1, feat2, layers, TM):
    B, N1, _ = xyz1.shape
    _, _, N2 = xyz2_t.shape
    C1 = feat1.shape[2]
    C2 = feat2.shape[2]
    Cout = layers[-1][0].shape[1]
    wspecs = []
    wargs = []
    for W, b in layers:
        wspecs.append(pl.BlockSpec(W.shape, lambda bb, mm: (0, 0)))
        wspecs.append(pl.BlockSpec((1, b.shape[0]), lambda bb, mm: (0, 0)))
        wargs.append(W)
        wargs.append(b.reshape(1, -1))
    return pl.pallas_call(
        _fp_body,
        grid=(B, N1 // TM),
        in_specs=[
            pl.BlockSpec((1, TM, 3), lambda b, m: (b, m, 0)),
            pl.BlockSpec((3, 1, 1, N2), lambda b, m: (0, b, 0, 0)),
            pl.BlockSpec((1, TM, C1), lambda b, m: (b, m, 0)),
            pl.BlockSpec((1, N2, C2), lambda b, m: (b, 0, 0)),
        ] + wspecs,
        out_specs=pl.BlockSpec((1, TM, Cout), lambda b, m: (b, m, 0)),
        out_shape=jax.ShapeDtypeStruct((B, N1, Cout), jnp.float32),
    )(xyz1, xyz2_t.reshape(3, -1, 1, N2), feat1, feat2, *wargs)


def _head_body(l04_ref,
               wp_ref, bp_ref, wc_ref, bc_ref,
               w1_ref, b1_ref, w2_ref, b2_ref, out_ref):
    l04 = l04_ref[0]
    x = (((l04 + l04) + l04) + l04) / 4.0
    N = x.shape[0]
    fused = jnp.maximum(_mm(x, wp_ref[...]) + bp_ref[...], 0.0)
    fb = fused.astype(jnp.bfloat16)
    S = jax.lax.dot_general(
        fb, fb, (((0,), (0,)), ((), ())),
        preferred_element_type=jnp.float32) / N
    S = S - jnp.max(S, axis=-1, keepdims=True)
    E = jnp.exp(S)
    A = E / jnp.sum(E, axis=-1, keepdims=True)
    fa = _mm(fused, A)
    f = jnp.maximum(_mm(fa, wc_ref[...]) + bc_ref[...], 0.0) + fused
    h1 = jnp.maximum(_mm(f, w1_ref[...]) + b1_ref[...], 0.0)
    out_ref[0] = _mm(h1, w2_ref[...]) + b2_ref[...]


def _head(l04, params):
    B, N, C = l04.shape
    wargs = []
    wspecs = []
    for name in ['fppool', 'cgcn', 'fc1', 'fc2']:
        W, b = params[name]
        wspecs.append(pl.BlockSpec(W.shape, lambda bb: (0, 0)))
        wspecs.append(pl.BlockSpec((1, b.shape[0]), lambda bb: (0, 0)))
        wargs.append(W)
        wargs.append(b.reshape(1, -1))
    Cout = params['fc2'][0].shape[1]
    return pl.pallas_call(
        _head_body,
        grid=(B,),
        in_specs=[pl.BlockSpec((1, N, C), lambda b: (b, 0, 0))] + wspecs,
        out_specs=pl.BlockSpec((1, N, Cout), lambda b: (b, 0, 0)),
        out_shape=jax.ShapeDtypeStruct((B, N, Cout), jnp.float32),
    )(l04, *wargs)


def kernel(pointcloud, params):
    xyz = pointcloud[..., 0:3]
    feat = pointcloud[..., 3:]
    xyzs = [xyz]
    xyzs_t = [jnp.transpose(xyz, (2, 0, 1))]
    feats = [feat]
    B = pointcloud.shape[0]
    for i, nm in enumerate(['sa1', 'sa2', 'sa3', 'sa4']):
        M = _NPTS[i]
        ns = _NSMP[i]
        N = xyzs[i].shape[1]
        newx_t = _fps(xyzs_t[i], M)
        newx = jnp.transpose(newx_t, (1, 2, 0))
        nidx = _knn(newx, xyzs_t[i], ns, min(512, M))
        inp = jnp.concatenate([xyzs[i], feats[i]], axis=-1)
        Cin = inp.shape[-1]
        Dp = -(-Cin // 16) * 16
        table = jnp.pad(inp, ((0, 0), (0, 0), (0, Dp - Cin)))
        table = table.reshape(B * N, Dp)
        gidx = jnp.transpose(nidx, (0, 2, 1))
        gidx = (gidx + (jnp.arange(B, dtype=jnp.int32) * N)[:, None, None])
        g = _sc_gather(table, gidx.reshape(-1)).reshape(B, ns, M, Dp)
        nf = _sa2(g, newx, params[nm], min(128, M))
        xyzs.append(newx)
        xyzs_t.append(newx_t)
        feats.append(nf)

    def fp(i, j, name):
        return _fp(xyzs[i], xyzs_t[j], feats[i], feats[j], params[name],
                   min(256, xyzs[i].shape[1]))

    feats[3] = fp(3, 4, 'fp4_3')
    feats[2] = fp(2, 3, 'fp4_2')
    feats[1] = fp(1, 2, 'fp4_1')
    feats[0] = fp(0, 1, 'fp4_0')
    l04 = feats[0]
    out = _head(l04, params)
    return jnp.transpose(out, (0, 2, 1))

# --- scband reference (transcript-rebuilt; emitter-appended) ---
"""Pipeline reference for scband-point-net2-ssgseg-5007931867442 (READ-ONLY COPY).

The authoritative reference and input builder live on the scoring server;
editing this copy changes nothing except your own understanding.
"""

import jax, jax.numpy as jnp
import numpy as np

NPOINTS = [1024, 512, 256, 128]
NSAMPLES = [32, 32, 32, 32]

def sqdist(a, b):
    return jnp.sum(a * a, -1)[:, :, None] + jnp.sum(b * b, -1)[:, None, :] - 2.0 * jnp.einsum('bnc,bmc->bnm', a, b)

def gather_points(x, idx):
    B, _, C = x.shape
    sh = idx.shape
    flat = idx.reshape(B, -1)
    g = jnp.take_along_axis(x, jnp.broadcast_to(flat[:, :, None], (B, flat.shape[1], C)), axis=1)
    return g.reshape(sh + (C,))

def fps(xyz, npoint):
    xyz = jax.lax.stop_gradient(xyz)
    B, N, _ = xyz.shape
    def body(i, st):
        dists, idx, far = st
        idx = idx.at[:, i].set(far)
        cen = jnp.take_along_axis(xyz, jnp.broadcast_to(far[:, None, None], (B, 1, 3)), axis=1)
        d = jnp.sum((xyz - cen) ** 2, -1)
        dists = jnp.minimum(dists, d)
        far = jnp.argmax(dists, -1).astype(jnp.int32)
        return (dists, idx, far)
    st = (jnp.full((B, N), 1e10, jnp.float32), jnp.zeros((B, npoint), jnp.int32), jnp.zeros((B,), jnp.int32))
    _, idx, _ = jax.lax.fori_loop(0, npoint, body, st)
    return idx

def mlp(x, layers):
    for W, b in layers:
        x = jax.nn.relu(x @ W + b)
    return x

def sa_module(xyz, feat, npoint, nsample, layers):
    idx = fps(xyz, npoint)
    new_xyz = gather_points(xyz, idx)
    d = sqdist(jax.lax.stop_gradient(new_xyz), jax.lax.stop_gradient(xyz))
    _, nidx = jax.lax.top_k(-d, nsample)
    gx = gather_points(xyz, nidx) - new_xyz[:, :, None, :]
    gf = gather_points(feat, nidx)
    g = mlp(jnp.concatenate([gx, gf], -1), layers)
    return new_xyz, jnp.max(g, axis=2)

def fp_module(xyz1, xyz2, feat1, feat2, layers):
    d = sqdist(xyz1, xyz2)
    negd, idx = jax.lax.top_k(-d, 3)
    w = 1.0 / (jnp.maximum(-negd, 0.0) + 1e-8)
    w = w / jnp.sum(w, -1, keepdims=True)
    interp = jnp.sum(w[..., None] * gather_points(feat2, idx), axis=2)
    return mlp(jnp.concatenate([feat1, interp], -1), layers)

def forward(pointcloud, params):
    xyz = pointcloud[..., 0:3]
    feat = pointcloud[..., 3:]
    xyzs = [xyz]
    feats = [feat]
    for i, nm in enumerate(['sa1', 'sa2', 'sa3', 'sa4']):
        nx, nf = sa_module(xyzs[i], feats[i], NPOINTS[i], NSAMPLES[i], params[nm])
        xyzs.append(nx)
        feats.append(nf)
    # FP4 branch (note: in the original torch code l_features4/3/2/1 all alias the same list)
    feats[3] = fp_module(xyzs[3], xyzs[4], feats[3], feats[4], params['fp4_3'])
    feats[2] = fp_module(xyzs[2], xyzs[3], feats[2], feats[3], params['fp4_2'])
    feats[1] = fp_module(xyzs[1], xyzs[2], feats[1], feats[2], params['fp4_1'])
    feats[0] = fp_module(xyzs[0], xyzs[1], feats[0], feats[1], params['fp4_0'])
    l04 = feats[0]
    feats[3] = fp_module(xyzs[3], xyzs[4], feats[3], feats[4], params['fp3_2'])
    feats[2] = fp_module(xyzs[2], xyzs[3], feats[2], feats[3], params['fp3_1'])
    feats[1] = fp_module(xyzs[1], xyzs[2], feats[1], feats[2], params['fp3_0'])
    l03 = feats[0]
    feats[3] = fp_module(xyzs[3], xyzs[4], feats[3], feats[4], params['fp2_1'])
    feats[2] = fp_module(xyzs[2], xyzs[3], feats[2], feats[3], params['fp2_0'])
    l02 = feats[0]
    feats[3] = fp_module(xyzs[3], xyzs[4], feats[3], feats[4], params['fp1_0'])
    l01 = feats[0]
    fused = (l04 + l03 + l02 + l01) / 4.0
    Wp, bp = params['fppool']
    fused = jax.nn.relu(fused @ Wp + bp)
    A = jax.nn.softmax(jnp.einsum('bnc,bnd->bcd', fused, fused) / fused.shape[1], axis=-1)
    Wc, bc = params['cgcn']
    f = jax.nn.relu(jnp.einsum('bnc,bcd->bnd', fused, A) @ Wc + bc) + fused
    W1, b1 = params['fc1']
    W2, b2 = params['fc2']
    out = jax.nn.relu(f @ W1 + b1) @ W2 + b2
    return jnp.transpose(out, (0, 2, 1))

def setup_inputs(seed: int = 0):
    key = jax.random.key(seed)
    kp, kw = jax.random.split(key)
    pointcloud = jax.random.normal(kp, (8, 4096, 6), dtype=jnp.float32)
    def mkmlp(k, ds):
        layers = []
        for i in range(len(ds) - 1):
            k, k1 = jax.random.split(k)
            layers.append((jax.random.normal(k1, (ds[i], ds[i + 1]), dtype=jnp.float32) / np.sqrt(ds[i]), jnp.zeros((ds[i + 1],), jnp.float32)))
        return layers
    dims = {'sa1': [6, 32, 32, 64], 'sa2': [67, 64, 64, 128], 'sa3': [131, 128, 128, 256], 'sa4': [259, 256, 256, 512], 'fp4_0': [131, 128, 128, 128], 'fp4_1': [320, 256, 128], 'fp4_2': [384, 256, 256], 'fp4_3': [768, 256, 256], 'fp3_0': [384, 256, 128], 'fp3_1': [512, 256, 256], 'fp3_2': [768, 256, 256], 'fp2_0': [512, 256, 256], 'fp2_1': [768, 256, 256], 'fp1_0': [768, 256, 256]}
    params = {}
    k = kw
    for name, ds in dims.items():
        k, ks = jax.random.split(k)
        params[name] = mkmlp(ks, ds)
    for name, ds in [('fppool', [128, 128]), ('cgcn', [128, 128]), ('fc1', [128, 128]), ('fc2', [128, 13])]:
        k, ks = jax.random.split(k)
        params[name] = mkmlp(ks, ds)[0]
    return {'pointcloud': pointcloud, 'params': params}

def reference(pointcloud, params):
    return forward(pointcloud, params)

if __name__ == "__main__":
    import jax
    _d = setup_inputs()
    print(jax.jit(kernel)(*tuple(_d.values())))

</pallas_src>

<mosaic_0001>
#map = affine_map<(d0, d1) -> (0, 0)>
#map1 = affine_map<(d0, d1) -> (0)>
module attributes {stable_mosaic.version = 14 : i64} {
  func.func @k(%arg0: i32, %arg1: i32, %arg2: memref<32768x16xf32, #tpu.memory_space<hbm>>, %arg3: memref<262144xi32, #tpu.memory_space<hbm>>, %arg4: memref<262144x16xf32, #tpu.memory_space<hbm>>, %arg5: memref<128xi32, #tpu.memory_space<vmem>>, %arg6: memref<128x16xf32, #tpu.memory_space<vmem>>, %arg7: memref<!tpu.dma_semaphore, #tpu.memory_space<semaphore_mem>>) attributes {dimension_semantics = [#tpu.dimension_semantics<core_parallel>, #tpu.dimension_semantics<subcore_parallel>], iteration_bounds = array<i64: 2, 16>, scalar_prefetch = 0 : i64, scratch_operands = 3 : i64, tpu.core_type = #tpu.core_type<sc_vector_subcore>, window_params = [{transform_indices = #map}, {transform_indices = #map1}, {transform_indices = #map}]} {
    %mul3A = arith.constant 2 : i32
    %mul3A_0 = arith.muli %arg1, %mul3A : i32
    %add3A = arith.addi %mul3A_0, %arg0 : i32
    %mul3A_1 = arith.constant 8192 : i32
    %mul3A_2 = arith.muli %add3A, %mul3A_1 : i32
    %scan3A = arith.constant 0 : i32
    %scan3A_3 = arith.constant 0 : i32
    %scan3A_4 = arith.constant 64 : i32
    %scan3A_5 = arith.addi %scan3A_3, %scan3A_4 : i32
    %scan3A_6 = arith.constant 1 : i32
    scf.for %scan3A_8 = %scan3A_3 to %scan3A_5 step %scan3A_6  : i32 {
      %mul3A_9 = arith.constant 128 : i32
      %mul3A_10 = arith.muli %scan3A_8, %mul3A_9 : i32
      %add3A_11 = arith.addi %mul3A_2, %mul3A_10 : i32
      "tpu.region"() ({
        %run_scoped3A = tpu.sem_alloc : memref<!tpu.dma_semaphore, #tpu.memory_space<semaphore_mem>>
        %dma_start3A_16 = tpu.memref_slice %arg3[%add3A_11] : memref<262144xi32, #tpu.memory_space<hbm>> -> memref<128xi32, #tpu.memory_space<hbm>>
        %dma_start3A_17 = tpu.memref_slice %arg3[%add3A_11] : memref<262144xi32, #tpu.memory_space<hbm>> -> memref<128xi32, #tpu.memory_space<hbm>>
        tpu.enqueue_dma source(%dma_start3A_17 : memref<128xi32, #tpu.memory_space<hbm>>) target(%arg5 : memref<128xi32, #tpu.memory_space<vmem>>) target_semaphore(%run_scoped3A : memref<!tpu.dma_semaphore, #tpu.memory_space<semaphore_mem>>)
        %dma_wait3A_18 = tpu.memref_slice %arg3[%add3A_11] : memref<262144xi32, #tpu.memory_space<hbm>> -> memref<128xi32, #tpu.memory_space<hbm>>
        %dma_wait3A_19 = tpu.memref_slice %arg3[%add3A_11] : memref<262144xi32, #tpu.memory_space<hbm>> -> memref<128xi32, #tpu.memory_space<hbm>>
        tpu.wait_dma2 semaphore(%run_scoped3A : memref<!tpu.dma_semaphore, #tpu.memory_space<semaphore_mem>>) src(%dma_wait3A_19 : memref<128xi32, #tpu.memory_space<hbm>>) dst(%arg5 : memref<128xi32, #tpu.memory_space<vmem>>)
        tpu.yield
      }) : () -> ()
      %dma_start3A = arith.constant 0 : i32
      %dma_start3A_12 = arith.constant 0 : i32
      %dma_start3A_13 = tpu.memref_slice %arg2[%dma_start3A, %dma_start3A_12] : memref<32768x16xf32, #tpu.memory_space<hbm>> -> memref<32768x16xf32, #tpu.memory_space<hbm>>
      tpu.enqueue_indirect_dma source(%dma_start3A_13 : memref<32768x16xf32, #tpu.memory_space<hbm>>) target(%arg6 : memref<128x16xf32, #tpu.memory_space<vmem>>) offsets(%arg5 : memref<128xi32, #tpu.memory_space<vmem>>) semaphore(%arg7 : memref<!tpu.dma_semaphore, #tpu.memory_space<semaphore_mem>>)
      %dma_wait3A = arith.constant 0 : i32
      %dma_wait3A_14 = arith.constant 0 : i32
      %dma_wait3A_15 = tpu.memref_slice %arg2[%dma_wait3A, %dma_wait3A_14] : memref<32768x16xf32, #tpu.memory_space<hbm>> -> memref<32768x16xf32, #tpu.memory_space<hbm>>
      tpu.wait_indirect_dma semaphore(%arg7 : memref<!tpu.dma_semaphore, #tpu.memory_space<semaphore_mem>>) src(%dma_wait3A_15 : memref<32768x16xf32, #tpu.memory_space<hbm>>) dst(%arg6 : memref<128x16xf32, #tpu.memory_space<vmem>>)
      "tpu.region"() ({
        %run_scoped3A = tpu.sem_alloc : memref<!tpu.dma_semaphore, #tpu.memory_space<semaphore_mem>>
        %dma_start3A_16 = arith.constant 0 : i32
        %dma_start3A_17 = tpu.memref_slice %arg4[%add3A_11, %dma_start3A_16] : memref<262144x16xf32, #tpu.memory_space<hbm>> -> memref<128x16xf32, #tpu.memory_space<hbm>>
        %dma_start3A_18 = arith.constant 0 : i32
        %dma_start3A_19 = tpu.memref_slice %arg4[%add3A_11, %dma_start3A_18] : memref<262144x16xf32, #tpu.memory_space<hbm>> -> memref<128x16xf32, #tpu.memory_space<hbm>>
        tpu.enqueue_dma source(%arg6 : memref<128x16xf32, #tpu.memory_space<vmem>>) target(%dma_start3A_19 : memref<128x16xf32, #tpu.memory_space<hbm>>) target_semaphore(%run_scoped3A : memref<!tpu.dma_semaphore, #tpu.memory_space<semaphore_mem>>)
        %dma_wait3A_20 = arith.constant 0 : i32
        %dma_wait3A_21 = tpu.memref_slice %arg4[%add3A_11, %dma_wait3A_20] : memref<262144x16xf32, #tpu.memory_space<hbm>> -> memref<128x16xf32, #tpu.memory_space<hbm>>
        %dma_wait3A_22 = arith.constant 0 : i32
        %dma_wait3A_23 = tpu.memref_slice %arg4[%add3A_11, %dma_wait3A_22] : memref<262144x16xf32, #tpu.memory_space<hbm>> -> memref<128x16xf32, #tpu.memory_space<hbm>>
        tpu.wait_dma2 semaphore(%run_scoped3A : memref<!tpu.dma_semaphore, #tpu.memory_space<semaphore_mem>>) src(%arg6 : memref<128x16xf32, #tpu.memory_space<vmem>>) dst(%dma_wait3A_23 : memref<128x16xf32, #tpu.memory_space<hbm>>)
        tpu.yield
      }) : () -> ()
    }
    %scan3A_7 = arith.constant 64 : i32
    return
  }
}

#map = affine_map<(d0, d1) -> (0, 0)>
#map1 = affine_map<(d0, d1) -> (0)>
module attributes {stable_mosaic.version = 14 : i64} {
  func.func @k(%arg0: i32, %arg1: i32, %arg2: memref<4096x144xf32, #tpu.memory_space<hbm>>, %arg3: memref<65536xi32, #tpu.memory_space<hbm>>, %arg4: memref<65536x144xf32, #tpu.memory_space<hbm>>, %arg5: memref<128xi32, #tpu.memory_space<vmem>>, %arg6: memref<128x144xf32, #tpu.memory_space<vmem>>, %arg7: memref<!tpu.dma_semaphore, #tpu.memory_space<semaphore_mem>>) attributes {dimension_semantics = [#tpu.dimension_semantics<core_parallel>, #tpu.dimension_semantics<subcore_parallel>], iteration_bounds = array<i64: 2, 16>, scalar_prefetch = 0 : i64, scratch_operands = 3 : i64, tpu.core_type = #tpu.core_type<sc_vector_subcore>, window_params = [{transform_indices = #map}, {transform_indices = #map1}, {transform_indices = #map}]} {
    %mul3A = arith.constant 2 : i32
    %mul3A_0 = arith.muli %arg1, %mul3A : i32
    %add3A = arith.addi %mul3A_0, %arg0 : i32
    %mul3A_1 = arith.constant 2048 : i32
    %mul3A_2 = arith.muli %add3A, %mul3A_1 : i32
    %scan3A = arith.constant 0 : i32
    %scan3A_3 = arith.constant 0 : i32
    %scan3A_4 = arith.constant 16 : i32
    %scan3A_5 = arith.addi %scan3A_3, %scan3A_4 : i32
    %scan3A_6 = arith.constant 1 : i32
    scf.for %scan3A_8 = %scan3A_3 to %scan3A_5 step %scan3A_6  : i32 {
      %mul3A_9 = arith.constant 128 : i32
      %mul3A_10 = arith.muli %scan3A_8, %mul3A_9 : i32
      %add3A_11 = arith.addi %mul3A_2, %mul3A_10 : i32
      "tpu.region"() ({
        %run_scoped3A = tpu.sem_alloc : memref<!tpu.dma_semaphore, #tpu.memory_space<semaphore_mem>>
        %dma_start3A_16 = tpu.memref_slice %arg3[%add3A_11] : memref<65536xi32, #tpu.memory_space<hbm>> -> memref<128xi32, #tpu.memory_space<hbm>>
        %dma_start3A_17 = tpu.memref_slice %arg3[%add3A_11] : memref<65536xi32, #tpu.memory_space<hbm>> -> memref<128xi32, #tpu.memory_space<hbm>>
        tpu.enqueue_dma source(%dma_start3A_17 : memref<128xi32, #tpu.memory_space<hbm>>) target(%arg5 : memref<128xi32, #tpu.memory_space<vmem>>) target_semaphore(%run_scoped3A : memref<!tpu.dma_semaphore, #tpu.memory_space<semaphore_mem>>)
        %dma_wait3A_18 = tpu.memref_slice %arg3[%add3A_11] : memref<65536xi32, #tpu.memory_space<hbm>> -> memref<128xi32, #tpu.memory_space<hbm>>
        %dma_wait3A_19 = tpu.memref_slice %arg3[%add3A_11] : memref<65536xi32, #tpu.memory_space<hbm>> -> memref<128xi32, #tpu.memory_space<hbm>>
        tpu.wait_dma2 semaphore(%run_scoped3A : memref<!tpu.dma_semaphore, #tpu.memory_space<semaphore_mem>>) src(%dma_wait3A_19 : memref<128xi32, #tpu.memory_space<hbm>>) dst(%arg5 : memref<128xi32, #tpu.memory_space<vmem>>)
        tpu.yield
      }) : () -> ()
      %dma_start3A = arith.constant 0 : i32
      %dma_start3A_12 = arith.constant 0 : i32
      %dma_start3A_13 = tpu.memref_slice %arg2[%dma_start3A, %dma_start3A_12] : memref<4096x144xf32, #tpu.memory_space<hbm>> -> memref<4096x144xf32, #tpu.memory_space<hbm>>
      tpu.enqueue_indirect_dma source(%dma_start3A_13 : memref<4096x144xf32, #tpu.memory_space<hbm>>) target(%arg6 : memref<128x144xf32, #tpu.memory_space<vmem>>) offsets(%arg5 : memref<128xi32, #tpu.memory_space<vmem>>) semaphore(%arg7 : memref<!tpu.dma_semaphore, #tpu.memory_space<semaphore_mem>>)
      %dma_wait3A = arith.constant 0 : i32
      %dma_wait3A_14 = arith.constant 0 : i32
      %dma_wait3A_15 = tpu.memref_slice %arg2[%dma_wait3A, %dma_wait3A_14] : memref<4096x144xf32, #tpu.memory_space<hbm>> -> memref<4096x144xf32, #tpu.memory_space<hbm>>
      tpu.wait_indirect_dma semaphore(%arg7 : memref<!tpu.dma_semaphore, #tpu.memory_space<semaphore_mem>>) src(%dma_wait3A_15 : memref<4096x144xf32, #tpu.memory_space<hbm>>) dst(%arg6 : memref<128x144xf32, #tpu.memory_space<vmem>>)
      "tpu.region"() ({
        %run_scoped3A = tpu.sem_alloc : memref<!tpu.dma_semaphore, #tpu.memory_space<semaphore_mem>>
        %dma_start3A_16 = arith.constant 0 : i32
        %dma_start3A_17 = tpu.memref_slice %arg4[%add3A_11, %dma_start3A_16] : memref<65536x144xf32, #tpu.memory_space<hbm>> -> memref<128x144xf32, #tpu.memory_space<hbm>>
        %dma_start3A_18 = arith.constant 0 : i32
        %dma_start3A_19 = tpu.memref_slice %arg4[%add3A_11, %dma_start3A_18] : memref<65536x144xf32, #tpu.memory_space<hbm>> -> memref<128x144xf32, #tpu.memory_space<hbm>>
        tpu.enqueue_dma source(%arg6 : memref<128x144xf32, #tpu.memory_space<vmem>>) target(%dma_start3A_19 : memref<128x144xf32, #tpu.memory_space<hbm>>) target_semaphore(%run_scoped3A : memref<!tpu.dma_semaphore, #tpu.memory_space<semaphore_mem>>)
        %dma_wait3A_20 = arith.constant 0 : i32
        %dma_wait3A_21 = tpu.memref_slice %arg4[%add3A_11, %dma_wait3A_20] : memref<65536x144xf32, #tpu.memory_space<hbm>> -> memref<128x144xf32, #tpu.memory_space<hbm>>
        %dma_wait3A_22 = arith.constant 0 : i32
        %dma_wait3A_23 = tpu.memref_slice %arg4[%add3A_11, %dma_wait3A_22] : memref<65536x144xf32, #tpu.memory_space<hbm>> -> memref<128x144xf32, #tpu.memory_space<hbm>>
        tpu.wait_dma2 semaphore(%run_scoped3A : memref<!tpu.dma_semaphore, #tpu.memory_space<semaphore_mem>>) src(%arg6 : memref<128x144xf32, #tpu.memory_space<vmem>>) dst(%dma_wait3A_23 : memref<128x144xf32, #tpu.memory_space<hbm>>)
        tpu.yield
      }) : () -> ()
    }
    %scan3A_7 = arith.constant 16 : i32
    return
  }
}

#map = affine_map<(d0, d1) -> (0, 0)>
#map1 = affine_map<(d0, d1) -> (0)>
module attributes {stable_mosaic.version = 14 : i64} {
  func.func @k(%arg0: i32, %arg1: i32, %arg2: memref<2048x272xf32, #tpu.memory_space<hbm>>, %arg3: memref<32768xi32, #tpu.memory_space<hbm>>, %arg4: memref<32768x272xf32, #tpu.memory_space<hbm>>, %arg5: memref<128xi32, #tpu.memory_space<vmem>>, %arg6: memref<128x272xf32, #tpu.memory_space<vmem>>, %arg7: memref<!tpu.dma_semaphore, #tpu.memory_space<semaphore_mem>>) attributes {dimension_semantics = [#tpu.dimension_semantics<core_parallel>, #tpu.dimension_semantics<subcore_parallel>], iteration_bounds = array<i64: 2, 16>, scalar_prefetch = 0 : i64, scratch_operands = 3 : i64, tpu.core_type = #tpu.core_type<sc_vector_subcore>, window_params = [{transform_indices = #map}, {transform_indices = #map1}, {transform_indices = #map}]} {
    %mul3A = arith.constant 2 : i32
    %mul3A_0 = arith.muli %arg1, %mul3A : i32
    %add3A = arith.addi %mul3A_0, %arg0 : i32
    %mul3A_1 = arith.constant 1024 : i32
    %mul3A_2 = arith.muli %add3A, %mul3A_1 : i32
    %scan3A = arith.constant 0 : i32
    %scan3A_3 = arith.constant 0 : i32
    %scan3A_4 = arith.constant 8 : i32
    %scan3A_5 = arith.addi %scan3A_3, %scan3A_4 : i32
    %scan3A_6 = arith.constant 1 : i32
    scf.for %scan3A_8 = %scan3A_3 to %scan3A_5 step %scan3A_6  : i32 {
      %mul3A_9 = arith.constant 128 : i32
      %mul3A_10 = arith.muli %scan3A_8, %mul3A_9 : i32
      %add3A_11 = arith.addi %mul3A_2, %mul3A_10 : i32
      "tpu.region"() ({
        %run_scoped3A = tpu.sem_alloc : memref<!tpu.dma_semaphore, #tpu.memory_space<semaphore_mem>>
        %dma_start3A_16 = tpu.memref_slice %arg3[%add3A_11] : memref<32768xi32, #tpu.memory_space<hbm>> -> memref<128xi32, #tpu.memory_space<hbm>>
        %dma_start3A_17 = tpu.memref_slice %arg3[%add3A_11] : memref<32768xi32, #tpu.memory_space<hbm>> -> memref<128xi32, #tpu.memory_space<hbm>>
        tpu.enqueue_dma source(%dma_start3A_17 : memref<128xi32, #tpu.memory_space<hbm>>) target(%arg5 : memref<128xi32, #tpu.memory_space<vmem>>) target_semaphore(%run_scoped3A : memref<!tpu.dma_semaphore, #tpu.memory_space<semaphore_mem>>)
        %dma_wait3A_18 = tpu.memref_slice %arg3[%add3A_11] : memref<32768xi32, #tpu.memory_space<hbm>> -> memref<128xi32, #tpu.memory_space<hbm>>
        %dma_wait3A_19 = tpu.memref_slice %arg3[%add3A_11] : memref<32768xi32, #tpu.memory_space<hbm>> -> memref<128xi32, #tpu.memory_space<hbm>>
        tpu.wait_dma2 semaphore(%run_scoped3A : memref<!tpu.dma_semaphore, #tpu.memory_space<semaphore_mem>>) src(%dma_wait3A_19 : memref<128xi32, #tpu.memory_space<hbm>>) dst(%arg5 : memref<128xi32, #tpu.memory_space<vmem>>)
        tpu.yield
      }) : () -> ()
      %dma_start3A = arith.constant 0 : i32
      %dma_start3A_12 = arith.constant 0 : i32
      %dma_start3A_13 = tpu.memref_slice %arg2[%dma_start3A, %dma_start3A_12] : memref<2048x272xf32, #tpu.memory_space<hbm>> -> memref<2048x272xf32, #tpu.memory_space<hbm>>
      tpu.enqueue_indirect_dma source(%dma_start3A_13 : memref<2048x272xf32, #tpu.memory_space<hbm>>) target(%arg6 : memref<128x272xf32, #tpu.memory_space<vmem>>) offsets(%arg5 : memref<128xi32, #tpu.memory_space<vmem>>) semaphore(%arg7 : memref<!tpu.dma_semaphore, #tpu.memory_space<semaphore_mem>>)
      %dma_wait3A = arith.constant 0 : i32
      %dma_wait3A_14 = arith.constant 0 : i32
      %dma_wait3A_15 = tpu.memref_slice %arg2[%dma_wait3A, %dma_wait3A_14] : memref<2048x272xf32, #tpu.memory_space<hbm>> -> memref<2048x272xf32, #tpu.memory_space<hbm>>
      tpu.wait_indirect_dma semaphore(%arg7 : memref<!tpu.dma_semaphore, #tpu.memory_space<semaphore_mem>>) src(%dma_wait3A_15 : memref<2048x272xf32, #tpu.memory_space<hbm>>) dst(%arg6 : memref<128x272xf32, #tpu.memory_space<vmem>>)
      "tpu.region"() ({
        %run_scoped3A = tpu.sem_alloc : memref<!tpu.dma_semaphore, #tpu.memory_space<semaphore_mem>>
        %dma_start3A_16 = arith.constant 0 : i32
        %dma_start3A_17 = tpu.memref_slice %arg4[%add3A_11, %dma_start3A_16] : memref<32768x272xf32, #tpu.memory_space<hbm>> -> memref<128x272xf32, #tpu.memory_space<hbm>>
        %dma_start3A_18 = arith.constant 0 : i32
        %dma_start3A_19 = tpu.memref_slice %arg4[%add3A_11, %dma_start3A_18] : memref<32768x272xf32, #tpu.memory_space<hbm>> -> memref<128x272xf32, #tpu.memory_space<hbm>>
        tpu.enqueue_dma source(%arg6 : memref<128x272xf32, #tpu.memory_space<vmem>>) target(%dma_start3A_19 : memref<128x272xf32, #tpu.memory_space<hbm>>) target_semaphore(%run_scoped3A : memref<!tpu.dma_semaphore, #tpu.memory_space<semaphore_mem>>)
        %dma_wait3A_20 = arith.constant 0 : i32
        %dma_wait3A_21 = tpu.memref_slice %arg4[%add3A_11, %dma_wait3A_20] : memref<32768x272xf32, #tpu.memory_space<hbm>> -> memref<128x272xf32, #tpu.memory_space<hbm>>
        %dma_wait3A_22 = arith.constant 0 : i32
        %dma_wait3A_23 = tpu.memref_slice %arg4[%add3A_11, %dma_wait3A_22] : memref<32768x272xf32, #tpu.memory_space<hbm>> -> memref<128x272xf32, #tpu.memory_space<hbm>>
        tpu.wait_dma2 semaphore(%run_scoped3A : memref<!tpu.dma_semaphore, #tpu.memory_space<semaphore_mem>>) src(%arg6 : memref<128x272xf32, #tpu.memory_space<vmem>>) dst(%dma_wait3A_23 : memref<128x272xf32, #tpu.memory_space<hbm>>)
        tpu.yield
      }) : () -> ()
    }
    %scan3A_7 = arith.constant 8 : i32
    return
  }
}

#map = affine_map<(d0, d1) -> (0, 0)>
#map1 = affine_map<(d0, d1) -> (0)>
module attributes {stable_mosaic.version = 14 : i64} {
  func.func @k(%arg0: i32, %arg1: i32, %arg2: memref<8192x80xf32, #tpu.memory_space<hbm>>, %arg3: memref<131072xi32, #tpu.memory_space<hbm>>, %arg4: memref<131072x80xf32, #tpu.memory_space<hbm>>, %arg5: memref<128xi32, #tpu.memory_space<vmem>>, %arg6: memref<128x80xf32, #tpu.memory_space<vmem>>, %arg7: memref<!tpu.dma_semaphore, #tpu.memory_space<semaphore_mem>>) attributes {dimension_semantics = [#tpu.dimension_semantics<core_parallel>, #tpu.dimension_semantics<subcore_parallel>], iteration_bounds = array<i64: 2, 16>, scalar_prefetch = 0 : i64, scratch_operands = 3 : i64, tpu.core_type = #tpu.core_type<sc_vector_subcore>, window_params = [{transform_indices = #map}, {transform_indices = #map1}, {transform_indices = #map}]} {
    %mul3A = arith.constant 2 : i32
    %mul3A_0 = arith.muli %arg1, %mul3A : i32
    %add3A = arith.addi %mul3A_0, %arg0 : i32
    %mul3A_1 = arith.constant 4096 : i32
    %mul3A_2 = arith.muli %add3A, %mul3A_1 : i32
    %scan3A = arith.constant 0 : i32
    %scan3A_3 = arith.constant 0 : i32
    %scan3A_4 = arith.constant 32 : i32
    %scan3A_5 = arith.addi %scan3A_3, %scan3A_4 : i32
    %scan3A_6 = arith.constant 1 : i32
    scf.for %scan3A_8 = %scan3A_3 to %scan3A_5 step %scan3A_6  : i32 {
      %mul3A_9 = arith.constant 128 : i32
      %mul3A_10 = arith.muli %scan3A_8, %mul3A_9 : i32
      %add3A_11 = arith.addi %mul3A_2, %mul3A_10 : i32
      "tpu.region"() ({
        %run_scoped3A = tpu.sem_alloc : memref<!tpu.dma_semaphore, #tpu.memory_space<semaphore_mem>>
        %dma_start3A_16 = tpu.memref_slice %arg3[%add3A_11] : memref<131072xi32, #tpu.memory_space<hbm>> -> memref<128xi32, #tpu.memory_space<hbm>>
        %dma_start3A_17 = tpu.memref_slice %arg3[%add3A_11] : memref<131072xi32, #tpu.memory_space<hbm>> -> memref<128xi32, #tpu.memory_space<hbm>>
        tpu.enqueue_dma source(%dma_start3A_17 : memref<128xi32, #tpu.memory_space<hbm>>) target(%arg5 : memref<128xi32, #tpu.memory_space<vmem>>) target_semaphore(%run_scoped3A : memref<!tpu.dma_semaphore, #tpu.memory_space<semaphore_mem>>)
        %dma_wait3A_18 = tpu.memref_slice %arg3[%add3A_11] : memref<131072xi32, #tpu.memory_space<hbm>> -> memref<128xi32, #tpu.memory_space<hbm>>
        %dma_wait3A_19 = tpu.memref_slice %arg3[%add3A_11] : memref<131072xi32, #tpu.memory_space<hbm>> -> memref<128xi32, #tpu.memory_space<hbm>>
        tpu.wait_dma2 semaphore(%run_scoped3A : memref<!tpu.dma_semaphore, #tpu.memory_space<semaphore_mem>>) src(%dma_wait3A_19 : memref<128xi32, #tpu.memory_space<hbm>>) dst(%arg5 : memref<128xi32, #tpu.memory_space<vmem>>)
        tpu.yield
      }) : () -> ()
      %dma_start3A = arith.constant 0 : i32
      %dma_start3A_12 = arith.constant 0 : i32
      %dma_start3A_13 = tpu.memref_slice %arg2[%dma_start3A, %dma_start3A_12] : memref<8192x80xf32, #tpu.memory_space<hbm>> -> memref<8192x80xf32, #tpu.memory_space<hbm>>
      tpu.enqueue_indirect_dma source(%dma_start3A_13 : memref<8192x80xf32, #tpu.memory_space<hbm>>) target(%arg6 : memref<128x80xf32, #tpu.memory_space<vmem>>) offsets(%arg5 : memref<128xi32, #tpu.memory_space<vmem>>) semaphore(%arg7 : memref<!tpu.dma_semaphore, #tpu.memory_space<semaphore_mem>>)
      %dma_wait3A = arith.constant 0 : i32
      %dma_wait3A_14 = arith.constant 0 : i32
      %dma_wait3A_15 = tpu.memref_slice %arg2[%dma_wait3A, %dma_wait3A_14] : memref<8192x80xf32, #tpu.memory_space<hbm>> -> memref<8192x80xf32, #tpu.memory_space<hbm>>
      tpu.wait_indirect_dma semaphore(%arg7 : memref<!tpu.dma_semaphore, #tpu.memory_space<semaphore_mem>>) src(%dma_wait3A_15 : memref<8192x80xf32, #tpu.memory_space<hbm>>) dst(%arg6 : memref<128x80xf32, #tpu.memory_space<vmem>>)
      "tpu.region"() ({
        %run_scoped3A = tpu.sem_alloc : memref<!tpu.dma_semaphore, #tpu.memory_space<semaphore_mem>>
        %dma_start3A_16 = arith.constant 0 : i32
        %dma_start3A_17 = tpu.memref_slice %arg4[%add3A_11, %dma_start3A_16] : memref<131072x80xf32, #tpu.memory_space<hbm>> -> memref<128x80xf32, #tpu.memory_space<hbm>>
        %dma_start3A_18 = arith.constant 0 : i32
        %dma_start3A_19 = tpu.memref_slice %arg4[%add3A_11, %dma_start3A_18] : memref<131072x80xf32, #tpu.memory_space<hbm>> -> memref<128x80xf32, #tpu.memory_space<hbm>>
        tpu.enqueue_dma source(%arg6 : memref<128x80xf32, #tpu.memory_space<vmem>>) target(%dma_start3A_19 : memref<128x80xf32, #tpu.memory_space<hbm>>) target_semaphore(%run_scoped3A : memref<!tpu.dma_semaphore, #tpu.memory_space<semaphore_mem>>)
        %dma_wait3A_20 = arith.constant 0 : i32
        %dma_wait3A_21 = tpu.memref_slice %arg4[%add3A_11, %dma_wait3A_20] : memref<131072x80xf32, #tpu.memory_space<hbm>> -> memref<128x80xf32, #tpu.memory_space<hbm>>
        %dma_wait3A_22 = arith.constant 0 : i32
        %dma_wait3A_23 = tpu.memref_slice %arg4[%add3A_11, %dma_wait3A_22] : memref<131072x80xf32, #tpu.memory_space<hbm>> -> memref<128x80xf32, #tpu.memory_space<hbm>>
        tpu.wait_dma2 semaphore(%run_scoped3A : memref<!tpu.dma_semaphore, #tpu.memory_space<semaphore_mem>>) src(%arg6 : memref<128x80xf32, #tpu.memory_space<vmem>>) dst(%dma_wait3A_23 : memref<128x80xf32, #tpu.memory_space<hbm>>)
        tpu.yield
      }) : () -> ()
    }
    %scan3A_7 = arith.constant 32 : i32
    return
  }
}

module attributes {stable_mosaic.version = 14 : i64} {
  func.func @_fps_body(%arg0: memref<3x8x4096xf32, #tpu.memory_space<vmem>>, %arg1: memref<3x8x1024xf32, #tpu.memory_space<vmem>>) attributes {dimension_semantics = [], scalar_prefetch = 0 : i64, scratch_operands = 0 : i64, tpu.core_type = #tpu.core_type<tc>} {
    %get3A = arith.constant 0 : index
    %get3A_0 = arith.constant 0 : index
    %get3A_1 = arith.constant 0 : index
    %get3A_2 = vector.load %arg0[%get3A, %get3A_0, %get3A_1] : memref<3x8x4096xf32, #tpu.memory_space<vmem>>, vector<1x8x4096xf32>
    %get3A_3 = vector.shape_cast %get3A_2 : vector<1x8x4096xf32> to vector<8x4096xf32>
    %get3A_4 = arith.constant 1 : index
    %get3A_5 = arith.constant 0 : index
    %get3A_6 = arith.constant 0 : index
    %get3A_7 = vector.load %arg0[%get3A_4, %get3A_5, %get3A_6] : memref<3x8x4096xf32, #tpu.memory_space<vmem>>, vector<1x8x4096xf32>
    %get3A_8 = vector.shape_cast %get3A_7 : vector<1x8x4096xf32> to vector<8x4096xf32>
    %get3A_9 = arith.constant 2 : index
    %get3A_10 = arith.constant 0 : index
    %get3A_11 = arith.constant 0 : index
    %get3A_12 = vector.load %arg0[%get3A_9, %get3A_10, %get3A_11] : memref<3x8x4096xf32, #tpu.memory_space<vmem>>, vector<1x8x4096xf32>
    %get3A_13 = vector.shape_cast %get3A_12 : vector<1x8x4096xf32> to vector<8x4096xf32>
    %iota3A = tpu.iota {dimensions = array<i32: 1>} : vector<8x4096xi32>
    %iota3A_14 = tpu.iota {dimensions = array<i32: 1>} : vector<8x1024xi32>
    %broadcast_in_dim3A = arith.constant 1.000000e+10 : f32
    %broadcast_in_dim3A_15 = vector.broadcast %broadcast_in_dim3A : f32 to vector<8x4096xf32>
    %broadcast_in_dim3A_16 = arith.constant 0 : i32
    %broadcast_in_dim3A_17 = vector.broadcast %broadcast_in_dim3A_16 : i32 to vector<8x1xi32>
    %broadcast_in_dim3A_18 = arith.constant 0.000000e+00 : f32
    %broadcast_in_dim3A_19 = vector.broadcast %broadcast_in_dim3A_18 : f32 to vector<8x1024xf32>
    %broadcast_in_dim3A_20 = arith.constant 0.000000e+00 : f32
    %broadcast_in_dim3A_21 = vector.broadcast %broadcast_in_dim3A_20 : f32 to vector<8x1024xf32>
    %broadcast_in_dim3A_22 = arith.constant 0.000000e+00 : f32
    %broadcast_in_dim3A_23 = vector.broadcast %broadcast_in_dim3A_22 : f32 to vector<8x1024xf32>
    %scan3A = arith.constant 0 : i32
    %scan3A_24 = arith.constant 1024 : i32
    %scan3A_25 = arith.addi %scan3A, %scan3A_24 : i32
    %scan3A_26 = arith.constant 1 : i32
    %scan3A_27:5 = scf.for %scan3A_46 = %scan3A to %scan3A_25 step %scan3A_26 iter_args(%scan3A_47 = %broadcast_in_dim3A_15, %scan3A_48 = %broadcast_in_dim3A_17, %scan3A_49 = %broadcast_in_dim3A_19, %scan3A_50 = %broadcast_in_dim3A_21, %scan3A_51 = %broadcast_in_dim3A_23) -> (vector<8x4096xf32>, vector<8x1xi32>, vector<8x1024xf32>, vector<8x1024xf32>, vector<8x1024xf32>)  : i32 {
      %eq3A = vector.broadcast %scan3A_48 : vector<8x1xi32> to vector<8x4096xi32>
      %eq3A_52 = arith.cmpi eq, %iota3A, %eq3A : vector<8x4096xi32>
      %jit3A = arith.constant 0.000000e+00 : f32
      %broadcast_in_dim3A_53 = vector.broadcast %jit3A : f32 to vector<8x4096xf32>
      %select_n3A = arith.select %eq3A_52, %get3A_3, %broadcast_in_dim3A_53 : vector<8x4096xi1>, vector<8x4096xf32>
      %reduce_sum3A = arith.constant dense<0.000000e+00> : vector<8xf32>
      %reduce_sum3A_54 = vector.multi_reduction <add>, %select_n3A, %reduce_sum3A [1] : vector<8x4096xf32> to vector<8xf32>
      %broadcast_in_dim3A_55 = vector.shape_cast %reduce_sum3A_54 : vector<8xf32> to vector<8x1xf32>
      %jit3A_56 = arith.constant 0.000000e+00 : f32
      %broadcast_in_dim3A_57 = vector.broadcast %jit3A_56 : f32 to vector<8x4096xf32>
      %select_n3A_58 = arith.select %eq3A_52, %get3A_8, %broadcast_in_dim3A_57 : vector<8x4096xi1>, vector<8x4096xf32>
      %reduce_sum3A_59 = arith.constant dense<0.000000e+00> : vector<8xf32>
      %reduce_sum3A_60 = vector.multi_reduction <add>, %select_n3A_58, %reduce_sum3A_59 [1] : vector<8x4096xf32> to vector<8xf32>
      %broadcast_in_dim3A_61 = vector.shape_cast %reduce_sum3A_60 : vector<8xf32> to vector<8x1xf32>
      %jit3A_62 = arith.constant 0.000000e+00 : f32
      %broadcast_in_dim3A_63 = vector.broadcast %jit3A_62 : f32 to vector<8x4096xf32>
      %select_n3A_64 = arith.select %eq3A_52, %get3A_13, %broadcast_in_dim3A_63 : vector<8x4096xi1>, vector<8x4096xf32>
      %reduce_sum3A_65 = arith.constant dense<0.000000e+00> : vector<8xf32>
      %reduce_sum3A_66 = vector.multi_reduction <add>, %select_n3A_64, %reduce_sum3A_65 [1] : vector<8x4096xf32> to vector<8xf32>
      %broadcast_in_dim3A_67 = vector.shape_cast %reduce_sum3A_66 : vector<8xf32> to vector<8x1xf32>
      %eq3A_68 = vector.broadcast %scan3A_46 : i32 to vector<8x1024xi32>
      %eq3A_69 = arith.cmpi eq, %iota3A_14, %eq3A_68 : vector<8x1024xi32>
      %broadcast_in_dim3A_70 = vector.shape_cast %broadcast_in_dim3A_55 : vector<8x1xf32> to vector<8x1xf32>
      %broadcast_in_dim3A_71 = vector.broadcast %broadcast_in_dim3A_70 : vector<8x1xf32> to vector<8x1024xf32>
      %select_n3A_72 = arith.select %eq3A_69, %broadcast_in_dim3A_71, %scan3A_49 : vector<8x1024xi1>, vector<8x1024xf32>
      %broadcast_in_dim3A_73 = vector.shape_cast %broadcast_in_dim3A_61 : vector<8x1xf32> to vector<8x1xf32>
      %broadcast_in_dim3A_74 = vector.broadcast %broadcast_in_dim3A_73 : vector<8x1xf32> to vector<8x1024xf32>
      %select_n3A_75 = arith.select %eq3A_69, %broadcast_in_dim3A_74, %scan3A_50 : vector<8x1024xi1>, vector<8x1024xf32>
      %broadcast_in_dim3A_76 = vector.shape_cast %broadcast_in_dim3A_67 : vector<8x1xf32> to vector<8x1xf32>
      %broadcast_in_dim3A_77 = vector.broadcast %broadcast_in_dim3A_76 : vector<8x1xf32> to vector<8x1024xf32>
      %select_n3A_78 = arith.select %eq3A_69, %broadcast_in_dim3A_77, %scan3A_51 : vector<8x1024xi1>, vector<8x1024xf32>
      %sub3A = vector.broadcast %broadcast_in_dim3A_55 : vector<8x1xf32> to vector<8x4096xf32>
      %sub3A_79 = arith.subf %get3A_3, %sub3A : vector<8x4096xf32>
      %sub3A_80 = vector.broadcast %broadcast_in_dim3A_61 : vector<8x1xf32> to vector<8x4096xf32>
      %sub3A_81 = arith.subf %get3A_8, %sub3A_80 : vector<8x4096xf32>
      %sub3A_82 = vector.broadcast %broadcast_in_dim3A_67 : vector<8x1xf32> to vector<8x4096xf32>
      %sub3A_83 = arith.subf %get3A_13, %sub3A_82 : vector<8x4096xf32>
      %mul3A = arith.mulf %sub3A_79, %sub3A_79 : vector<8x4096xf32>
      %mul3A_84 = arith.mulf %sub3A_81, %sub3A_81 : vector<8x4096xf32>
      %add3A = arith.addf %mul3A, %mul3A_84 : vector<8x4096xf32>
      %mul3A_85 = arith.mulf %sub3A_83, %sub3A_83 : vector<8x4096xf32>
      %add3A_86 = arith.addf %add3A, %mul3A_85 : vector<8x4096xf32>
      %min3A = arith.minimumf %scan3A_47, %add3A_86 : vector<8x4096xf32>
      %reduce_max3A = arith.constant dense<0xFF800000> : vector<8xf32>
      %reduce_max3A_87 = vector.multi_reduction <maximumf>, %min3A, %reduce_max3A [1] : vector<8x4096xf32> to vector<8xf32>
      %broadcast_in_dim3A_88 = vector.shape_cast %reduce_max3A_87 : vector<8xf32> to vector<8x1xf32>
      %eq3A_89 = vector.broadcast %broadcast_in_dim3A_88 : vector<8x1xf32> to vector<8x4096xf32>
      %eq3A_90 = arith.cmpf oeq, %min3A, %eq3A_89 : vector<8x4096xf32>
      %jit3A_91 = arith.constant 4096 : i32
      %broadcast_in_dim3A_92 = vector.broadcast %jit3A_91 : i32 to vector<8x4096xi32>
      %select_n3A_93 = arith.select %eq3A_90, %iota3A, %broadcast_in_dim3A_92 : vector<8x4096xi1>, vector<8x4096xi32>
      %reduce_min3A = arith.constant dense<2147483647> : vector<8xi32>
      %reduce_min3A_94 = vector.multi_reduction <minsi>, %select_n3A_93, %reduce_min3A [1] : vector<8x4096xi32> to vector<8xi32>
      %broadcast_in_dim3A_95 = vector.shape_cast %reduce_min3A_94 : vector<8xi32> to vector<8x1xi32>
      scf.yield %min3A, %broadcast_in_dim3A_95, %select_n3A_72, %select_n3A_75, %select_n3A_78 : vector<8x4096xf32>, vector<8x1xi32>, vector<8x1024xf32>, vector<8x1024xf32>, vector<8x1024xf32>
    }
    %scan3A_28 = arith.constant 1024 : i32
    %swap3A = arith.constant 0 : index
    %swap3A_29 = arith.constant 0 : index
    %swap3A_30 = arith.constant 0 : index
    %swap3A_31 = vector.load %arg1[%swap3A, %swap3A_29, %swap3A_30] : memref<3x8x1024xf32, #tpu.memory_space<vmem>>, vector<1x8x1024xf32>
    %swap3A_32 = vector.shape_cast %swap3A_31 : vector<1x8x1024xf32> to vector<8x1024xf32>
    %swap3A_33 = vector.shape_cast %scan3A_27#2 : vector<8x1024xf32> to vector<1x8x1024xf32>
    tpu.vector_store %arg1[%swap3A, %swap3A_29, %swap3A_30], %swap3A_33 {strides = array<i32>} : memref<3x8x1024xf32, #tpu.memory_space<vmem>>, vector<1x8x1024xf32>,
    %swap3A_34 = arith.constant 1 : index
    %swap3A_35 = arith.constant 0 : index
    %swap3A_36 = arith.constant 0 : index
    %swap3A_37 = vector.load %arg1[%swap3A_34, %swap3A_35, %swap3A_36] : memref<3x8x1024xf32, #tpu.memory_space<vmem>>, vector<1x8x1024xf32>
    %swap3A_38 = vector.shape_cast %swap3A_37 : vector<1x8x1024xf32> to vector<8x1024xf32>
    %swap3A_39 = vector.shape_cast %scan3A_27#3 : vector<8x1024xf32> to vector<1x8x1024xf32>
    tpu.vector_store %arg1[%swap3A_34, %swap3A_35, %swap3A_36], %swap3A_39 {strides = array<i32>} : memref<3x8x1024xf32, #tpu.memory_space<vmem>>, vector<1x8x1024xf32>,
    %swap3A_40 = arith.constant 2 : index
    %swap3A_41 = arith.constant 0 : index
    %swap3A_42 = arith.constant 0 : index
    %swap3A_43 = vector.load %arg1[%swap3A_40, %swap3A_41, %swap3A_42] : memref<3x8x1024xf32, #tpu.memory_space<vmem>>, vector<1x8x1024xf32>
    %swap3A_44 = vector.shape_cast %swap3A_43 : vector<1x8x1024xf32> to vector<8x1024xf32>
    %swap3A_45 = vector.shape_cast %scan3A_27#4 : vector<8x1024xf32> to vector<1x8x1024xf32>
    tpu.vector_store %arg1[%swap3A_40, %swap3A_41, %swap3A_42], %swap3A_45 {strides = array<i32>} : memref<3x8x1024xf32, #tpu.memory_space<vmem>>, vector<1x8x1024xf32>,
    return
  }
}

module attributes {stable_mosaic.version = 14 : i64} {
  func.func @_knn_body(%arg0: i32, %arg1: i32, %arg2: memref<1x512x3xf32, #tpu.memory_space<vmem>>, %arg3: memref<3x1x1x4096xf32, #tpu.memory_space<vmem>>, %arg4: memref<1x512x32xi32, #tpu.memory_space<vmem>>, %arg5: memref<512x4096xf32, #tpu.memory_space<vmem>>) attributes {dimension_semantics = [#tpu.dimension_semantics<arbitrary>, #tpu.dimension_semantics<arbitrary>], iteration_bounds = array<i64: 8, 2>, scalar_prefetch = 0 : i64, scratch_operands = 1 : i64, tpu.core_type = #tpu.core_type<tc>, window_params = [{transform_indices = @transform_0, window_bounds = array<i64: 1, 512, 3>}, {transform_indices = @transform_1, window_bounds = array<i64: 3, 1, 1, 4096>}, {transform_indices = @transform_2, window_bounds = array<i64: 1, 512, 32>}]} {
    %get3A = arith.constant 0 : index
    %get3A_0 = arith.constant 0 : index
    %get3A_1 = arith.constant 0 : index
    %get3A_2 = vector.load %arg2[%get3A, %get3A_0, %get3A_1] : memref<1x512x3xf32, #tpu.memory_space<vmem>>, vector<1x512x3xf32>
    %get3A_3 = vector.shape_cast %get3A_2 : vector<1x512x3xf32> to vector<512x3xf32>
    %slice3A = vector.extract_strided_slice %get3A_3 {offsets = [0, 0], sizes = [512, 1], strides = [1, 1]} : vector<512x3xf32> to vector<512x1xf32>
    %slice3A_4 = vector.extract_strided_slice %get3A_3 {offsets = [0, 1], sizes = [512, 1], strides = [1, 1]} : vector<512x3xf32> to vector<512x1xf32>
    %slice3A_5 = vector.extract_strided_slice %get3A_3 {offsets = [0, 2], sizes = [512, 1], strides = [1, 1]} : vector<512x3xf32> to vector<512x1xf32>
    %get3A_6 = arith.constant 0 : index
    %get3A_7 = arith.constant 0 : index
    %get3A_8 = arith.constant 0 : index
    %get3A_9 = arith.constant 0 : index
    %get3A_10 = vector.load %arg3[%get3A_6, %get3A_7, %get3A_8, %get3A_9] : memref<3x1x1x4096xf32, #tpu.memory_space<vmem>>, vector<3x1x1x4096xf32>
    %get3A_11 = vector.shape_cast %get3A_10 : vector<3x1x1x4096xf32> to vector<3x4096xf32>
    %get3A_12 = arith.constant 0 : index
    %get3A_13 = arith.constant 0 : index
    %get3A_14 = arith.constant 0 : index
    %get3A_15 = arith.constant 0 : index
    %get3A_16 = vector.load %arg3[%get3A_12, %get3A_13, %get3A_14, %get3A_15] : memref<3x1x1x4096xf32, #tpu.memory_space<vmem>>, vector<1x1x1x4096xf32>
    %get3A_17 = vector.shape_cast %get3A_16 : vector<1x1x1x4096xf32> to vector<1x4096xf32>
    %get3A_18 = arith.constant 1 : index
    %get3A_19 = arith.constant 0 : index
    %get3A_20 = arith.constant 0 : index
    %get3A_21 = arith.constant 0 : index
    %get3A_22 = vector.load %arg3[%get3A_18, %get3A_19, %get3A_20, %get3A_21] : memref<3x1x1x4096xf32, #tpu.memory_space<vmem>>, vector<1x1x1x4096xf32>
    %get3A_23 = vector.shape_cast %get3A_22 : vector<1x1x1x4096xf32> to vector<1x4096xf32>
    %get3A_24 = arith.constant 2 : index
    %get3A_25 = arith.constant 0 : index
    %get3A_26 = arith.constant 0 : index
    %get3A_27 = arith.constant 0 : index
    %get3A_28 = vector.load %arg3[%get3A_24, %get3A_25, %get3A_26, %get3A_27] : memref<3x1x1x4096xf32, #tpu.memory_space<vmem>>, vector<1x1x1x4096xf32>
    %get3A_29 = vector.shape_cast %get3A_28 : vector<1x1x1x4096xf32> to vector<1x4096xf32>
    %mul3A = arith.mulf %slice3A, %slice3A : vector<512x1xf32>
    %mul3A_30 = arith.mulf %slice3A_4, %slice3A_4 : vector<512x1xf32>
    %add3A = arith.addf %mul3A, %mul3A_30 : vector<512x1xf32>
    %mul3A_31 = arith.mulf %slice3A_5, %slice3A_5 : vector<512x1xf32>
    %add3A_32 = arith.addf %add3A, %mul3A_31 : vector<512x1xf32>
    %mul3A_33 = arith.mulf %get3A_17, %get3A_17 : vector<1x4096xf32>
    %mul3A_34 = arith.mulf %get3A_23, %get3A_23 : vector<1x4096xf32>
    %add3A_35 = arith.addf %mul3A_33, %mul3A_34 : vector<1x4096xf32>
    %mul3A_36 = arith.mulf %get3A_29, %get3A_29 : vector<1x4096xf32>
    %add3A_37 = arith.addf %add3A_35, %mul3A_36 : vector<1x4096xf32>
    %convert_element_type3A = arith.truncf %get3A_3 : vector<512x3xf32> to vector<512x3xbf16>
    %convert_element_type3A_38 = arith.truncf %get3A_11 : vector<3x4096xf32> to vector<3x4096xbf16>
    %dot_general3A = arith.constant dense<0.000000e+00> : vector<512x4096xf32>
    %dot_general3A_39 = tpu.matmul %convert_element_type3A, %convert_element_type3A_38, %dot_general3A {dimension_numbers = #tpu.dot_dimension_numbers<[1], [0], [0], [1], [0, 0, 1, 1], [], []>, transpose_lhs_hint = false} : vector<512x3xbf16>, vector<3x4096xbf16>, vector<512x4096xf32> -> vector<512x4096xf32>
    %add3A_40 = vector.broadcast %add3A_32 : vector<512x1xf32> to vector<512x4096xf32>
    %add3A_41 = vector.broadcast %add3A_37 : vector<1x4096xf32> to vector<512x4096xf32>
    %add3A_42 = arith.addf %add3A_40, %add3A_41 : vector<512x4096xf32>
    %mul3A_43 = arith.constant 2.000000e+00 : f32
    %mul3A_44 = vector.broadcast %mul3A_43 : f32 to vector<512x4096xf32>
    %mul3A_45 = arith.mulf %mul3A_44, %dot_general3A_39 : vector<512x4096xf32>
    %sub3A = arith.subf %add3A_42, %mul3A_45 : vector<512x4096xf32>
    %swap3A = arith.constant 0 : index
    %swap3A_46 = arith.constant 0 : index
    %swap3A_47 = vector.load %arg5[%swap3A, %swap3A_46] : memref<512x4096xf32, #tpu.memory_space<vmem>>, vector<512x4096xf32>
    tpu.vector_store %arg5[%swap3A, %swap3A_46], %sub3A {strides = array<i32>} : memref<512x4096xf32, #tpu.memory_space<vmem>>, vector<512x4096xf32>,
    %iota3A = tpu.iota {dimensions = array<i32: 1>} : vector<512x4096xi32>
    %iota3A_48 = tpu.iota {dimensions = array<i32: 1>} : vector<512x32xi32>
    %broadcast_in_dim3A = arith.constant 0 : i32
    %broadcast_in_dim3A_49 = vector.broadcast %broadcast_in_dim3A : i32 to vector<512x32xi32>
    %scan3A = arith.constant 0 : i32
    %scan3A_50 = arith.constant 32 : i32
    %scan3A_51 = arith.addi %scan3A, %scan3A_50 : i32
    %scan3A_52 = arith.constant 1 : i32
    %scan3A_53 = scf.for %scan3A_61 = %scan3A to %scan3A_51 step %scan3A_52 iter_args(%scan3A_62 = %broadcast_in_dim3A_49) -> (vector<512x32xi32>)  : i32 {
      %get3A_63 = arith.constant 0 : index
      %get3A_64 = arith.constant 0 : index
      %get3A_65 = vector.load %arg5[%get3A_63, %get3A_64] : memref<512x4096xf32, #tpu.memory_space<vmem>>, vector<512x4096xf32>
      %reduce_min3A = arith.constant dense<0x7F800000> : vector<512xf32>
      %reduce_min3A_66 = vector.multi_reduction <minimumf>, %get3A_65, %reduce_min3A [1] : vector<512x4096xf32> to vector<512xf32>
      %broadcast_in_dim3A_67 = vector.shape_cast %reduce_min3A_66 : vector<512xf32> to vector<512x1xf32>
      %eq3A = vector.broadcast %broadcast_in_dim3A_67 : vector<512x1xf32> to vector<512x4096xf32>
      %eq3A_68 = arith.cmpf oeq, %get3A_65, %eq3A : vector<512x4096xf32>
      %jit3A = arith.constant 4096 : i32
      %broadcast_in_dim3A_69 = vector.broadcast %jit3A : i32 to vector<512x4096xi32>
      %select_n3A = arith.select %eq3A_68, %iota3A, %broadcast_in_dim3A_69 : vector<512x4096xi1>, vector<512x4096xi32>
      %reduce_min3A_70 = arith.constant dense<2147483647> : vector<512xi32>
      %reduce_min3A_71 = vector.multi_reduction <minsi>, %select_n3A, %reduce_min3A_70 [1] : vector<512x4096xi32> to vector<512xi32>
      %broadcast_in_dim3A_72 = vector.shape_cast %reduce_min3A_71 : vector<512xi32> to vector<512x1xi32>
      %eq3A_73 = vector.broadcast %broadcast_in_dim3A_72 : vector<512x1xi32> to vector<512x4096xi32>
      %eq3A_74 = arith.cmpi eq, %iota3A, %eq3A_73 : vector<512x4096xi32>
      %jit3A_75 = arith.constant 0x7F800000 : f32
      %broadcast_in_dim3A_76 = vector.broadcast %jit3A_75 : f32 to vector<512x4096xf32>
      %select_n3A_77 = arith.select %eq3A_74, %broadcast_in_dim3A_76, %get3A_65 : vector<512x4096xi1>, vector<512x4096xf32>
      %swap3A_78 = arith.constant 0 : index
      %swap3A_79 = arith.constant 0 : index
      %swap3A_80 = vector.load %arg5[%swap3A_78, %swap3A_79] : memref<512x4096xf32, #tpu.memory_space<vmem>>, vector<512x4096xf32>
      tpu.vector_store %arg5[%swap3A_78, %swap3A_79], %select_n3A_77 {strides = array<i32>} : memref<512x4096xf32, #tpu.memory_space<vmem>>, vector<512x4096xf32>,
      %eq3A_81 = vector.broadcast %scan3A_61 : i32 to vector<512x32xi32>
      %eq3A_82 = arith.cmpi eq, %iota3A_48, %eq3A_81 : vector<512x32xi32>
      %broadcast_in_dim3A_83 = vector.shape_cast %broadcast_in_dim3A_72 : vector<512x1xi32> to vector<512x1xi32>
      %broadcast_in_dim3A_84 = vector.broadcast %broadcast_in_dim3A_83 : vector<512x1xi32> to vector<512x32xi32>
      %select_n3A_85 = arith.select %eq3A_82, %broadcast_in_dim3A_84, %scan3A_62 : vector<512x32xi1>, vector<512x32xi32>
      scf.yield %select_n3A_85 : vector<512x32xi32>
    }
    %scan3A_54 = arith.constant 32 : i32
    %swap3A_55 = arith.constant 0 : index
    %swap3A_56 = arith.constant 0 : index
    %swap3A_57 = arith.constant 0 : index
    %swap3A_58 = vector.load %arg4[%swap3A_55, %swap3A_56, %swap3A_57] : memref<1x512x32xi32, #tpu.memory_space<vmem>>, vector<1x512x32xi32>
    %swap3A_59 = vector.shape_cast %swap3A_58 : vector<1x512x32xi32> to vector<512x32xi32>
    %swap3A_60 = vector.shape_cast %scan3A_53 : vector<512x32xi32> to vector<1x512x32xi32>
    tpu.vector_store %arg4[%swap3A_55, %swap3A_56, %swap3A_57], %swap3A_60 {strides = array<i32>} : memref<1x512x32xi32, #tpu.memory_space<vmem>>, vector<1x512x32xi32>,
    return
  }
  func.func @transform_0(%arg0: i32, %arg1: i32) -> (i32, i32, i32) {
    %c0_i32 = arith.constant 0 : i32
    %c0_i32_0 = arith.constant 0 : i32
    return %arg0, %arg1, %c0_i32 : i32, i32, i32
  }
  func.func @transform_1(%arg0: i32, %arg1: i32) -> (i32, i32, i32, i32) {
    %c0_i32 = arith.constant 0 : i32
    %c0_i32_0 = arith.constant 0 : i32
    %c0_i32_1 = arith.constant 0 : i32
    %c0_i32_2 = arith.constant 0 : i32
    return %c0_i32, %arg0, %c0_i32_0, %c0_i32_1 : i32, i32, i32, i32
  }
  func.func @transform_2(%arg0: i32, %arg1: i32) -> (i32, i32, i32) {
    %c0_i32 = arith.constant 0 : i32
    %c0_i32_0 = arith.constant 0 : i32
    return %arg0, %arg1, %c0_i32 : i32, i32, i32
  }
}

module attributes {stable_mosaic.version = 14 : i64} {
  func.func @_fps_body(%arg0: memref<3x8x1024xf32, #tpu.memory_space<vmem>>, %arg1: memref<3x8x512xf32, #tpu.memory_space<vmem>>) attributes {dimension_semantics = [], scalar_prefetch = 0 : i64, scratch_operands = 0 : i64, tpu.core_type = #tpu.core_type<tc>} {
    %get3A = arith.constant 0 : index
    %get3A_0 = arith.constant 0 : index
    %get3A_1 = arith.constant 0 : index
    %get3A_2 = vector.load %arg0[%get3A, %get3A_0, %get3A_1] : memref<3x8x1024xf32, #tpu.memory_space<vmem>>, vector<1x8x1024xf32>
    %get3A_3 = vector.shape_cast %get3A_2 : vector<1x8x1024xf32> to vector<8x1024xf32>
    %get3A_4 = arith.constant 1 : index
    %get3A_5 = arith.constant 0 : index
    %get3A_6 = arith.constant 0 : index
    %get3A_7 = vector.load %arg0[%get3A_4, %get3A_5, %get3A_6] : memref<3x8x1024xf32, #tpu.memory_space<vmem>>, vector<1x8x1024xf32>
    %get3A_8 = vector.shape_cast %get3A_7 : vector<1x8x1024xf32> to vector<8x1024xf32>
    %get3A_9 = arith.constant 2 : index
    %get3A_10 = arith.constant 0 : index
    %get3A_11 = arith.constant 0 : index
    %get3A_12 = vector.load %arg0[%get3A_9, %get3A_10, %get3A_11] : memref<3x8x1024xf32, #tpu.memory_space<vmem>>, vector<1x8x1024xf32>
    %get3A_13 = vector.shape_cast %get3A_12 : vector<1x8x1024xf32> to vector<8x1024xf32>
    %iota3A = tpu.iota {dimensions = array<i32: 1>} : vector<8x1024xi32>
    %iota3A_14 = tpu.iota {dimensions = array<i32: 1>} : vector<8x512xi32>
    %broadcast_in_dim3A = arith.constant 1.000000e+10 : f32
    %broadcast_in_dim3A_15 = vector.broadcast %broadcast_in_dim3A : f32 to vector<8x1024xf32>
    %broadcast_in_dim3A_16 = arith.constant 0 : i32
    %broadcast_in_dim3A_17 = vector.broadcast %broadcast_in_dim3A_16 : i32 to vector<8x1xi32>
    %broadcast_in_dim3A_18 = arith.constant 0.000000e+00 : f32
    %broadcast_in_dim3A_19 = vector.broadcast %broadcast_in_dim3A_18 : f32 to vector<8x512xf32>
    %broadcast_in_dim3A_20 = arith.constant 0.000000e+00 : f32
    %broadcast_in_dim3A_21 = vector.broadcast %broadcast_in_dim3A_20 : f32 to vector<8x512xf32>
    %broadcast_in_dim3A_22 = arith.constant 0.000000e+00 : f32
    %broadcast_in_dim3A_23 = vector.broadcast %broadcast_in_dim3A_22 : f32 to vector<8x512xf32>
    %scan3A = arith.constant 0 : i32
    %scan3A_24 = arith.constant 512 : i32
    %scan3A_25 = arith.addi %scan3A, %scan3A_24 : i32
    %scan3A_26 = arith.constant 1 : i32
    %scan3A_27:5 = scf.for %scan3A_46 = %scan3A to %scan3A_25 step %scan3A_26 iter_args(%scan3A_47 = %broadcast_in_dim3A_15, %scan3A_48 = %broadcast_in_dim3A_17, %scan3A_49 = %broadcast_in_dim3A_19, %scan3A_50 = %broadcast_in_dim3A_21, %scan3A_51 = %broadcast_in_dim3A_23) -> (vector<8x1024xf32>, vector<8x1xi32>, vector<8x512xf32>, vector<8x512xf32>, vector<8x512xf32>)  : i32 {
      %eq3A = vector.broadcast %scan3A_48 : vector<8x1xi32> to vector<8x1024xi32>
      %eq3A_52 = arith.cmpi eq, %iota3A, %eq3A : vector<8x1024xi32>
      %jit3A = arith.constant 0.000000e+00 : f32
      %broadcast_in_dim3A_53 = vector.broadcast %jit3A : f32 to vector<8x1024xf32>
      %select_n3A = arith.select %eq3A_52, %get3A_3, %broadcast_in_dim3A_53 : vector<8x1024xi1>, vector<8x1024xf32>
      %reduce_sum3A = arith.constant dense<0.000000e+00> : vector<8xf32>
      %reduce_sum3A_54 = vector.multi_reduction <add>, %select_n3A, %reduce_sum3A [1] : vector<8x1024xf32> to vector<8xf32>
      %broadcast_in_dim3A_55 = vector.shape_cast %reduce_sum3A_54 : vector<8xf32> to vector<8x1xf32>
      %jit3A_56 = arith.constant 0.000000e+00 : f32
      %broadcast_in_dim3A_57 = vector.broadcast %jit3A_56 : f32 to vector<8x1024xf32>
      %select_n3A_58 = arith.select %eq3A_52, %get3A_8, %broadcast_in_dim3A_57 : vector<8x1024xi1>, vector<8x1024xf32>
      %reduce_sum3A_59 = arith.constant dense<0.000000e+00> : vector<8xf32>
      %reduce_sum3A_60 = vector.multi_reduction <add>, %select_n3A_58, %reduce_sum3A_59 [1] : vector<8x1024xf32> to vector<8xf32>
      %broadcast_in_dim3A_61 = vector.shape_cast %reduce_sum3A_60 : vector<8xf32> to vector<8x1xf32>
      %jit3A_62 = arith.constant 0.000000e+00 : f32
      %broadcast_in_dim3A_63 = vector.broadcast %jit3A_62 : f32 to vector<8x1024xf32>
      %select_n3A_64 = arith.select %eq3A_52, %get3A_13, %broadcast_in_dim3A_63 : vector<8x1024xi1>, vector<8x1024xf32>
      %reduce_sum3A_65 = arith.constant dense<0.000000e+00> : vector<8xf32>
      %reduce_sum3A_66 = vector.multi_reduction <add>, %select_n3A_64, %reduce_sum3A_65 [1] : vector<8x1024xf32> to vector<8xf32>
      %broadcast_in_dim3A_67 = vector.shape_cast %reduce_sum3A_66 : vector<8xf32> to vector<8x1xf32>
      %eq3A_68 = vector.broadcast %scan3A_46 : i32 to vector<8x512xi32>
      %eq3A_69 = arith.cmpi eq, %iota3A_14, %eq3A_68 : vector<8x512xi32>
      %broadcast_in_dim3A_70 = vector.shape_cast %broadcast_in_dim3A_55 : vector<8x1xf32> to vector<8x1xf32>
      %broadcast_in_dim3A_71 = vector.broadcast %broadcast_in_dim3A_70 : vector<8x1xf32> to vector<8x512xf32>
      %select_n3A_72 = arith.select %eq3A_69, %broadcast_in_dim3A_71, %scan3A_49 : vector<8x512xi1>, vector<8x512xf32>
      %broadcast_in_dim3A_73 = vector.shape_cast %broadcast_in_dim3A_61 : vector<8x1xf32> to vector<8x1xf32>
      %broadcast_in_dim3A_74 = vector.broadcast %broadcast_in_dim3A_73 : vector<8x1xf32> to vector<8x512xf32>
      %select_n3A_75 = arith.select %eq3A_69, %broadcast_in_dim3A_74, %scan3A_50 : vector<8x512xi1>, vector<8x512xf32>
      %broadcast_in_dim3A_76 = vector.shape_cast %broadcast_in_dim3A_67 : vector<8x1xf32> to vector<8x1xf32>
      %broadcast_in_dim3A_77 = vector.broadcast %broadcast_in_dim3A_76 : vector<8x1xf32> to vector<8x512xf32>
      %select_n3A_78 = arith.select %eq3A_69, %broadcast_in_dim3A_77, %scan3A_51 : vector<8x512xi1>, vector<8x512xf32>
      %sub3A = vector.broadcast %broadcast_in_dim3A_55 : vector<8x1xf32> to vector<8x1024xf32>
      %sub3A_79 = arith.subf %get3A_3, %sub3A : vector<8x1024xf32>
      %sub3A_80 = vector.broadcast %broadcast_in_dim3A_61 : vector<8x1xf32> to vector<8x1024xf32>
      %sub3A_81 = arith.subf %get3A_8, %sub3A_80 : vector<8x1024xf32>
      %sub3A_82 = vector.broadcast %broadcast_in_dim3A_67 : vector<8x1xf32> to vector<8x1024xf32>
      %sub3A_83 = arith.subf %get3A_13, %sub3A_82 : vector<8x1024xf32>
      %mul3A = arith.mulf %sub3A_79, %sub3A_79 : vector<8x1024xf32>
      %mul3A_84 = arith.mulf %sub3A_81, %sub3A_81 : vector<8x1024xf32>
      %add3A = arith.addf %mul3A, %mul3A_84 : vector<8x1024xf32>
      %mul3A_85 = arith.mulf %sub3A_83, %sub3A_83 : vector<8x1024xf32>
      %add3A_86 = arith.addf %add3A, %mul3A_85 : vector<8x1024xf32>
      %min3A = arith.minimumf %scan3A_47, %add3A_86 : vector<8x1024xf32>
      %reduce_max3A = arith.constant dense<0xFF800000> : vector<8xf32>
      %reduce_max3A_87 = vector.multi_reduction <maximumf>, %min3A, %reduce_max3A [1] : vector<8x1024xf32> to vector<8xf32>
      %broadcast_in_dim3A_88 = vector.shape_cast %reduce_max3A_87 : vector<8xf32> to vector<8x1xf32>
      %eq3A_89 = vector.broadcast %broadcast_in_dim3A_88 : vector<8x1xf32> to vector<8x1024xf32>
      %eq3A_90 = arith.cmpf oeq, %min3A, %eq3A_89 : vector<8x1024xf32>
      %jit3A_91 = arith.constant 1024 : i32
      %broadcast_in_dim3A_92 = vector.broadcast %jit3A_91 : i32 to vector<8x1024xi32>
      %select_n3A_93 = arith.select %eq3A_90, %iota3A, %broadcast_in_dim3A_92 : vector<8x1024xi1>, vector<8x1024xi32>
      %reduce_min3A = arith.constant dense<2147483647> : vector<8xi32>
      %reduce_min3A_94 = vector.multi_reduction <minsi>, %select_n3A_93, %reduce_min3A [1] : vector<8x1024xi32> to vector<8xi32>
      %broadcast_in_dim3A_95 = vector.shape_cast %reduce_min3A_94 : vector<8xi32> to vector<8x1xi32>
      scf.yield %min3A, %broadcast_in_dim3A_95, %select_n3A_72, %select_n3A_75, %select_n3A_78 : vector<8x1024xf32>, vector<8x1xi32>, vector<8x512xf32>, vector<8x512xf32>, vector<8x512xf32>
    }
    %scan3A_28 = arith.constant 512 : i32
    %swap3A = arith.constant 0 : index
    %swap3A_29 = arith.constant 0 : index
    %swap3A_30 = arith.constant 0 : index
    %swap3A_31 = vector.load %arg1[%swap3A, %swap3A_29, %swap3A_30] : memref<3x8x512xf32, #tpu.memory_space<vmem>>, vector<1x8x512xf32>
    %swap3A_32 = vector.shape_cast %swap3A_31 : vector<1x8x512xf32> to vector<8x512xf32>
    %swap3A_33 = vector.shape_cast %scan3A_27#2 : vector<8x512xf32> to vector<1x8x512xf32>
    tpu.vector_store %arg1[%swap3A, %swap3A_29, %swap3A_30], %swap3A_33 {strides = array<i32>} : memref<3x8x512xf32, #tpu.memory_space<vmem>>, vector<1x8x512xf32>,
    %swap3A_34 = arith.constant 1 : index
    %swap3A_35 = arith.constant 0 : index
    %swap3A_36 = arith.constant 0 : index
    %swap3A_37 = vector.load %arg1[%swap3A_34, %swap3A_35, %swap3A_36] : memref<3x8x512xf32, #tpu.memory_space<vmem>>, vector<1x8x512xf32>
    %swap3A_38 = vector.shape_cast %swap3A_37 : vector<1x8x512xf32> to vector<8x512xf32>
    %swap3A_39 = vector.shape_cast %scan3A_27#3 : vector<8x512xf32> to vector<1x8x512xf32>
    tpu.vector_store %arg1[%swap3A_34, %swap3A_35, %swap3A_36], %swap3A_39 {strides = array<i32>} : memref<3x8x512xf32, #tpu.memory_space<vmem>>, vector<1x8x512xf32>,
    %swap3A_40 = arith.constant 2 : index
    %swap3A_41 = arith.constant 0 : index
    %swap3A_42 = arith.constant 0 : index
    %swap3A_43 = vector.load %arg1[%swap3A_40, %swap3A_41, %swap3A_42] : memref<3x8x512xf32, #tpu.memory_space<vmem>>, vector<1x8x512xf32>
    %swap3A_44 = vector.shape_cast %swap3A_43 : vector<1x8x512xf32> to vector<8x512xf32>
    %swap3A_45 = vector.shape_cast %scan3A_27#4 : vector<8x512xf32> to vector<1x8x512xf32>
    tpu.vector_store %arg1[%swap3A_40, %swap3A_41, %swap3A_42], %swap3A_45 {strides = array<i32>} : memref<3x8x512xf32, #tpu.memory_space<vmem>>, vector<1x8x512xf32>,
    return
  }
}

module attributes {stable_mosaic.version = 14 : i64} {
  func.func @_knn_body(%arg0: i32, %arg1: i32, %arg2: memref<1x512x3xf32, #tpu.memory_space<vmem>>, %arg3: memref<3x1x1x1024xf32, #tpu.memory_space<vmem>>, %arg4: memref<1x512x32xi32, #tpu.memory_space<vmem>>, %arg5: memref<512x1024xf32, #tpu.memory_space<vmem>>) attributes {dimension_semantics = [#tpu.dimension_semantics<arbitrary>, #tpu.dimension_semantics<arbitrary>], iteration_bounds = array<i64: 8, 1>, scalar_prefetch = 0 : i64, scratch_operands = 1 : i64, tpu.core_type = #tpu.core_type<tc>, window_params = [{transform_indices = @transform_0, window_bounds = array<i64: 1, 512, 3>}, {transform_indices = @transform_1, window_bounds = array<i64: 3, 1, 1, 1024>}, {transform_indices = @transform_2, window_bounds = array<i64: 1, 512, 32>}]} {
    %get3A = arith.constant 0 : index
    %get3A_0 = arith.constant 0 : index
    %get3A_1 = arith.constant 0 : index
    %get3A_2 = vector.load %arg2[%get3A, %get3A_0, %get3A_1] : memref<1x512x3xf32, #tpu.memory_space<vmem>>, vector<1x512x3xf32>
    %get3A_3 = vector.shape_cast %get3A_2 : vector<1x512x3xf32> to vector<512x3xf32>
    %slice3A = vector.extract_strided_slice %get3A_3 {offsets = [0, 0], sizes = [512, 1], strides = [1, 1]} : vector<512x3xf32> to vector<512x1xf32>
    %slice3A_4 = vector.extract_strided_slice %get3A_3 {offsets = [0, 1], sizes = [512, 1], strides = [1, 1]} : vector<512x3xf32> to vector<512x1xf32>
    %slice3A_5 = vector.extract_strided_slice %get3A_3 {offsets = [0, 2], sizes = [512, 1], strides = [1, 1]} : vector<512x3xf32> to vector<512x1xf32>
    %get3A_6 = arith.constant 0 : index
    %get3A_7 = arith.constant 0 : index
    %get3A_8 = arith.constant 0 : index
    %get3A_9 = arith.constant 0 : index
    %get3A_10 = vector.load %arg3[%get3A_6, %get3A_7, %get3A_8, %get3A_9] : memref<3x1x1x1024xf32, #tpu.memory_space<vmem>>, vector<3x1x1x1024xf32>
    %get3A_11 = vector.shape_cast %get3A_10 : vector<3x1x1x1024xf32> to vector<3x1024xf32>
    %get3A_12 = arith.constant 0 : index
    %get3A_13 = arith.constant 0 : index
    %get3A_14 = arith.constant 0 : index
    %get3A_15 = arith.constant 0 : index
    %get3A_16 = vector.load %arg3[%get3A_12, %get3A_13, %get3A_14, %get3A_15] : memref<3x1x1x1024xf32, #tpu.memory_space<vmem>>, vector<1x1x1x1024xf32>
    %get3A_17 = vector.shape_cast %get3A_16 : vector<1x1x1x1024xf32> to vector<1x1024xf32>
    %get3A_18 = arith.constant 1 : index
    %get3A_19 = arith.constant 0 : index
    %get3A_20 = arith.constant 0 : index
    %get3A_21 = arith.constant 0 : index
    %get3A_22 = vector.load %arg3[%get3A_18, %get3A_19, %get3A_20, %get3A_21] : memref<3x1x1x1024xf32, #tpu.memory_space<vmem>>, vector<1x1x1x1024xf32>
    %get3A_23 = vector.shape_cast %get3A_22 : vector<1x1x1x1024xf32> to vector<1x1024xf32>
    %get3A_24 = arith.constant 2 : index
    %get3A_25 = arith.constant 0 : index
    %get3A_26 = arith.constant 0 : index
    %get3A_27 = arith.constant 0 : index
    %get3A_28 = vector.load %arg3[%get3A_24, %get3A_25, %get3A_26, %get3A_27] : memref<3x1x1x1024xf32, #tpu.memory_space<vmem>>, vector<1x1x1x1024xf32>
    %get3A_29 = vector.shape_cast %get3A_28 : vector<1x1x1x1024xf32> to vector<1x1024xf32>
    %mul3A = arith.mulf %slice3A, %slice3A : vector<512x1xf32>
    %mul3A_30 = arith.mulf %slice3A_4, %slice3A_4 : vector<512x1xf32>
    %add3A = arith.addf %mul3A, %mul3A_30 : vector<512x1xf32>
    %mul3A_31 = arith.mulf %slice3A_5, %slice3A_5 : vector<512x1xf32>
    %add3A_32 = arith.addf %add3A, %mul3A_31 : vector<512x1xf32>
    %mul3A_33 = arith.mulf %get3A_17, %get3A_17 : vector<1x1024xf32>
    %mul3A_34 = arith.mulf %get3A_23, %get3A_23 : vector<1x1024xf32>
    %add3A_35 = arith.addf %mul3A_33, %mul3A_34 : vector<1x1024xf32>
    %mul3A_36 = arith.mulf %get3A_29, %get3A_29 : vector<1x1024xf32>
    %add3A_37 = arith.addf %add3A_35, %mul3A_36 : vector<1x1024xf32>
    %convert_element_type3A = arith.truncf %get3A_3 : vector<512x3xf32> to vector<512x3xbf16>
    %convert_element_type3A_38 = arith.truncf %get3A_11 : vector<3x1024xf32> to vector<3x1024xbf16>
    %dot_general3A = arith.constant dense<0.000000e+00> : vector<512x1024xf32>
    %dot_general3A_39 = tpu.matmul %convert_element_type3A, %convert_element_type3A_38, %dot_general3A {dimension_numbers = #tpu.dot_dimension_numbers<[1], [0], [0], [1], [0, 0, 1, 1], [], []>, transpose_lhs_hint = false} : vector<512x3xbf16>, vector<3x1024xbf16>, vector<512x1024xf32> -> vector<512x1024xf32>
    %add3A_40 = vector.broadcast %add3A_32 : vector<512x1xf32> to vector<512x1024xf32>
    %add3A_41 = vector.broadcast %add3A_37 : vector<1x1024xf32> to vector<512x1024xf32>
    %add3A_42 = arith.addf %add3A_40, %add3A_41 : vector<512x1024xf32>
    %mul3A_43 = arith.constant 2.000000e+00 : f32
    %mul3A_44 = vector.broadcast %mul3A_43 : f32 to vector<512x1024xf32>
    %mul3A_45 = arith.mulf %mul3A_44, %dot_general3A_39 : vector<512x1024xf32>
    %sub3A = arith.subf %add3A_42, %mul3A_45 : vector<512x1024xf32>
    %swap3A = arith.constant 0 : index
    %swap3A_46 = arith.constant 0 : index
    %swap3A_47 = vector.load %arg5[%swap3A, %swap3A_46] : memref<512x1024xf32, #tpu.memory_space<vmem>>, vector<512x1024xf32>
    tpu.vector_store %arg5[%swap3A, %swap3A_46], %sub3A {strides = array<i32>} : memref<512x1024xf32, #tpu.memory_space<vmem>>, vector<512x1024xf32>,
    %iota3A = tpu.iota {dimensions = array<i32: 1>} : vector<512x1024xi32>
    %iota3A_48 = tpu.iota {dimensions = array<i32: 1>} : vector<512x32xi32>
    %broadcast_in_dim3A = arith.constant 0 : i32
    %broadcast_in_dim3A_49 = vector.broadcast %broadcast_in_dim3A : i32 to vector<512x32xi32>
    %scan3A = arith.constant 0 : i32
    %scan3A_50 = arith.constant 32 : i32
    %scan3A_51 = arith.addi %scan3A, %scan3A_50 : i32
    %scan3A_52 = arith.constant 1 : i32
    %scan3A_53 = scf.for %scan3A_61 = %scan3A to %scan3A_51 step %scan3A_52 iter_args(%scan3A_62 = %broadcast_in_dim3A_49) -> (vector<512x32xi32>)  : i32 {
      %get3A_63 = arith.constant 0 : index
      %get3A_64 = arith.constant 0 : index
      %get3A_65 = vector.load %arg5[%get3A_63, %get3A_64] : memref<512x1024xf32, #tpu.memory_space<vmem>>, vector<512x1024xf32>
      %reduce_min3A = arith.constant dense<0x7F800000> : vector<512xf32>
      %reduce_min3A_66 = vector.multi_reduction <minimumf>, %get3A_65, %reduce_min3A [1] : vector<512x1024xf32> to vector<512xf32>
      %broadcast_in_dim3A_67 = vector.shape_cast %reduce_min3A_66 : vector<512xf32> to vector<512x1xf32>
      %eq3A = vector.broadcast %broadcast_in_dim3A_67 : vector<512x1xf32> to vector<512x1024xf32>
      %eq3A_68 = arith.cmpf oeq, %get3A_65, %eq3A : vector<512x1024xf32>
      %jit3A = arith.constant 1024 : i32
      %broadcast_in_dim3A_69 = vector.broadcast %jit3A : i32 to vector<512x1024xi32>
      %select_n3A = arith.select %eq3A_68, %iota3A, %broadcast_in_dim3A_69 : vector<512x1024xi1>, vector<512x1024xi32>
      %reduce_min3A_70 = arith.constant dense<2147483647> : vector<512xi32>
      %reduce_min3A_71 = vector.multi_reduction <minsi>, %select_n3A, %reduce_min3A_70 [1] : vector<512x1024xi32> to vector<512xi32>
      %broadcast_in_dim3A_72 = vector.shape_cast %reduce_min3A_71 : vector<512xi32> to vector<512x1xi32>
      %eq3A_73 = vector.broadcast %broadcast_in_dim3A_72 : vector<512x1xi32> to vector<512x1024xi32>
      %eq3A_74 = arith.cmpi eq, %iota3A, %eq3A_73 : vector<512x1024xi32>
      %jit3A_75 = arith.constant 0x7F800000 : f32
      %broadcast_in_dim3A_76 = vector.broadcast %jit3A_75 : f32 to vector<512x1024xf32>
      %select_n3A_77 = arith.select %eq3A_74, %broadcast_in_dim3A_76, %get3A_65 : vector<512x1024xi1>, vector<512x1024xf32>
      %swap3A_78 = arith.constant 0 : index
      %swap3A_79 = arith.constant 0 : index
      %swap3A_80 = vector.load %arg5[%swap3A_78, %swap3A_79] : memref<512x1024xf32, #tpu.memory_space<vmem>>, vector<512x1024xf32>
      tpu.vector_store %arg5[%swap3A_78, %swap3A_79], %select_n3A_77 {strides = array<i32>} : memref<512x1024xf32, #tpu.memory_space<vmem>>, vector<512x1024xf32>,
      %eq3A_81 = vector.broadcast %scan3A_61 : i32 to vector<512x32xi32>
      %eq3A_82 = arith.cmpi eq, %iota3A_48, %eq3A_81 : vector<512x32xi32>
      %broadcast_in_dim3A_83 = vector.shape_cast %broadcast_in_dim3A_72 : vector<512x1xi32> to vector<512x1xi32>
      %broadcast_in_dim3A_84 = vector.broadcast %broadcast_in_dim3A_83 : vector<512x1xi32> to vector<512x32xi32>
      %select_n3A_85 = arith.select %eq3A_82, %broadcast_in_dim3A_84, %scan3A_62 : vector<512x32xi1>, vector<512x32xi32>
      scf.yield %select_n3A_85 : vector<512x32xi32>
    }
    %scan3A_54 = arith.constant 32 : i32
    %swap3A_55 = arith.constant 0 : index
    %swap3A_56 = arith.constant 0 : index
    %swap3A_57 = arith.constant 0 : index
    %swap3A_58 = vector.load %arg4[%swap3A_55, %swap3A_56, %swap3A_57] : memref<1x512x32xi32, #tpu.memory_space<vmem>>, vector<1x512x32xi32>
    %swap3A_59 = vector.shape_cast %swap3A_58 : vector<1x512x32xi32> to vector<512x32xi32>
    %swap3A_60 = vector.shape_cast %scan3A_53 : vector<512x32xi32> to vector<1x512x32xi32>
    tpu.vector_store %arg4[%swap3A_55, %swap3A_56, %swap3A_57], %swap3A_60 {strides = array<i32>} : memref<1x512x32xi32, #tpu.memory_space<vmem>>, vector<1x512x32xi32>,
    return
  }
  func.func @transform_0(%arg0: i32, %arg1: i32) -> (i32, i32, i32) {
    %c0_i32 = arith.constant 0 : i32
    %c0_i32_0 = arith.constant 0 : i32
    return %arg0, %arg1, %c0_i32 : i32, i32, i32
  }
  func.func @transform_1(%arg0: i32, %arg1: i32) -> (i32, i32, i32, i32) {
    %c0_i32 = arith.constant 0 : i32
    %c0_i32_0 = arith.constant 0 : i32
    %c0_i32_1 = arith.constant 0 : i32
    %c0_i32_2 = arith.constant 0 : i32
    return %c0_i32, %arg0, %c0_i32_0, %c0_i32_1 : i32, i32, i32, i32
  }
  func.func @transform_2(%arg0: i32, %arg1: i32) -> (i32, i32, i32) {
    %c0_i32 = arith.constant 0 : i32
    %c0_i32_0 = arith.constant 0 : i32
    return %arg0, %arg1, %c0_i32 : i32, i32, i32
  }
}

module attributes {stable_mosaic.version = 14 : i64} {
  func.func @_sa2_body(%arg0: i32, %arg1: i32, %arg2: memref<1x32x128x16xf32, #tpu.memory_space<vmem>>, %arg3: memref<1x128x3xf32, #tpu.memory_space<vmem>>, %arg4: memref<16x32xf32, #tpu.memory_space<vmem>>, %arg5: memref<1x32xf32, #tpu.memory_space<vmem>>, %arg6: memref<32x32xf32, #tpu.memory_space<vmem>>, %arg7: memref<1x32xf32, #tpu.memory_space<vmem>>, %arg8: memref<32x64xf32, #tpu.memory_space<vmem>>, %arg9: memref<1x64xf32, #tpu.memory_space<vmem>>, %arg10: memref<1x128x64xf32, #tpu.memory_space<vmem>>) attributes {dimension_semantics = [#tpu.dimension_semantics<arbitrary>, #tpu.dimension_semantics<arbitrary>], iteration_bounds = array<i64: 8, 8>, scalar_prefetch = 0 : i64, scratch_operands = 0 : i64, tpu.core_type = #tpu.core_type<tc>, window_params = [{transform_indices = @transform_0, window_bounds = array<i64: 1, 32, 128, 16>}, {transform_indices = @transform_1, window_bounds = array<i64: 1, 128, 3>}, {pipeline_mode = #tpu.pipeline_mode<synchronous>, transform_indices = @transform_2, window_bounds = array<i64: 16, 32>}, {pipeline_mode = #tpu.pipeline_mode<synchronous>, transform_indices = @transform_3, window_bounds = array<i64: 1, 32>}, {pipeline_mode = #tpu.pipeline_mode<synchronous>, transform_indices = @transform_4, window_bounds = array<i64: 32, 32>}, {pipeline_mode = #tpu.pipeline_mode<synchronous>, transform_indices = @transform_5, window_bounds = array<i64: 1, 32>}, {pipeline_mode = #tpu.pipeline_mode<synchronous>, transform_indices = @transform_6, window_bounds = array<i64: 32, 64>}, {pipeline_mode = #tpu.pipeline_mode<synchronous>, transform_indices = @transform_7, window_bounds = array<i64: 1, 64>}, {transform_indices = @transform_8, window_bounds = array<i64: 1, 128, 64>}]} {
    %get3A = arith.constant 0 : index
    %get3A_0 = arith.constant 0 : index
    %get3A_1 = arith.constant 0 : index
    %get3A_2 = vector.load %arg3[%get3A, %get3A_0, %get3A_1] : memref<1x128x3xf32, #tpu.memory_space<vmem>>, vector<1x128x3xf32>
    %get3A_3 = vector.shape_cast %get3A_2 : vector<1x128x3xf32> to vector<128x3xf32>
    %broadcast_in_dim3A = arith.constant 0.000000e+00 : f32
    %broadcast_in_dim3A_4 = vector.broadcast %broadcast_in_dim3A : f32 to vector<128x13xf32>
    %concatenate3A = tpu.concatenate %get3A_3, %broadcast_in_dim3A_4 in 1 : vector<128x3xf32>, vector<128x13xf32> -> vector<128x16xf32>
    %get3A_5 = arith.constant 0 : index
    %get3A_6 = arith.constant 0 : index
    %get3A_7 = arith.constant 0 : index
    %get3A_8 = arith.constant 0 : index
    %get3A_9 = vector.load %arg2[%get3A_5, %get3A_6, %get3A_7, %get3A_8] : memref<1x32x128x16xf32, #tpu.memory_space<vmem>>, vector<1x32x128x16xf32>
    %get3A_10 = vector.shape_cast %get3A_9 : vector<1x32x128x16xf32> to vector<32x128x16xf32>
    %broadcast_in_dim3A_11 = vector.shape_cast %concatenate3A : vector<128x16xf32> to vector<1x128x16xf32>
    %sub3A = vector.broadcast %broadcast_in_dim3A_11 : vector<1x128x16xf32> to vector<32x128x16xf32>
    %sub3A_12 = arith.subf %get3A_10, %sub3A : vector<32x128x16xf32>
    %reshape3A = vector.shape_cast %sub3A_12 : vector<32x128x16xf32> to vector<4096x16xf32>
    %get3A_13 = arith.constant 0 : index
    %get3A_14 = arith.constant 0 : index
    %get3A_15 = vector.load %arg4[%get3A_13, %get3A_14] : memref<16x32xf32, #tpu.memory_space<vmem>>, vector<16x32xf32>
    %get3A_16 = arith.constant 0 : index
    %get3A_17 = arith.constant 0 : index
    %get3A_18 = vector.load %arg5[%get3A_16, %get3A_17] : memref<1x32xf32, #tpu.memory_space<vmem>>, vector<1x32xf32>
    %convert_element_type3A = arith.truncf %reshape3A : vector<4096x16xf32> to vector<4096x16xbf16>
    %convert_element_type3A_19 = arith.truncf %get3A_15 : vector<16x32xf32> to vector<16x32xbf16>
    %dot_general3A = arith.constant dense<0.000000e+00> : vector<4096x32xf32>
    %dot_general3A_20 = tpu.matmul %convert_element_type3A, %convert_element_type3A_19, %dot_general3A {dimension_numbers = #tpu.dot_dimension_numbers<[1], [0], [0], [1], [0, 0, 1, 1], [], []>, transpose_lhs_hint = false} : vector<4096x16xbf16>, vector<16x32xbf16>, vector<4096x32xf32> -> vector<4096x32xf32>
    %add3A = vector.broadcast %get3A_18 : vector<1x32xf32> to vector<4096x32xf32>
    %add3A_21 = arith.addf %dot_general3A_20, %add3A : vector<4096x32xf32>
    %max3A = arith.constant 0.000000e+00 : f32
    %max3A_22 = vector.broadcast %max3A : f32 to vector<4096x32xf32>
    %max3A_23 = arith.maximumf %add3A_21, %max3A_22 : vector<4096x32xf32>
    %get3A_24 = arith.constant 0 : index
    %get3A_25 = arith.constant 0 : index
    %get3A_26 = vector.load %arg6[%get3A_24, %get3A_25] : memref<32x32xf32, #tpu.memory_space<vmem>>, vector<32x32xf32>
    %get3A_27 = arith.constant 0 : index
    %get3A_28 = arith.constant 0 : index
    %get3A_29 = vector.load %arg7[%get3A_27, %get3A_28] : memref<1x32xf32, #tpu.memory_space<vmem>>, vector<1x32xf32>
    %convert_element_type3A_30 = arith.truncf %max3A_23 : vector<4096x32xf32> to vector<4096x32xbf16>
    %convert_element_type3A_31 = arith.truncf %get3A_26 : vector<32x32xf32> to vector<32x32xbf16>
    %dot_general3A_32 = arith.constant dense<0.000000e+00> : vector<4096x32xf32>
    %dot_general3A_33 = tpu.matmul %convert_element_type3A_30, %convert_element_type3A_31, %dot_general3A_32 {dimension_numbers = #tpu.dot_dimension_numbers<[1], [0], [0], [1], [0, 0, 1, 1], [], []>, transpose_lhs_hint = false} : vector<4096x32xbf16>, vector<32x32xbf16>, vector<4096x32xf32> -> vector<4096x32xf32>
    %add3A_34 = vector.broadcast %get3A_29 : vector<1x32xf32> to vector<4096x32xf32>
    %add3A_35 = arith.addf %dot_general3A_33, %add3A_34 : vector<4096x32xf32>
    %max3A_36 = arith.constant 0.000000e+00 : f32
    %max3A_37 = vector.broadcast %max3A_36 : f32 to vector<4096x32xf32>
    %max3A_38 = arith.maximumf %add3A_35, %max3A_37 : vector<4096x32xf32>
    %get3A_39 = arith.constant 0 : index
    %get3A_40 = arith.constant 0 : index
    %get3A_41 = vector.load %arg8[%get3A_39, %get3A_40] : memref<32x64xf32, #tpu.memory_space<vmem>>, vector<32x64xf32>
    %get3A_42 = arith.constant 0 : index
    %get3A_43 = arith.constant 0 : index
    %get3A_44 = vector.load %arg9[%get3A_42, %get3A_43] : memref<1x64xf32, #tpu.memory_space<vmem>>, vector<1x64xf32>
    %convert_element_type3A_45 = arith.truncf %max3A_38 : vector<4096x32xf32> to vector<4096x32xbf16>
    %convert_element_type3A_46 = arith.truncf %get3A_41 : vector<32x64xf32> to vector<32x64xbf16>
    %dot_general3A_47 = arith.constant dense<0.000000e+00> : vector<4096x64xf32>
    %dot_general3A_48 = tpu.matmul %convert_element_type3A_45, %convert_element_type3A_46, %dot_general3A_47 {dimension_numbers = #tpu.dot_dimension_numbers<[1], [0], [0], [1], [0, 0, 1, 1], [], []>, transpose_lhs_hint = false} : vector<4096x32xbf16>, vector<32x64xbf16>, vector<4096x64xf32> -> vector<4096x64xf32>
    %add3A_49 = vector.broadcast %get3A_44 : vector<1x64xf32> to vector<4096x64xf32>
    %add3A_50 = arith.addf %dot_general3A_48, %add3A_49 : vector<4096x64xf32>
    %max3A_51 = arith.constant 0.000000e+00 : f32
    %max3A_52 = vector.broadcast %max3A_51 : f32 to vector<4096x64xf32>
    %max3A_53 = arith.maximumf %add3A_50, %max3A_52 : vector<4096x64xf32>
    %reshape3A_54 = vector.shape_cast %max3A_53 : vector<4096x64xf32> to vector<32x128x64xf32>
    %reduce_max3A = arith.constant dense<0xFF800000> : vector<128x64xf32>
    %reduce_max3A_55 = vector.multi_reduction <maximumf>, %reshape3A_54, %reduce_max3A [0] : vector<32x128x64xf32> to vector<128x64xf32>
    %swap3A = arith.constant 0 : index
    %swap3A_56 = arith.constant 0 : index
    %swap3A_57 = arith.constant 0 : index
    %swap3A_58 = vector.load %arg10[%swap3A, %swap3A_56, %swap3A_57] : memref<1x128x64xf32, #tpu.memory_space<vmem>>, vector<1x128x64xf32>
    %swap3A_59 = vector.shape_cast %swap3A_58 : vector<1x128x64xf32> to vector<128x64xf32>
    %swap3A_60 = vector.shape_cast %reduce_max3A_55 : vector<128x64xf32> to vector<1x128x64xf32>
    tpu.vector_store %arg10[%swap3A, %swap3A_56, %swap3A_57], %swap3A_60 {strides = array<i32>} : memref<1x128x64xf32, #tpu.memory_space<vmem>>, vector<1x128x64xf32>,
    return
  }
  func.func @transform_0(%arg0: i32, %arg1: i32) -> (i32, i32, i32, i32) {
    %c0_i32 = arith.constant 0 : i32
    %c0_i32_0 = arith.constant 0 : i32
    %c0_i32_1 = arith.constant 0 : i32
    return %arg0, %c0_i32, %arg1, %c0_i32_0 : i32, i32, i32, i32
  }
  func.func @transform_1(%arg0: i32, %arg1: i32) -> (i32, i32, i32) {
    %c0_i32 = arith.constant 0 : i32
    %c0_i32_0 = arith.constant 0 : i32
    return %arg0, %arg1, %c0_i32 : i32, i32, i32
  }
  func.func @transform_2(%arg0: i32, %arg1: i32) -> (i32, i32) {
    %c0_i32 = arith.constant 0 : i32
    %c0_i32_0 = arith.constant 0 : i32
    %c0_i32_1 = arith.constant 0 : i32
    return %c0_i32, %c0_i32_0 : i32, i32
  }
  func.func @transform_3(%arg0: i32, %arg1: i32) -> (i32, i32) {
    %c0_i32 = arith.constant 0 : i32
    %c0_i32_0 = arith.constant 0 : i32
    %c0_i32_1 = arith.constant 0 : i32
    return %c0_i32, %c0_i32_0 : i32, i32
  }
  func.func @transform_4(%arg0: i32, %arg1: i32) -> (i32, i32) {
    %c0_i32 = arith.constant 0 : i32
    %c0_i32_0 = arith.constant 0 : i32
    %c0_i32_1 = arith.constant 0 : i32
    return %c0_i32, %c0_i32_0 : i32, i32
  }
  func.func @transform_5(%arg0: i32, %arg1: i32) -> (i32, i32) {
    %c0_i32 = arith.constant 0 : i32
    %c0_i32_0 = arith.constant 0 : i32
    %c0_i32_1 = arith.constant 0 : i32
    return %c0_i32, %c0_i32_0 : i32, i32
  }
  func.func @transform_6(%arg0: i32, %arg1: i32) -> (i32, i32) {
    %c0_i32 = arith.constant 0 : i32
    %c0_i32_0 = arith.constant 0 : i32
    %c0_i32_1 = arith.constant 0 : i32
    return %c0_i32, %c0_i32_0 : i32, i32
  }
  func.func @transform_7(%arg0: i32, %arg1: i32) -> (i32, i32) {
    %c0_i32 = arith.constant 0 : i32
    %c0_i32_0 = arith.constant 0 : i32
    %c0_i32_1 = arith.constant 0 : i32
    return %c0_i32, %c0_i32_0 : i32, i32
  }
  func.func @transform_8(%arg0: i32, %arg1: i32) -> (i32, i32, i32) {
    %c0_i32 = arith.constant 0 : i32
    %c0_i32_0 = arith.constant 0 : i32
    return %arg0, %arg1, %c0_i32 : i32, i32, i32
  }
}

module attributes {stable_mosaic.version = 14 : i64} {
  func.func @_fps_body(%arg0: memref<3x8x512xf32, #tpu.memory_space<vmem>>, %arg1: memref<3x8x256xf32, #tpu.memory_space<vmem>>) attributes {dimension_semantics = [], scalar_prefetch = 0 : i64, scratch_operands = 0 : i64, tpu.core_type = #tpu.core_type<tc>} {
    %get3A = arith.constant 0 : index
    %get3A_0 = arith.constant 0 : index
    %get3A_1 = arith.constant 0 : index
    %get3A_2 = vector.load %arg0[%get3A, %get3A_0, %get3A_1] : memref<3x8x512xf32, #tpu.memory_space<vmem>>, vector<1x8x512xf32>
    %get3A_3 = vector.shape_cast %get3A_2 : vector<1x8x512xf32> to vector<8x512xf32>
    %get3A_4 = arith.constant 1 : index
    %get3A_5 = arith.constant 0 : index
    %get3A_6 = arith.constant 0 : index
    %get3A_7 = vector.load %arg0[%get3A_4, %get3A_5, %get3A_6] : memref<3x8x512xf32, #tpu.memory_space<vmem>>, vector<1x8x512xf32>
    %get3A_8 = vector.shape_cast %get3A_7 : vector<1x8x512xf32> to vector<8x512xf32>
    %get3A_9 = arith.constant 2 : index
    %get3A_10 = arith.constant 0 : index
    %get3A_11 = arith.constant 0 : index
    %get3A_12 = vector.load %arg0[%get3A_9, %get3A_10, %get3A_11] : memref<3x8x512xf32, #tpu.memory_space<vmem>>, vector<1x8x512xf32>
    %get3A_13 = vector.shape_cast %get3A_12 : vector<1x8x512xf32> to vector<8x512xf32>
    %iota3A = tpu.iota {dimensions = array<i32: 1>} : vector<8x512xi32>
    %iota3A_14 = tpu.iota {dimensions = array<i32: 1>} : vector<8x256xi32>
    %broadcast_in_dim3A = arith.constant 1.000000e+10 : f32
    %broadcast_in_dim3A_15 = vector.broadcast %broadcast_in_dim3A : f32 to vector<8x512xf32>
    %broadcast_in_dim3A_16 = arith.constant 0 : i32
    %broadcast_in_dim3A_17 = vector.broadcast %broadcast_in_dim3A_16 : i32 to vector<8x1xi32>
    %broadcast_in_dim3A_18 = arith.constant 0.000000e+00 : f32
    %broadcast_in_dim3A_19 = vector.broadcast %broadcast_in_dim3A_18 : f32 to vector<8x256xf32>
    %broadcast_in_dim3A_20 = arith.constant 0.000000e+00 : f32
    %broadcast_in_dim3A_21 = vector.broadcast %broadcast_in_dim3A_20 : f32 to vector<8x256xf32>
    %broadcast_in_dim3A_22 = arith.constant 0.000000e+00 : f32
    %broadcast_in_dim3A_23 = vector.broadcast %broadcast_in_dim3A_22 : f32 to vector<8x256xf32>
    %scan3A = arith.constant 0 : i32
    %scan3A_24 = arith.constant 256 : i32
    %scan3A_25 = arith.addi %scan3A, %scan3A_24 : i32
    %scan3A_26 = arith.constant 1 : i32
    %scan3A_27:5 = scf.for %scan3A_46 = %scan3A to %scan3A_25 step %scan3A_26 iter_args(%scan3A_47 = %broadcast_in_dim3A_15, %scan3A_48 = %broadcast_in_dim3A_17, %scan3A_49 = %broadcast_in_dim3A_19, %scan3A_50 = %broadcast_in_dim3A_21, %scan3A_51 = %broadcast_in_dim3A_23) -> (vector<8x512xf32>, vector<8x1xi32>, vector<8x256xf32>, vector<8x256xf32>, vector<8x256xf32>)  : i32 {
      %eq3A = vector.broadcast %scan3A_48 : vector<8x1xi32> to vector<8x512xi32>
      %eq3A_52 = arith.cmpi eq, %iota3A, %eq3A : vector<8x512xi32>
      %jit3A = arith.constant 0.000000e+00 : f32
      %broadcast_in_dim3A_53 = vector.broadcast %jit3A : f32 to vector<8x512xf32>
      %select_n3A = arith.select %eq3A_52, %get3A_3, %broadcast_in_dim3A_53 : vector<8x512xi1>, vector<8x512xf32>
      %reduce_sum3A = arith.constant dense<0.000000e+00> : vector<8xf32>
      %reduce_sum3A_54 = vector.multi_reduction <add>, %select_n3A, %reduce_sum3A [1] : vector<8x512xf32> to vector<8xf32>
      %broadcast_in_dim3A_55 = vector.shape_cast %reduce_sum3A_54 : vector<8xf32> to vector<8x1xf32>
      %jit3A_56 = arith.constant 0.000000e+00 : f32
      %broadcast_in_dim3A_57 = vector.broadcast %jit3A_56 : f32 to vector<8x512xf32>
      %select_n3A_58 = arith.select %eq3A_52, %get3A_8, %broadcast_in_dim3A_57 : vector<8x512xi1>, vector<8x512xf32>
      %reduce_sum3A_59 = arith.constant dense<0.000000e+00> : vector<8xf32>
      %reduce_sum3A_60 = vector.multi_reduction <add>, %select_n3A_58, %reduce_sum3A_59 [1] : vector<8x512xf32> to vector<8xf32>
      %broadcast_in_dim3A_61 = vector.shape_cast %reduce_sum3A_60 : vector<8xf32> to vector<8x1xf32>
      %jit3A_62 = arith.constant 0.000000e+00 : f32
      %broadcast_in_dim3A_63 = vector.broadcast %jit3A_62 : f32 to vector<8x512xf32>
      %select_n3A_64 = arith.select %eq3A_52, %get3A_13, %broadcast_in_dim3A_63 : vector<8x512xi1>, vector<8x512xf32>
      %reduce_sum3A_65 = arith.constant dense<0.000000e+00> : vector<8xf32>
      %reduce_sum3A_66 = vector.multi_reduction <add>, %select_n3A_64, %reduce_sum3A_65 [1] : vector<8x512xf32> to vector<8xf32>
      %broadcast_in_dim3A_67 = vector.shape_cast %reduce_sum3A_66 : vector<8xf32> to vector<8x1xf32>
      %eq3A_68 = vector.broadcast %scan3A_46 : i32 to vector<8x256xi32>
      %eq3A_69 = arith.cmpi eq, %iota3A_14, %eq3A_68 : vector<8x256xi32>
      %broadcast_in_dim3A_70 = vector.shape_cast %broadcast_in_dim3A_55 : vector<8x1xf32> to vector<8x1xf32>
      %broadcast_in_dim3A_71 = vector.broadcast %broadcast_in_dim3A_70 : vector<8x1xf32> to vector<8x256xf32>
      %select_n3A_72 = arith.select %eq3A_69, %broadcast_in_dim3A_71, %scan3A_49 : vector<8x256xi1>, vector<8x256xf32>
      %broadcast_in_dim3A_73 = vector.shape_cast %broadcast_in_dim3A_61 : vector<8x1xf32> to vector<8x1xf32>
      %broadcast_in_dim3A_74 = vector.broadcast %broadcast_in_dim3A_73 : vector<8x1xf32> to vector<8x256xf32>
      %select_n3A_75 = arith.select %eq3A_69, %broadcast_in_dim3A_74, %scan3A_50 : vector<8x256xi1>, vector<8x256xf32>
      %broadcast_in_dim3A_76 = vector.shape_cast %broadcast_in_dim3A_67 : vector<8x1xf32> to vector<8x1xf32>
      %broadcast_in_dim3A_77 = vector.broadcast %broadcast_in_dim3A_76 : vector<8x1xf32> to vector<8x256xf32>
      %select_n3A_78 = arith.select %eq3A_69, %broadcast_in_dim3A_77, %scan3A_51 : vector<8x256xi1>, vector<8x256xf32>
      %sub3A = vector.broadcast %broadcast_in_dim3A_55 : vector<8x1xf32> to vector<8x512xf32>
      %sub3A_79 = arith.subf %get3A_3, %sub3A : vector<8x512xf32>
      %sub3A_80 = vector.broadcast %broadcast_in_dim3A_61 : vector<8x1xf32> to vector<8x512xf32>
      %sub3A_81 = arith.subf %get3A_8, %sub3A_80 : vector<8x512xf32>
      %sub3A_82 = vector.broadcast %broadcast_in_dim3A_67 : vector<8x1xf32> to vector<8x512xf32>
      %sub3A_83 = arith.subf %get3A_13, %sub3A_82 : vector<8x512xf32>
      %mul3A = arith.mulf %sub3A_79, %sub3A_79 : vector<8x512xf32>
      %mul3A_84 = arith.mulf %sub3A_81, %sub3A_81 : vector<8x512xf32>
      %add3A = arith.addf %mul3A, %mul3A_84 : vector<8x512xf32>
      %mul3A_85 = arith.mulf %sub3A_83, %sub3A_83 : vector<8x512xf32>
      %add3A_86 = arith.addf %add3A, %mul3A_85 : vector<8x512xf32>
      %min3A = arith.minimumf %scan3A_47, %add3A_86 : vector<8x512xf32>
      %reduce_max3A = arith.constant dense<0xFF800000> : vector<8xf32>
      %reduce_max3A_87 = vector.multi_reduction <maximumf>, %min3A, %reduce_max3A [1] : vector<8x512xf32> to vector<8xf32>
      %broadcast_in_dim3A_88 = vector.shape_cast %reduce_max3A_87 : vector<8xf32> to vector<8x1xf32>
      %eq3A_89 = vector.broadcast %broadcast_in_dim3A_88 : vector<8x1xf32> to vector<8x512xf32>
      %eq3A_90 = arith.cmpf oeq, %min3A, %eq3A_89 : vector<8x512xf32>
      %jit3A_91 = arith.constant 512 : i32
      %broadcast_in_dim3A_92 = vector.broadcast %jit3A_91 : i32 to vector<8x512xi32>
      %select_n3A_93 = arith.select %eq3A_90, %iota3A, %broadcast_in_dim3A_92 : vector<8x512xi1>, vector<8x512xi32>
      %reduce_min3A = arith.constant dense<2147483647> : vector<8xi32>
      %reduce_min3A_94 = vector.multi_reduction <minsi>, %select_n3A_93, %reduce_min3A [1] : vector<8x512xi32> to vector<8xi32>
      %broadcast_in_dim3A_95 = vector.shape_cast %reduce_min3A_94 : vector<8xi32> to vector<8x1xi32>
      scf.yield %min3A, %broadcast_in_dim3A_95, %select_n3A_72, %select_n3A_75, %select_n3A_78 : vector<8x512xf32>, vector<8x1xi32>, vector<8x256xf32>, vector<8x256xf32>, vector<8x256xf32>
    }
    %scan3A_28 = arith.constant 256 : i32
    %swap3A = arith.constant 0 : index
    %swap3A_29 = arith.constant 0 : index
    %swap3A_30 = arith.constant 0 : index
    %swap3A_31 = vector.load %arg1[%swap3A, %swap3A_29, %swap3A_30] : memref<3x8x256xf32, #tpu.memory_space<vmem>>, vector<1x8x256xf32>
    %swap3A_32 = vector.shape_cast %swap3A_31 : vector<1x8x256xf32> to vector<8x256xf32>
    %swap3A_33 = vector.shape_cast %scan3A_27#2 : vector<8x256xf32> to vector<1x8x256xf32>
    tpu.vector_store %arg1[%swap3A, %swap3A_29, %swap3A_30], %swap3A_33 {strides = array<i32>} : memref<3x8x256xf32, #tpu.memory_space<vmem>>, vector<1x8x256xf32>,
    %swap3A_34 = arith.constant 1 : index
    %swap3A_35 = arith.constant 0 : index
    %swap3A_36 = arith.constant 0 : index
    %swap3A_37 = vector.load %arg1[%swap3A_34, %swap3A_35, %swap3A_36] : memref<3x8x256xf32, #tpu.memory_space<vmem>>, vector<1x8x256xf32>
    %swap3A_38 = vector.shape_cast %swap3A_37 : vector<1x8x256xf32> to vector<8x256xf32>
    %swap3A_39 = vector.shape_cast %scan3A_27#3 : vector<8x256xf32> to vector<1x8x256xf32>
    tpu.vector_store %arg1[%swap3A_34, %swap3A_35, %swap3A_36], %swap3A_39 {strides = array<i32>} : memref<3x8x256xf32, #tpu.memory_space<vmem>>, vector<1x8x256xf32>,
    %swap3A_40 = arith.constant 2 : index
    %swap3A_41 = arith.constant 0 : index
    %swap3A_42 = arith.constant 0 : index
    %swap3A_43 = vector.load %arg1[%swap3A_40, %swap3A_41, %swap3A_42] : memref<3x8x256xf32, #tpu.memory_space<vmem>>, vector<1x8x256xf32>
    %swap3A_44 = vector.shape_cast %swap3A_43 : vector<1x8x256xf32> to vector<8x256xf32>
    %swap3A_45 = vector.shape_cast %scan3A_27#4 : vector<8x256xf32> to vector<1x8x256xf32>
    tpu.vector_store %arg1[%swap3A_40, %swap3A_41, %swap3A_42], %swap3A_45 {strides = array<i32>} : memref<3x8x256xf32, #tpu.memory_space<vmem>>, vector<1x8x256xf32>,
    return
  }
}

module attributes {stable_mosaic.version = 14 : i64} {
  func.func @_knn_body(%arg0: i32, %arg1: i32, %arg2: memref<1x256x3xf32, #tpu.memory_space<vmem>>, %arg3: memref<3x1x1x512xf32, #tpu.memory_space<vmem>>, %arg4: memref<1x256x32xi32, #tpu.memory_space<vmem>>, %arg5: memref<256x512xf32, #tpu.memory_space<vmem>>) attributes {dimension_semantics = [#tpu.dimension_semantics<arbitrary>, #tpu.dimension_semantics<arbitrary>], iteration_bounds = array<i64: 8, 1>, scalar_prefetch = 0 : i64, scratch_operands = 1 : i64, tpu.core_type = #tpu.core_type<tc>, window_params = [{transform_indices = @transform_0, window_bounds = array<i64: 1, 256, 3>}, {transform_indices = @transform_1, window_bounds = array<i64: 3, 1, 1, 512>}, {transform_indices = @transform_2, window_bounds = array<i64: 1, 256, 32>}]} {
    %get3A = arith.constant 0 : index
    %get3A_0 = arith.constant 0 : index
    %get3A_1 = arith.constant 0 : index
    %get3A_2 = vector.load %arg2[%get3A, %get3A_0, %get3A_1] : memref<1x256x3xf32, #tpu.memory_space<vmem>>, vector<1x256x3xf32>
    %get3A_3 = vector.shape_cast %get3A_2 : vector<1x256x3xf32> to vector<256x3xf32>
    %slice3A = vector.extract_strided_slice %get3A_3 {offsets = [0, 0], sizes = [256, 1], strides = [1, 1]} : vector<256x3xf32> to vector<256x1xf32>
    %slice3A_4 = vector.extract_strided_slice %get3A_3 {offsets = [0, 1], sizes = [256, 1], strides = [1, 1]} : vector<256x3xf32> to vector<256x1xf32>
    %slice3A_5 = vector.extract_strided_slice %get3A_3 {offsets = [0, 2], sizes = [256, 1], strides = [1, 1]} : vector<256x3xf32> to vector<256x1xf32>
    %get3A_6 = arith.constant 0 : index
    %get3A_7 = arith.constant 0 : index
    %get3A_8 = arith.constant 0 : index
    %get3A_9 = arith.constant 0 : index
    %get3A_10 = vector.load %arg3[%get3A_6, %get3A_7, %get3A_8, %get3A_9] : memref<3x1x1x512xf32, #tpu.memory_space<vmem>>, vector<3x1x1x512xf32>
    %get3A_11 = vector.shape_cast %get3A_10 : vector<3x1x1x512xf32> to vector<3x512xf32>
    %get3A_12 = arith.constant 0 : index
    %get3A_13 = arith.constant 0 : index
    %get3A_14 = arith.constant 0 : index
    %get3A_15 = arith.constant 0 : index
    %get3A_16 = vector.load %arg3[%get3A_12, %get3A_13, %get3A_14, %get3A_15] : memref<3x1x1x512xf32, #tpu.memory_space<vmem>>, vector<1x1x1x512xf32>
    %get3A_17 = vector.shape_cast %get3A_16 : vector<1x1x1x512xf32> to vector<1x512xf32>
    %get3A_18 = arith.constant 1 : index
    %get3A_19 = arith.constant 0 : index
    %get3A_20 = arith.constant 0 : index
    %get3A_21 = arith.constant 0 : index
    %get3A_22 = vector.load %arg3[%get3A_18, %get3A_19, %get3A_20, %get3A_21] : memref<3x1x1x512xf32, #tpu.memory_space<vmem>>, vector<1x1x1x512xf32>
    %get3A_23 = vector.shape_cast %get3A_22 : vector<1x1x1x512xf32> to vector<1x512xf32>
    %get3A_24 = arith.constant 2 : index
    %get3A_25 = arith.constant 0 : index
    %get3A_26 = arith.constant 0 : index
    %get3A_27 = arith.constant 0 : index
    %get3A_28 = vector.load %arg3[%get3A_24, %get3A_25, %get3A_26, %get3A_27] : memref<3x1x1x512xf32, #tpu.memory_space<vmem>>, vector<1x1x1x512xf32>
    %get3A_29 = vector.shape_cast %get3A_28 : vector<1x1x1x512xf32> to vector<1x512xf32>
    %mul3A = arith.mulf %slice3A, %slice3A : vector<256x1xf32>
    %mul3A_30 = arith.mulf %slice3A_4, %slice3A_4 : vector<256x1xf32>
    %add3A = arith.addf %mul3A, %mul3A_30 : vector<256x1xf32>
    %mul3A_31 = arith.mulf %slice3A_5, %slice3A_5 : vector<256x1xf32>
    %add3A_32 = arith.addf %add3A, %mul3A_31 : vector<256x1xf32>
    %mul3A_33 = arith.mulf %get3A_17, %get3A_17 : vector<1x512xf32>
    %mul3A_34 = arith.mulf %get3A_23, %get3A_23 : vector<1x512xf32>
    %add3A_35 = arith.addf %mul3A_33, %mul3A_34 : vector<1x512xf32>
    %mul3A_36 = arith.mulf %get3A_29, %get3A_29 : vector<1x512xf32>
    %add3A_37 = arith.addf %add3A_35, %mul3A_36 : vector<1x512xf32>
    %convert_element_type3A = arith.truncf %get3A_3 : vector<256x3xf32> to vector<256x3xbf16>
    %convert_element_type3A_38 = arith.truncf %get3A_11 : vector<3x512xf32> to vector<3x512xbf16>
    %dot_general3A = arith.constant dense<0.000000e+00> : vector<256x512xf32>
    %dot_general3A_39 = tpu.matmul %convert_element_type3A, %convert_element_type3A_38, %dot_general3A {dimension_numbers = #tpu.dot_dimension_numbers<[1], [0], [0], [1], [0, 0, 1, 1], [], []>, transpose_lhs_hint = false} : vector<256x3xbf16>, vector<3x512xbf16>, vector<256x512xf32> -> vector<256x512xf32>
    %add3A_40 = vector.broadcast %add3A_32 : vector<256x1xf32> to vector<256x512xf32>
    %add3A_41 = vector.broadcast %add3A_37 : vector<1x512xf32> to vector<256x512xf32>
    %add3A_42 = arith.addf %add3A_40, %add3A_41 : vector<256x512xf32>
    %mul3A_43 = arith.constant 2.000000e+00 : f32
    %mul3A_44 = vector.broadcast %mul3A_43 : f32 to vector<256x512xf32>
    %mul3A_45 = arith.mulf %mul3A_44, %dot_general3A_39 : vector<256x512xf32>
    %sub3A = arith.subf %add3A_42, %mul3A_45 : vector<256x512xf32>
    %swap3A = arith.constant 0 : index
    %swap3A_46 = arith.constant 0 : index
    %swap3A_47 = vector.load %arg5[%swap3A, %swap3A_46] : memref<256x512xf32, #tpu.memory_space<vmem>>, vector<256x512xf32>
    tpu.vector_store %arg5[%swap3A, %swap3A_46], %sub3A {strides = array<i32>} : memref<256x512xf32, #tpu.memory_space<vmem>>, vector<256x512xf32>,
    %iota3A = tpu.iota {dimensions = array<i32: 1>} : vector<256x512xi32>
    %iota3A_48 = tpu.iota {dimensions = array<i32: 1>} : vector<256x32xi32>
    %broadcast_in_dim3A = arith.constant 0 : i32
    %broadcast_in_dim3A_49 = vector.broadcast %broadcast_in_dim3A : i32 to vector<256x32xi32>
    %scan3A = arith.constant 0 : i32
    %scan3A_50 = arith.constant 32 : i32
    %scan3A_51 = arith.addi %scan3A, %scan3A_50 : i32
    %scan3A_52 = arith.constant 1 : i32
    %scan3A_53 = scf.for %scan3A_61 = %scan3A to %scan3A_51 step %scan3A_52 iter_args(%scan3A_62 = %broadcast_in_dim3A_49) -> (vector<256x32xi32>)  : i32 {
      %get3A_63 = arith.constant 0 : index
      %get3A_64 = arith.constant 0 : index
      %get3A_65 = vector.load %arg5[%get3A_63, %get3A_64] : memref<256x512xf32, #tpu.memory_space<vmem>>, vector<256x512xf32>
      %reduce_min3A = arith.constant dense<0x7F800000> : vector<256xf32>
      %reduce_min3A_66 = vector.multi_reduction <minimumf>, %get3A_65, %reduce_min3A [1] : vector<256x512xf32> to vector<256xf32>
      %broadcast_in_dim3A_67 = vector.shape_cast %reduce_min3A_66 : vector<256xf32> to vector<256x1xf32>
      %eq3A = vector.broadcast %broadcast_in_dim3A_67 : vector<256x1xf32> to vector<256x512xf32>
      %eq3A_68 = arith.cmpf oeq, %get3A_65, %eq3A : vector<256x512xf32>
      %jit3A = arith.constant 512 : i32
      %broadcast_in_dim3A_69 = vector.broadcast %jit3A : i32 to vector<256x512xi32>
      %select_n3A = arith.select %eq3A_68, %iota3A, %broadcast_in_dim3A_69 : vector<256x512xi1>, vector<256x512xi32>
      %reduce_min3A_70 = arith.constant dense<2147483647> : vector<256xi32>
      %reduce_min3A_71 = vector.multi_reduction <minsi>, %select_n3A, %reduce_min3A_70 [1] : vector<256x512xi32> to vector<256xi32>
      %broadcast_in_dim3A_72 = vector.shape_cast %reduce_min3A_71 : vector<256xi32> to vector<256x1xi32>
      %eq3A_73 = vector.broadcast %broadcast_in_dim3A_72 : vector<256x1xi32> to vector<256x512xi32>
      %eq3A_74 = arith.cmpi eq, %iota3A, %eq3A_73 : vector<256x512xi32>
      %jit3A_75 = arith.constant 0x7F800000 : f32
      %broadcast_in_dim3A_76 = vector.broadcast %jit3A_75 : f32 to vector<256x512xf32>
      %select_n3A_77 = arith.select %eq3A_74, %broadcast_in_dim3A_76, %get3A_65 : vector<256x512xi1>, vector<256x512xf32>
      %swap3A_78 = arith.constant 0 : index
      %swap3A_79 = arith.constant 0 : index
      %swap3A_80 = vector.load %arg5[%swap3A_78, %swap3A_79] : memref<256x512xf32, #tpu.memory_space<vmem>>, vector<256x512xf32>
      tpu.vector_store %arg5[%swap3A_78, %swap3A_79], %select_n3A_77 {strides = array<i32>} : memref<256x512xf32, #tpu.memory_space<vmem>>, vector<256x512xf32>,
      %eq3A_81 = vector.broadcast %scan3A_61 : i32 to vector<256x32xi32>
      %eq3A_82 = arith.cmpi eq, %iota3A_48, %eq3A_81 : vector<256x32xi32>
      %broadcast_in_dim3A_83 = vector.shape_cast %broadcast_in_dim3A_72 : vector<256x1xi32> to vector<256x1xi32>
      %broadcast_in_dim3A_84 = vector.broadcast %broadcast_in_dim3A_83 : vector<256x1xi32> to vector<256x32xi32>
      %select_n3A_85 = arith.select %eq3A_82, %broadcast_in_dim3A_84, %scan3A_62 : vector<256x32xi1>, vector<256x32xi32>
      scf.yield %select_n3A_85 : vector<256x32xi32>
    }
    %scan3A_54 = arith.constant 32 : i32
    %swap3A_55 = arith.constant 0 : index
    %swap3A_56 = arith.constant 0 : index
    %swap3A_57 = arith.constant 0 : index
    %swap3A_58 = vector.load %arg4[%swap3A_55, %swap3A_56, %swap3A_57] : memref<1x256x32xi32, #tpu.memory_space<vmem>>, vector<1x256x32xi32>
    %swap3A_59 = vector.shape_cast %swap3A_58 : vector<1x256x32xi32> to vector<256x32xi32>
    %swap3A_60 = vector.shape_cast %scan3A_53 : vector<256x32xi32> to vector<1x256x32xi32>
    tpu.vector_store %arg4[%swap3A_55, %swap3A_56, %swap3A_57], %swap3A_60 {strides = array<i32>} : memref<1x256x32xi32, #tpu.memory_space<vmem>>, vector<1x256x32xi32>,
    return
  }
  func.func @transform_0(%arg0: i32, %arg1: i32) -> (i32, i32, i32) {
    %c0_i32 = arith.constant 0 : i32
    %c0_i32_0 = arith.constant 0 : i32
    return %arg0, %arg1, %c0_i32 : i32, i32, i32
  }
  func.func @transform_1(%arg0: i32, %arg1: i32) -> (i32, i32, i32, i32) {
    %c0_i32 = arith.constant 0 : i32
    %c0_i32_0 = arith.constant 0 : i32
    %c0_i32_1 = arith.constant 0 : i32
    %c0_i32_2 = arith.constant 0 : i32
    return %c0_i32, %arg0, %c0_i32_0, %c0_i32_1 : i32, i32, i32, i32
  }
  func.func @transform_2(%arg0: i32, %arg1: i32) -> (i32, i32, i32) {
    %c0_i32 = arith.constant 0 : i32
    %c0_i32_0 = arith.constant 0 : i32
    return %arg0, %arg1, %c0_i32 : i32, i32, i32
  }
}

module attributes {stable_mosaic.version = 14 : i64} {
  func.func @_sa2_body(%arg0: i32, %arg1: i32, %arg2: memref<1x32x128x80xf32, #tpu.memory_space<vmem>>, %arg3: memref<1x128x3xf32, #tpu.memory_space<vmem>>, %arg4: memref<80x64xf32, #tpu.memory_space<vmem>>, %arg5: memref<1x64xf32, #tpu.memory_space<vmem>>, %arg6: memref<64x64xf32, #tpu.memory_space<vmem>>, %arg7: memref<1x64xf32, #tpu.memory_space<vmem>>, %arg8: memref<64x128xf32, #tpu.memory_space<vmem>>, %arg9: memref<1x128xf32, #tpu.memory_space<vmem>>, %arg10: memref<1x128x128xf32, #tpu.memory_space<vmem>>) attributes {dimension_semantics = [#tpu.dimension_semantics<arbitrary>, #tpu.dimension_semantics<arbitrary>], iteration_bounds = array<i64: 8, 4>, scalar_prefetch = 0 : i64, scratch_operands = 0 : i64, tpu.core_type = #tpu.core_type<tc>, window_params = [{transform_indices = @transform_0, window_bounds = array<i64: 1, 32, 128, 80>}, {transform_indices = @transform_1, window_bounds = array<i64: 1, 128, 3>}, {pipeline_mode = #tpu.pipeline_mode<synchronous>, transform_indices = @transform_2, window_bounds = array<i64: 80, 64>}, {pipeline_mode = #tpu.pipeline_mode<synchronous>, transform_indices = @transform_3, window_bounds = array<i64: 1, 64>}, {pipeline_mode = #tpu.pipeline_mode<synchronous>, transform_indices = @transform_4, window_bounds = array<i64: 64, 64>}, {pipeline_mode = #tpu.pipeline_mode<synchronous>, transform_indices = @transform_5, window_bounds = array<i64: 1, 64>}, {pipeline_mode = #tpu.pipeline_mode<synchronous>, transform_indices = @transform_6, window_bounds = array<i64: 64, 128>}, {pipeline_mode = #tpu.pipeline_mode<synchronous>, transform_indices = @transform_7, window_bounds = array<i64: 1, 128>}, {transform_indices = @transform_8, window_bounds = array<i64: 1, 128, 128>}]} {
    %get3A = arith.constant 0 : index
    %get3A_0 = arith.constant 0 : index
    %get3A_1 = arith.constant 0 : index
    %get3A_2 = vector.load %arg3[%get3A, %get3A_0, %get3A_1] : memref<1x128x3xf32, #tpu.memory_space<vmem>>, vector<1x128x3xf32>
    %get3A_3 = vector.shape_cast %get3A_2 : vector<1x128x3xf32> to vector<128x3xf32>
    %broadcast_in_dim3A = arith.constant 0.000000e+00 : f32
    %broadcast_in_dim3A_4 = vector.broadcast %broadcast_in_dim3A : f32 to vector<128x77xf32>
    %concatenate3A = tpu.concatenate %get3A_3, %broadcast_in_dim3A_4 in 1 : vector<128x3xf32>, vector<128x77xf32> -> vector<128x80xf32>
    %get3A_5 = arith.constant 0 : index
    %get3A_6 = arith.constant 0 : index
    %get3A_7 = arith.constant 0 : index
    %get3A_8 = arith.constant 0 : index
    %get3A_9 = vector.load %arg2[%get3A_5, %get3A_6, %get3A_7, %get3A_8] : memref<1x32x128x80xf32, #tpu.memory_space<vmem>>, vector<1x32x128x80xf32>
    %get3A_10 = vector.shape_cast %get3A_9 : vector<1x32x128x80xf32> to vector<32x128x80xf32>
    %broadcast_in_dim3A_11 = vector.shape_cast %concatenate3A : vector<128x80xf32> to vector<1x128x80xf32>
    %sub3A = vector.broadcast %broadcast_in_dim3A_11 : vector<1x128x80xf32> to vector<32x128x80xf32>
    %sub3A_12 = arith.subf %get3A_10, %sub3A : vector<32x128x80xf32>
    %reshape3A = vector.shape_cast %sub3A_12 : vector<32x128x80xf32> to vector<4096x80xf32>
    %get3A_13 = arith.constant 0 : index
    %get3A_14 = arith.constant 0 : index
    %get3A_15 = vector.load %arg4[%get3A_13, %get3A_14] : memref<80x64xf32, #tpu.memory_space<vmem>>, vector<80x64xf32>
    %get3A_16 = arith.constant 0 : index
    %get3A_17 = arith.constant 0 : index
    %get3A_18 = vector.load %arg5[%get3A_16, %get3A_17] : memref<1x64xf32, #tpu.memory_space<vmem>>, vector<1x64xf32>
    %convert_element_type3A = arith.truncf %reshape3A : vector<4096x80xf32> to vector<4096x80xbf16>
    %convert_element_type3A_19 = arith.truncf %get3A_15 : vector<80x64xf32> to vector<80x64xbf16>
    %dot_general3A = arith.constant dense<0.000000e+00> : vector<4096x64xf32>
    %dot_general3A_20 = tpu.matmul %convert_element_type3A, %convert_element_type3A_19, %dot_general3A {dimension_numbers = #tpu.dot_dimension_numbers<[1], [0], [0], [1], [0, 0, 1, 1], [], []>, transpose_lhs_hint = false} : vector<4096x80xbf16>, vector<80x64xbf16>, vector<4096x64xf32> -> vector<4096x64xf32>
    %add3A = vector.broadcast %get3A_18 : vector<1x64xf32> to vector<4096x64xf32>
    %add3A_21 = arith.addf %dot_general3A_20, %add3A : vector<4096x64xf32>
    %max3A = arith.constant 0.000000e+00 : f32
    %max3A_22 = vector.broadcast %max3A : f32 to vector<4096x64xf32>
    %max3A_23 = arith.maximumf %add3A_21, %max3A_22 : vector<4096x64xf32>
    %get3A_24 = arith.constant 0 : index
    %get3A_25 = arith.constant 0 : index
    %get3A_26 = vector.load %arg6[%get3A_24, %get3A_25] : memref<64x64xf32, #tpu.memory_space<vmem>>, vector<64x64xf32>
    %get3A_27 = arith.constant 0 : index
    %get3A_28 = arith.constant 0 : index
    %get3A_29 = vector.load %arg7[%get3A_27, %get3A_28] : memref<1x64xf32, #tpu.memory_space<vmem>>, vector<1x64xf32>
    %convert_element_type3A_30 = arith.truncf %max3A_23 : vector<4096x64xf32> to vector<4096x64xbf16>
    %convert_element_type3A_31 = arith.truncf %get3A_26 : vector<64x64xf32> to vector<64x64xbf16>
    %dot_general3A_32 = arith.constant dense<0.000000e+00> : vector<4096x64xf32>
    %dot_general3A_33 = tpu.matmul %convert_element_type3A_30, %convert_element_type3A_31, %dot_general3A_32 {dimension_numbers = #tpu.dot_dimension_numbers<[1], [0], [0], [1], [0, 0, 1, 1], [], []>, transpose_lhs_hint = false} : vector<4096x64xbf16>, vector<64x64xbf16>, vector<4096x64xf32> -> vector<4096x64xf32>
    %add3A_34 = vector.broadcast %get3A_29 : vector<1x64xf32> to vector<4096x64xf32>
    %add3A_35 = arith.addf %dot_general3A_33, %add3A_34 : vector<4096x64xf32>
    %max3A_36 = arith.constant 0.000000e+00 : f32
    %max3A_37 = vector.broadcast %max3A_36 : f32 to vector<4096x64xf32>
    %max3A_38 = arith.maximumf %add3A_35, %max3A_37 : vector<4096x64xf32>
    %get3A_39 = arith.constant 0 : index
    %get3A_40 = arith.constant 0 : index
    %get3A_41 = vector.load %arg8[%get3A_39, %get3A_40] : memref<64x128xf32, #tpu.memory_space<vmem>>, vector<64x128xf32>
    %get3A_42 = arith.constant 0 : index
    %get3A_43 = arith.constant 0 : index
    %get3A_44 = vector.load %arg9[%get3A_42, %get3A_43] : memref<1x128xf32, #tpu.memory_space<vmem>>, vector<1x128xf32>
    %convert_element_type3A_45 = arith.truncf %max3A_38 : vector<4096x64xf32> to vector<4096x64xbf16>
    %convert_element_type3A_46 = arith.truncf %get3A_41 : vector<64x128xf32> to vector<64x128xbf16>
    %dot_general3A_47 = arith.constant dense<0.000000e+00> : vector<4096x128xf32>
    %dot_general3A_48 = tpu.matmul %convert_element_type3A_45, %convert_element_type3A_46, %dot_general3A_47 {dimension_numbers = #tpu.dot_dimension_numbers<[1], [0], [0], [1], [0, 0, 1, 1], [], []>, transpose_lhs_hint = false} : vector<4096x64xbf16>, vector<64x128xbf16>, vector<4096x128xf32> -> vector<4096x128xf32>
    %add3A_49 = vector.broadcast %get3A_44 : vector<1x128xf32> to vector<4096x128xf32>
    %add3A_50 = arith.addf %dot_general3A_48, %add3A_49 : vector<4096x128xf32>
    %max3A_51 = arith.constant 0.000000e+00 : f32
    %max3A_52 = vector.broadcast %max3A_51 : f32 to vector<4096x128xf32>
    %max3A_53 = arith.maximumf %add3A_50, %max3A_52 : vector<4096x128xf32>
    %reshape3A_54 = vector.shape_cast %max3A_53 : vector<4096x128xf32> to vector<32x128x128xf32>
    %reduce_max3A = arith.constant dense<0xFF800000> : vector<128x128xf32>
    %reduce_max3A_55 = vector.multi_reduction <maximumf>, %reshape3A_54, %reduce_max3A [0] : vector<32x128x128xf32> to vector<128x128xf32>
    %swap3A = arith.constant 0 : index
    %swap3A_56 = arith.constant 0 : index
    %swap3A_57 = arith.constant 0 : index
    %swap3A_58 = vector.load %arg10[%swap3A, %swap3A_56, %swap3A_57] : memref<1x128x128xf32, #tpu.memory_space<vmem>>, vector<1x128x128xf32>
    %swap3A_59 = vector.shape_cast %swap3A_58 : vector<1x128x128xf32> to vector<128x128xf32>
    %swap3A_60 = vector.shape_cast %reduce_max3A_55 : vector<128x128xf32> to vector<1x128x128xf32>
    tpu.vector_store %arg10[%swap3A, %swap3A_56, %swap3A_57], %swap3A_60 {strides = array<i32>} : memref<1x128x128xf32, #tpu.memory_space<vmem>>, vector<1x128x128xf32>,
    return
  }
  func.func @transform_0(%arg0: i32, %arg1: i32) -> (i32, i32, i32, i32) {
    %c0_i32 = arith.constant 0 : i32
    %c0_i32_0 = arith.constant 0 : i32
    %c0_i32_1 = arith.constant 0 : i32
    return %arg0, %c0_i32, %arg1, %c0_i32_0 : i32, i32, i32, i32
  }
  func.func @transform_1(%arg0: i32, %arg1: i32) -> (i32, i32, i32) {
    %c0_i32 = arith.constant 0 : i32
    %c0_i32_0 = arith.constant 0 : i32
    return %arg0, %arg1, %c0_i32 : i32, i32, i32
  }
  func.func @transform_2(%arg0: i32, %arg1: i32) -> (i32, i32) {
    %c0_i32 = arith.constant 0 : i32
    %c0_i32_0 = arith.constant 0 : i32
    %c0_i32_1 = arith.constant 0 : i32
    return %c0_i32, %c0_i32_0 : i32, i32
  }
  func.func @transform_3(%arg0: i32, %arg1: i32) -> (i32, i32) {
    %c0_i32 = arith.constant 0 : i32
    %c0_i32_0 = arith.constant 0 : i32
    %c0_i32_1 = arith.constant 0 : i32
    return %c0_i32, %c0_i32_0 : i32, i32
  }
  func.func @transform_4(%arg0: i32, %arg1: i32) -> (i32, i32) {
    %c0_i32 = arith.constant 0 : i32
    %c0_i32_0 = arith.constant 0 : i32
    %c0_i32_1 = arith.constant 0 : i32
    return %c0_i32, %c0_i32_0 : i32, i32
  }
  func.func @transform_5(%arg0: i32, %arg1: i32) -> (i32, i32) {
    %c0_i32 = arith.constant 0 : i32
    %c0_i32_0 = arith.constant 0 : i32
    %c0_i32_1 = arith.constant 0 : i32
    return %c0_i32, %c0_i32_0 : i32, i32
  }
  func.func @transform_6(%arg0: i32, %arg1: i32) -> (i32, i32) {
    %c0_i32 = arith.constant 0 : i32
    %c0_i32_0 = arith.constant 0 : i32
    %c0_i32_1 = arith.constant 0 : i32
    return %c0_i32, %c0_i32_0 : i32, i32
  }
  func.func @transform_7(%arg0: i32, %arg1: i32) -> (i32, i32) {
    %c0_i32 = arith.constant 0 : i32
    %c0_i32_0 = arith.constant 0 : i32
    %c0_i32_1 = arith.constant 0 : i32
    return %c0_i32, %c0_i32_0 : i32, i32
  }
  func.func @transform_8(%arg0: i32, %arg1: i32) -> (i32, i32, i32) {
    %c0_i32 = arith.constant 0 : i32
    %c0_i32_0 = arith.constant 0 : i32
    return %arg0, %arg1, %c0_i32 : i32, i32, i32
  }
}

module attributes {stable_mosaic.version = 14 : i64} {
  func.func @_fps_body(%arg0: memref<3x8x256xf32, #tpu.memory_space<vmem>>, %arg1: memref<3x8x128xf32, #tpu.memory_space<vmem>>) attributes {dimension_semantics = [], scalar_prefetch = 0 : i64, scratch_operands = 0 : i64, tpu.core_type = #tpu.core_type<tc>} {
    %get3A = arith.constant 0 : index
    %get3A_0 = arith.constant 0 : index
    %get3A_1 = arith.constant 0 : index
    %get3A_2 = vector.load %arg0[%get3A, %get3A_0, %get3A_1] : memref<3x8x256xf32, #tpu.memory_space<vmem>>, vector<1x8x256xf32>
    %get3A_3 = vector.shape_cast %get3A_2 : vector<1x8x256xf32> to vector<8x256xf32>
    %get3A_4 = arith.constant 1 : index
    %get3A_5 = arith.constant 0 : index
    %get3A_6 = arith.constant 0 : index
    %get3A_7 = vector.load %arg0[%get3A_4, %get3A_5, %get3A_6] : memref<3x8x256xf32, #tpu.memory_space<vmem>>, vector<1x8x256xf32>
    %get3A_8 = vector.shape_cast %get3A_7 : vector<1x8x256xf32> to vector<8x256xf32>
    %get3A_9 = arith.constant 2 : index
    %get3A_10 = arith.constant 0 : index
    %get3A_11 = arith.constant 0 : index
    %get3A_12 = vector.load %arg0[%get3A_9, %get3A_10, %get3A_11] : memref<3x8x256xf32, #tpu.memory_space<vmem>>, vector<1x8x256xf32>
    %get3A_13 = vector.shape_cast %get3A_12 : vector<1x8x256xf32> to vector<8x256xf32>
    %iota3A = tpu.iota {dimensions = array<i32: 1>} : vector<8x256xi32>
    %iota3A_14 = tpu.iota {dimensions = array<i32: 1>} : vector<8x128xi32>
    %broadcast_in_dim3A = arith.constant 1.000000e+10 : f32
    %broadcast_in_dim3A_15 = vector.broadcast %broadcast_in_dim3A : f32 to vector<8x256xf32>
    %broadcast_in_dim3A_16 = arith.constant 0 : i32
    %broadcast_in_dim3A_17 = vector.broadcast %broadcast_in_dim3A_16 : i32 to vector<8x1xi32>
    %broadcast_in_dim3A_18 = arith.constant 0.000000e+00 : f32
    %broadcast_in_dim3A_19 = vector.broadcast %broadcast_in_dim3A_18 : f32 to vector<8x128xf32>
    %broadcast_in_dim3A_20 = arith.constant 0.000000e+00 : f32
    %broadcast_in_dim3A_21 = vector.broadcast %broadcast_in_dim3A_20 : f32 to vector<8x128xf32>
    %broadcast_in_dim3A_22 = arith.constant 0.000000e+00 : f32
    %broadcast_in_dim3A_23 = vector.broadcast %broadcast_in_dim3A_22 : f32 to vector<8x128xf32>
    %scan3A = arith.constant 0 : i32
    %scan3A_24 = arith.constant 128 : i32
    %scan3A_25 = arith.addi %scan3A, %scan3A_24 : i32
    %scan3A_26 = arith.constant 1 : i32
    %scan3A_27:5 = scf.for %scan3A_46 = %scan3A to %scan3A_25 step %scan3A_26 iter_args(%scan3A_47 = %broadcast_in_dim3A_15, %scan3A_48 = %broadcast_in_dim3A_17, %scan3A_49 = %broadcast_in_dim3A_19, %scan3A_50 = %broadcast_in_dim3A_21, %scan3A_51 = %broadcast_in_dim3A_23) -> (vector<8x256xf32>, vector<8x1xi32>, vector<8x128xf32>, vector<8x128xf32>, vector<8x128xf32>)  : i32 {
      %eq3A = vector.broadcast %scan3A_48 : vector<8x1xi32> to vector<8x256xi32>
      %eq3A_52 = arith.cmpi eq, %iota3A, %eq3A : vector<8x256xi32>
      %jit3A = arith.constant 0.000000e+00 : f32
      %broadcast_in_dim3A_53 = vector.broadcast %jit3A : f32 to vector<8x256xf32>
      %select_n3A = arith.select %eq3A_52, %get3A_3, %broadcast_in_dim3A_53 : vector<8x256xi1>, vector<8x256xf32>
      %reduce_sum3A = arith.constant dense<0.000000e+00> : vector<8xf32>
      %reduce_sum3A_54 = vector.multi_reduction <add>, %select_n3A, %reduce_sum3A [1] : vector<8x256xf32> to vector<8xf32>
      %broadcast_in_dim3A_55 = vector.shape_cast %reduce_sum3A_54 : vector<8xf32> to vector<8x1xf32>
      %jit3A_56 = arith.constant 0.000000e+00 : f32
      %broadcast_in_dim3A_57 = vector.broadcast %jit3A_56 : f32 to vector<8x256xf32>
      %select_n3A_58 = arith.select %eq3A_52, %get3A_8, %broadcast_in_dim3A_57 : vector<8x256xi1>, vector<8x256xf32>
      %reduce_sum3A_59 = arith.constant dense<0.000000e+00> : vector<8xf32>
      %reduce_sum3A_60 = vector.multi_reduction <add>, %select_n3A_58, %reduce_sum3A_59 [1] : vector<8x256xf32> to vector<8xf32>
      %broadcast_in_dim3A_61 = vector.shape_cast %reduce_sum3A_60 : vector<8xf32> to vector<8x1xf32>
      %jit3A_62 = arith.constant 0.000000e+00 : f32
      %broadcast_in_dim3A_63 = vector.broadcast %jit3A_62 : f32 to vector<8x256xf32>
      %select_n3A_64 = arith.select %eq3A_52, %get3A_13, %broadcast_in_dim3A_63 : vector<8x256xi1>, vector<8x256xf32>
      %reduce_sum3A_65 = arith.constant dense<0.000000e+00> : vector<8xf32>
      %reduce_sum3A_66 = vector.multi_reduction <add>, %select_n3A_64, %reduce_sum3A_65 [1] : vector<8x256xf32> to vector<8xf32>
      %broadcast_in_dim3A_67 = vector.shape_cast %reduce_sum3A_66 : vector<8xf32> to vector<8x1xf32>
      %eq3A_68 = vector.broadcast %scan3A_46 : i32 to vector<8x128xi32>
      %eq3A_69 = arith.cmpi eq, %iota3A_14, %eq3A_68 : vector<8x128xi32>
      %broadcast_in_dim3A_70 = vector.shape_cast %broadcast_in_dim3A_55 : vector<8x1xf32> to vector<8x1xf32>
      %broadcast_in_dim3A_71 = vector.broadcast %broadcast_in_dim3A_70 : vector<8x1xf32> to vector<8x128xf32>
      %select_n3A_72 = arith.select %eq3A_69, %broadcast_in_dim3A_71, %scan3A_49 : vector<8x128xi1>, vector<8x128xf32>
      %broadcast_in_dim3A_73 = vector.shape_cast %broadcast_in_dim3A_61 : vector<8x1xf32> to vector<8x1xf32>
      %broadcast_in_dim3A_74 = vector.broadcast %broadcast_in_dim3A_73 : vector<8x1xf32> to vector<8x128xf32>
      %select_n3A_75 = arith.select %eq3A_69, %broadcast_in_dim3A_74, %scan3A_50 : vector<8x128xi1>, vector<8x128xf32>
      %broadcast_in_dim3A_76 = vector.shape_cast %broadcast_in_dim3A_67 : vector<8x1xf32> to vector<8x1xf32>
      %broadcast_in_dim3A_77 = vector.broadcast %broadcast_in_dim3A_76 : vector<8x1xf32> to vector<8x128xf32>
      %select_n3A_78 = arith.select %eq3A_69, %broadcast_in_dim3A_77, %scan3A_51 : vector<8x128xi1>, vector<8x128xf32>
      %sub3A = vector.broadcast %broadcast_in_dim3A_55 : vector<8x1xf32> to vector<8x256xf32>
      %sub3A_79 = arith.subf %get3A_3, %sub3A : vector<8x256xf32>
      %sub3A_80 = vector.broadcast %broadcast_in_dim3A_61 : vector<8x1xf32> to vector<8x256xf32>
      %sub3A_81 = arith.subf %get3A_8, %sub3A_80 : vector<8x256xf32>
      %sub3A_82 = vector.broadcast %broadcast_in_dim3A_67 : vector<8x1xf32> to vector<8x256xf32>
      %sub3A_83 = arith.subf %get3A_13, %sub3A_82 : vector<8x256xf32>
      %mul3A = arith.mulf %sub3A_79, %sub3A_79 : vector<8x256xf32>
      %mul3A_84 = arith.mulf %sub3A_81, %sub3A_81 : vector<8x256xf32>
      %add3A = arith.addf %mul3A, %mul3A_84 : vector<8x256xf32>
      %mul3A_85 = arith.mulf %sub3A_83, %sub3A_83 : vector<8x256xf32>
      %add3A_86 = arith.addf %add3A, %mul3A_85 : vector<8x256xf32>
      %min3A = arith.minimumf %scan3A_47, %add3A_86 : vector<8x256xf32>
      %reduce_max3A = arith.constant dense<0xFF800000> : vector<8xf32>
      %reduce_max3A_87 = vector.multi_reduction <maximumf>, %min3A, %reduce_max3A [1] : vector<8x256xf32> to vector<8xf32>
      %broadcast_in_dim3A_88 = vector.shape_cast %reduce_max3A_87 : vector<8xf32> to vector<8x1xf32>
      %eq3A_89 = vector.broadcast %broadcast_in_dim3A_88 : vector<8x1xf32> to vector<8x256xf32>
      %eq3A_90 = arith.cmpf oeq, %min3A, %eq3A_89 : vector<8x256xf32>
      %jit3A_91 = arith.constant 256 : i32
      %broadcast_in_dim3A_92 = vector.broadcast %jit3A_91 : i32 to vector<8x256xi32>
      %select_n3A_93 = arith.select %eq3A_90, %iota3A, %broadcast_in_dim3A_92 : vector<8x256xi1>, vector<8x256xi32>
      %reduce_min3A = arith.constant dense<2147483647> : vector<8xi32>
      %reduce_min3A_94 = vector.multi_reduction <minsi>, %select_n3A_93, %reduce_min3A [1] : vector<8x256xi32> to vector<8xi32>
      %broadcast_in_dim3A_95 = vector.shape_cast %reduce_min3A_94 : vector<8xi32> to vector<8x1xi32>
      scf.yield %min3A, %broadcast_in_dim3A_95, %select_n3A_72, %select_n3A_75, %select_n3A_78 : vector<8x256xf32>, vector<8x1xi32>, vector<8x128xf32>, vector<8x128xf32>, vector<8x128xf32>
    }
    %scan3A_28 = arith.constant 128 : i32
    %swap3A = arith.constant 0 : index
    %swap3A_29 = arith.constant 0 : index
    %swap3A_30 = arith.constant 0 : index
    %swap3A_31 = vector.load %arg1[%swap3A, %swap3A_29, %swap3A_30] : memref<3x8x128xf32, #tpu.memory_space<vmem>>, vector<1x8x128xf32>
    %swap3A_32 = vector.shape_cast %swap3A_31 : vector<1x8x128xf32> to vector<8x128xf32>
    %swap3A_33 = vector.shape_cast %scan3A_27#2 : vector<8x128xf32> to vector<1x8x128xf32>
    tpu.vector_store %arg1[%swap3A, %swap3A_29, %swap3A_30], %swap3A_33 {strides = array<i32>} : memref<3x8x128xf32, #tpu.memory_space<vmem>>, vector<1x8x128xf32>,
    %swap3A_34 = arith.constant 1 : index
    %swap3A_35 = arith.constant 0 : index
    %swap3A_36 = arith.constant 0 : index
    %swap3A_37 = vector.load %arg1[%swap3A_34, %swap3A_35, %swap3A_36] : memref<3x8x128xf32, #tpu.memory_space<vmem>>, vector<1x8x128xf32>
    %swap3A_38 = vector.shape_cast %swap3A_37 : vector<1x8x128xf32> to vector<8x128xf32>
    %swap3A_39 = vector.shape_cast %scan3A_27#3 : vector<8x128xf32> to vector<1x8x128xf32>
    tpu.vector_store %arg1[%swap3A_34, %swap3A_35, %swap3A_36], %swap3A_39 {strides = array<i32>} : memref<3x8x128xf32, #tpu.memory_space<vmem>>, vector<1x8x128xf32>,
    %swap3A_40 = arith.constant 2 : index
    %swap3A_41 = arith.constant 0 : index
    %swap3A_42 = arith.constant 0 : index
    %swap3A_43 = vector.load %arg1[%swap3A_40, %swap3A_41, %swap3A_42] : memref<3x8x128xf32, #tpu.memory_space<vmem>>, vector<1x8x128xf32>
    %swap3A_44 = vector.shape_cast %swap3A_43 : vector<1x8x128xf32> to vector<8x128xf32>
    %swap3A_45 = vector.shape_cast %scan3A_27#4 : vector<8x128xf32> to vector<1x8x128xf32>
    tpu.vector_store %arg1[%swap3A_40, %swap3A_41, %swap3A_42], %swap3A_45 {strides = array<i32>} : memref<3x8x128xf32, #tpu.memory_space<vmem>>, vector<1x8x128xf32>,
    return
  }
}

module attributes {stable_mosaic.version = 14 : i64} {
  func.func @_knn_body(%arg0: i32, %arg1: i32, %arg2: memref<1x128x3xf32, #tpu.memory_space<vmem>>, %arg3: memref<3x1x1x256xf32, #tpu.memory_space<vmem>>, %arg4: memref<1x128x32xi32, #tpu.memory_space<vmem>>, %arg5: memref<128x256xf32, #tpu.memory_space<vmem>>) attributes {dimension_semantics = [#tpu.dimension_semantics<arbitrary>, #tpu.dimension_semantics<arbitrary>], iteration_bounds = array<i64: 8, 1>, scalar_prefetch = 0 : i64, scratch_operands = 1 : i64, tpu.core_type = #tpu.core_type<tc>, window_params = [{transform_indices = @transform_0, window_bounds = array<i64: 1, 128, 3>}, {transform_indices = @transform_1, window_bounds = array<i64: 3, 1, 1, 256>}, {transform_indices = @transform_2, window_bounds = array<i64: 1, 128, 32>}]} {
    %get3A = arith.constant 0 : index
    %get3A_0 = arith.constant 0 : index
    %get3A_1 = arith.constant 0 : index
    %get3A_2 = vector.load %arg2[%get3A, %get3A_0, %get3A_1] : memref<1x128x3xf32, #tpu.memory_space<vmem>>, vector<1x128x3xf32>
    %get3A_3 = vector.shape_cast %get3A_2 : vector<1x128x3xf32> to vector<128x3xf32>
    %slice3A = vector.extract_strided_slice %get3A_3 {offsets = [0, 0], sizes = [128, 1], strides = [1, 1]} : vector<128x3xf32> to vector<128x1xf32>
    %slice3A_4 = vector.extract_strided_slice %get3A_3 {offsets = [0, 1], sizes = [128, 1], strides = [1, 1]} : vector<128x3xf32> to vector<128x1xf32>
    %slice3A_5 = vector.extract_strided_slice %get3A_3 {offsets = [0, 2], sizes = [128, 1], strides = [1, 1]} : vector<128x3xf32> to vector<128x1xf32>
    %get3A_6 = arith.constant 0 : index
    %get3A_7 = arith.constant 0 : index
    %get3A_8 = arith.constant 0 : index
    %get3A_9 = arith.constant 0 : index
    %get3A_10 = vector.load %arg3[%get3A_6, %get3A_7, %get3A_8, %get3A_9] : memref<3x1x1x256xf32, #tpu.memory_space<vmem>>, vector<3x1x1x256xf32>
    %get3A_11 = vector.shape_cast %get3A_10 : vector<3x1x1x256xf32> to vector<3x256xf32>
    %get3A_12 = arith.constant 0 : index
    %get3A_13 = arith.constant 0 : index
    %get3A_14 = arith.constant 0 : index
    %get3A_15 = arith.constant 0 : index
    %get3A_16 = vector.load %arg3[%get3A_12, %get3A_13, %get3A_14, %get3A_15] : memref<3x1x1x256xf32, #tpu.memory_space<vmem>>, vector<1x1x1x256xf32>
    %get3A_17 = vector.shape_cast %get3A_16 : vector<1x1x1x256xf32> to vector<1x256xf32>
    %get3A_18 = arith.constant 1 : index
    %get3A_19 = arith.constant 0 : index
    %get3A_20 = arith.constant 0 : index
    %get3A_21 = arith.constant 0 : index
    %get3A_22 = vector.load %arg3[%get3A_18, %get3A_19, %get3A_20, %get3A_21] : memref<3x1x1x256xf32, #tpu.memory_space<vmem>>, vector<1x1x1x256xf32>
    %get3A_23 = vector.shape_cast %get3A_22 : vector<1x1x1x256xf32> to vector<1x256xf32>
    %get3A_24 = arith.constant 2 : index
    %get3A_25 = arith.constant 0 : index
    %get3A_26 = arith.constant 0 : index
    %get3A_27 = arith.constant 0 : index
    %get3A_28 = vector.load %arg3[%get3A_24, %get3A_25, %get3A_26, %get3A_27] : memref<3x1x1x256xf32, #tpu.memory_space<vmem>>, vector<1x1x1x256xf32>
    %get3A_29 = vector.shape_cast %get3A_28 : vector<1x1x1x256xf32> to vector<1x256xf32>
    %mul3A = arith.mulf %slice3A, %slice3A : vector<128x1xf32>
    %mul3A_30 = arith.mulf %slice3A_4, %slice3A_4 : vector<128x1xf32>
    %add3A = arith.addf %mul3A, %mul3A_30 : vector<128x1xf32>
    %mul3A_31 = arith.mulf %slice3A_5, %slice3A_5 : vector<128x1xf32>
    %add3A_32 = arith.addf %add3A, %mul3A_31 : vector<128x1xf32>
    %mul3A_33 = arith.mulf %get3A_17, %get3A_17 : vector<1x256xf32>
    %mul3A_34 = arith.mulf %get3A_23, %get3A_23 : vector<1x256xf32>
    %add3A_35 = arith.addf %mul3A_33, %mul3A_34 : vector<1x256xf32>
    %mul3A_36 = arith.mulf %get3A_29, %get3A_29 : vector<1x256xf32>
    %add3A_37 = arith.addf %add3A_35, %mul3A_36 : vector<1x256xf32>
    %convert_element_type3A = arith.truncf %get3A_3 : vector<128x3xf32> to vector<128x3xbf16>
    %convert_element_type3A_38 = arith.truncf %get3A_11 : vector<3x256xf32> to vector<3x256xbf16>
    %dot_general3A = arith.constant dense<0.000000e+00> : vector<128x256xf32>
    %dot_general3A_39 = tpu.matmul %convert_element_type3A, %convert_element_type3A_38, %dot_general3A {dimension_numbers = #tpu.dot_dimension_numbers<[1], [0], [0], [1], [0, 0, 1, 1], [], []>, transpose_lhs_hint = false} : vector<128x3xbf16>, vector<3x256xbf16>, vector<128x256xf32> -> vector<128x256xf32>
    %add3A_40 = vector.broadcast %add3A_32 : vector<128x1xf32> to vector<128x256xf32>
    %add3A_41 = vector.broadcast %add3A_37 : vector<1x256xf32> to vector<128x256xf32>
    %add3A_42 = arith.addf %add3A_40, %add3A_41 : vector<128x256xf32>
    %mul3A_43 = arith.constant 2.000000e+00 : f32
    %mul3A_44 = vector.broadcast %mul3A_43 : f32 to vector<128x256xf32>
    %mul3A_45 = arith.mulf %mul3A_44, %dot_general3A_39 : vector<128x256xf32>
    %sub3A = arith.subf %add3A_42, %mul3A_45 : vector<128x256xf32>
    %swap3A = arith.constant 0 : index
    %swap3A_46 = arith.constant 0 : index
    %swap3A_47 = vector.load %arg5[%swap3A, %swap3A_46] : memref<128x256xf32, #tpu.memory_space<vmem>>, vector<128x256xf32>
    tpu.vector_store %arg5[%swap3A, %swap3A_46], %sub3A {strides = array<i32>} : memref<128x256xf32, #tpu.memory_space<vmem>>, vector<128x256xf32>,
    %iota3A = tpu.iota {dimensions = array<i32: 1>} : vector<128x256xi32>
    %iota3A_48 = tpu.iota {dimensions = array<i32: 1>} : vector<128x32xi32>
    %broadcast_in_dim3A = arith.constant 0 : i32
    %broadcast_in_dim3A_49 = vector.broadcast %broadcast_in_dim3A : i32 to vector<128x32xi32>
    %scan3A = arith.constant 0 : i32
    %scan3A_50 = arith.constant 32 : i32
    %scan3A_51 = arith.addi %scan3A, %scan3A_50 : i32
    %scan3A_52 = arith.constant 1 : i32
    %scan3A_53 = scf.for %scan3A_61 = %scan3A to %scan3A_51 step %scan3A_52 iter_args(%scan3A_62 = %broadcast_in_dim3A_49) -> (vector<128x32xi32>)  : i32 {
      %get3A_63 = arith.constant 0 : index
      %get3A_64 = arith.constant 0 : index
      %get3A_65 = vector.load %arg5[%get3A_63, %get3A_64] : memref<128x256xf32, #tpu.memory_space<vmem>>, vector<128x256xf32>
      %reduce_min3A = arith.constant dense<0x7F800000> : vector<128xf32>
      %reduce_min3A_66 = vector.multi_reduction <minimumf>, %get3A_65, %reduce_min3A [1] : vector<128x256xf32> to vector<128xf32>
      %broadcast_in_dim3A_67 = vector.shape_cast %reduce_min3A_66 : vector<128xf32> to vector<128x1xf32>
      %eq3A = vector.broadcast %broadcast_in_dim3A_67 : vector<128x1xf32> to vector<128x256xf32>
      %eq3A_68 = arith.cmpf oeq, %get3A_65, %eq3A : vector<128x256xf32>
      %jit3A = arith.constant 256 : i32
      %broadcast_in_dim3A_69 = vector.broadcast %jit3A : i32 to vector<128x256xi32>
      %select_n3A = arith.select %eq3A_68, %iota3A, %broadcast_in_dim3A_69 : vector<128x256xi1>, vector<128x256xi32>
      %reduce_min3A_70 = arith.constant dense<2147483647> : vector<128xi32>
      %reduce_min3A_71 = vector.multi_reduction <minsi>, %select_n3A, %reduce_min3A_70 [1] : vector<128x256xi32> to vector<128xi32>
      %broadcast_in_dim3A_72 = vector.shape_cast %reduce_min3A_71 : vector<128xi32> to vector<128x1xi32>
      %eq3A_73 = vector.broadcast %broadcast_in_dim3A_72 : vector<128x1xi32> to vector<128x256xi32>
      %eq3A_74 = arith.cmpi eq, %iota3A, %eq3A_73 : vector<128x256xi32>
      %jit3A_75 = arith.constant 0x7F800000 : f32
      %broadcast_in_dim3A_76 = vector.broadcast %jit3A_75 : f32 to vector<128x256xf32>
      %select_n3A_77 = arith.select %eq3A_74, %broadcast_in_dim3A_76, %get3A_65 : vector<128x256xi1>, vector<128x256xf32>
      %swap3A_78 = arith.constant 0 : index
      %swap3A_79 = arith.constant 0 : index
      %swap3A_80 = vector.load %arg5[%swap3A_78, %swap3A_79] : memref<128x256xf32, #tpu.memory_space<vmem>>, vector<128x256xf32>
      tpu.vector_store %arg5[%swap3A_78, %swap3A_79], %select_n3A_77 {strides = array<i32>} : memref<128x256xf32, #tpu.memory_space<vmem>>, vector<128x256xf32>,
      %eq3A_81 = vector.broadcast %scan3A_61 : i32 to vector<128x32xi32>
      %eq3A_82 = arith.cmpi eq, %iota3A_48, %eq3A_81 : vector<128x32xi32>
      %broadcast_in_dim3A_83 = vector.shape_cast %broadcast_in_dim3A_72 : vector<128x1xi32> to vector<128x1xi32>
      %broadcast_in_dim3A_84 = vector.broadcast %broadcast_in_dim3A_83 : vector<128x1xi32> to vector<128x32xi32>
      %select_n3A_85 = arith.select %eq3A_82, %broadcast_in_dim3A_84, %scan3A_62 : vector<128x32xi1>, vector<128x32xi32>
      scf.yield %select_n3A_85 : vector<128x32xi32>
    }
    %scan3A_54 = arith.constant 32 : i32
    %swap3A_55 = arith.constant 0 : index
    %swap3A_56 = arith.constant 0 : index
    %swap3A_57 = arith.constant 0 : index
    %swap3A_58 = vector.load %arg4[%swap3A_55, %swap3A_56, %swap3A_57] : memref<1x128x32xi32, #tpu.memory_space<vmem>>, vector<1x128x32xi32>
    %swap3A_59 = vector.shape_cast %swap3A_58 : vector<1x128x32xi32> to vector<128x32xi32>
    %swap3A_60 = vector.shape_cast %scan3A_53 : vector<128x32xi32> to vector<1x128x32xi32>
    tpu.vector_store %arg4[%swap3A_55, %swap3A_56, %swap3A_57], %swap3A_60 {strides = array<i32>} : memref<1x128x32xi32, #tpu.memory_space<vmem>>, vector<1x128x32xi32>,
    return
  }
  func.func @transform_0(%arg0: i32, %arg1: i32) -> (i32, i32, i32) {
    %c0_i32 = arith.constant 0 : i32
    %c0_i32_0 = arith.constant 0 : i32
    return %arg0, %arg1, %c0_i32 : i32, i32, i32
  }
  func.func @transform_1(%arg0: i32, %arg1: i32) -> (i32, i32, i32, i32) {
    %c0_i32 = arith.constant 0 : i32
    %c0_i32_0 = arith.constant 0 : i32
    %c0_i32_1 = arith.constant 0 : i32
    %c0_i32_2 = arith.constant 0 : i32
    return %c0_i32, %arg0, %c0_i32_0, %c0_i32_1 : i32, i32, i32, i32
  }
  func.func @transform_2(%arg0: i32, %arg1: i32) -> (i32, i32, i32) {
    %c0_i32 = arith.constant 0 : i32
    %c0_i32_0 = arith.constant 0 : i32
    return %arg0, %arg1, %c0_i32 : i32, i32, i32
  }
}

module attributes {stable_mosaic.version = 14 : i64} {
  func.func @_sa2_body(%arg0: i32, %arg1: i32, %arg2: memref<1x32x128x144xf32, #tpu.memory_space<vmem>>, %arg3: memref<1x128x3xf32, #tpu.memory_space<vmem>>, %arg4: memref<144x128xf32, #tpu.memory_space<vmem>>, %arg5: memref<1x128xf32, #tpu.memory_space<vmem>>, %arg6: memref<128x128xf32, #tpu.memory_space<vmem>>, %arg7: memref<1x128xf32, #tpu.memory_space<vmem>>, %arg8: memref<128x256xf32, #tpu.memory_space<vmem>>, %arg9: memref<1x256xf32, #tpu.memory_space<vmem>>, %arg10: memref<1x128x256xf32, #tpu.memory_space<vmem>>) attributes {dimension_semantics = [#tpu.dimension_semantics<arbitrary>, #tpu.dimension_semantics<arbitrary>], iteration_bounds = array<i64: 8, 2>, scalar_prefetch = 0 : i64, scratch_operands = 0 : i64, tpu.core_type = #tpu.core_type<tc>, window_params = [{transform_indices = @transform_0, window_bounds = array<i64: 1, 32, 128, 144>}, {transform_indices = @transform_1, window_bounds = array<i64: 1, 128, 3>}, {pipeline_mode = #tpu.pipeline_mode<synchronous>, transform_indices = @transform_2, window_bounds = array<i64: 144, 128>}, {pipeline_mode = #tpu.pipeline_mode<synchronous>, transform_indices = @transform_3, window_bounds = array<i64: 1, 128>}, {pipeline_mode = #tpu.pipeline_mode<synchronous>, transform_indices = @transform_4, window_bounds = array<i64: 128, 128>}, {pipeline_mode = #tpu.pipeline_mode<synchronous>, transform_indices = @transform_5, window_bounds = array<i64: 1, 128>}, {pipeline_mode = #tpu.pipeline_mode<synchronous>, transform_indices = @transform_6, window_bounds = array<i64: 128, 256>}, {pipeline_mode = #tpu.pipeline_mode<synchronous>, transform_indices = @transform_7, window_bounds = array<i64: 1, 256>}, {transform_indices = @transform_8, window_bounds = array<i64: 1, 128, 256>}]} {
    %get3A = arith.constant 0 : index
    %get3A_0 = arith.constant 0 : index
    %get3A_1 = arith.constant 0 : index
    %get3A_2 = vector.load %arg3[%get3A, %get3A_0, %get3A_1] : memref<1x128x3xf32, #tpu.memory_space<vmem>>, vector<1x128x3xf32>
    %get3A_3 = vector.shape_cast %get3A_2 : vector<1x128x3xf32> to vector<128x3xf32>
    %broadcast_in_dim3A = arith.constant 0.000000e+00 : f32
    %broadcast_in_dim3A_4 = vector.broadcast %broadcast_in_dim3A : f32 to vector<128x141xf32>
    %concatenate3A = tpu.concatenate %get3A_3, %broadcast_in_dim3A_4 in 1 : vector<128x3xf32>, vector<128x141xf32> -> vector<128x144xf32>
    %get3A_5 = arith.constant 0 : index
    %get3A_6 = arith.constant 0 : index
    %get3A_7 = arith.constant 0 : index
    %get3A_8 = arith.constant 0 : index
    %get3A_9 = vector.load %arg2[%get3A_5, %get3A_6, %get3A_7, %get3A_8] : memref<1x32x128x144xf32, #tpu.memory_space<vmem>>, vector<1x32x128x144xf32>
    %get3A_10 = vector.shape_cast %get3A_9 : vector<1x32x128x144xf32> to vector<32x128x144xf32>
    %broadcast_in_dim3A_11 = vector.shape_cast %concatenate3A : vector<128x144xf32> to vector<1x128x144xf32>
    %sub3A = vector.broadcast %broadcast_in_dim3A_11 : vector<1x128x144xf32> to vector<32x128x144xf32>
    %sub3A_12 = arith.subf %get3A_10, %sub3A : vector<32x128x144xf32>
    %reshape3A = vector.shape_cast %sub3A_12 : vector<32x128x144xf32> to vector<4096x144xf32>
    %get3A_13 = arith.constant 0 : index
    %get3A_14 = arith.constant 0 : index
    %get3A_15 = vector.load %arg4[%get3A_13, %get3A_14] : memref<144x128xf32, #tpu.memory_space<vmem>>, vector<144x128xf32>
    %get3A_16 = arith.constant 0 : index
    %get3A_17 = arith.constant 0 : index
    %get3A_18 = vector.load %arg5[%get3A_16, %get3A_17] : memref<1x128xf32, #tpu.memory_space<vmem>>, vector<1x128xf32>
    %convert_element_type3A = arith.truncf %reshape3A : vector<4096x144xf32> to vector<4096x144xbf16>
    %convert_element_type3A_19 = arith.truncf %get3A_15 : vector<144x128xf32> to vector<144x128xbf16>
    %dot_general3A = arith.constant dense<0.000000e+00> : vector<4096x128xf32>
    %dot_general3A_20 = tpu.matmul %convert_element_type3A, %convert_element_type3A_19, %dot_general3A {dimension_numbers = #tpu.dot_dimension_numbers<[1], [0], [0], [1], [0, 0, 1, 1], [], []>, transpose_lhs_hint = false} : vector<4096x144xbf16>, vector<144x128xbf16>, vector<4096x128xf32> -> vector<4096x128xf32>
    %add3A = vector.broadcast %get3A_18 : vector<1x128xf32> to vector<4096x128xf32>
    %add3A_21 = arith.addf %dot_general3A_20, %add3A : vector<4096x128xf32>
    %max3A = arith.constant 0.000000e+00 : f32
    %max3A_22 = vector.broadcast %max3A : f32 to vector<4096x128xf32>
    %max3A_23 = arith.maximumf %add3A_21, %max3A_22 : vector<4096x128xf32>
    %get3A_24 = arith.constant 0 : index
    %get3A_25 = arith.constant 0 : index
    %get3A_26 = vector.load %arg6[%get3A_24, %get3A_25] : memref<128x128xf32, #tpu.memory_space<vmem>>, vector<128x128xf32>
    %get3A_27 = arith.constant 0 : index
    %get3A_28 = arith.constant 0 : index
    %get3A_29 = vector.load %arg7[%get3A_27, %get3A_28] : memref<1x128xf32, #tpu.memory_space<vmem>>, vector<1x128xf32>
    %convert_element_type3A_30 = arith.truncf %max3A_23 : vector<4096x128xf32> to vector<4096x128xbf16>
    %convert_element_type3A_31 = arith.truncf %get3A_26 : vector<128x128xf32> to vector<128x128xbf16>
    %dot_general3A_32 = arith.constant dense<0.000000e+00> : vector<4096x128xf32>
    %dot_general3A_33 = tpu.matmul %convert_element_type3A_30, %convert_element_type3A_31, %dot_general3A_32 {dimension_numbers = #tpu.dot_dimension_numbers<[1], [0], [0], [1], [0, 0, 1, 1], [], []>, transpose_lhs_hint = false} : vector<4096x128xbf16>, vector<128x128xbf16>, vector<4096x128xf32> -> vector<4096x128xf32>
    %add3A_34 = vector.broadcast %get3A_29 : vector<1x128xf32> to vector<4096x128xf32>
    %add3A_35 = arith.addf %dot_general3A_33, %add3A_34 : vector<4096x128xf32>
    %max3A_36 = arith.constant 0.000000e+00 : f32
    %max3A_37 = vector.broadcast %max3A_36 : f32 to vector<4096x128xf32>
    %max3A_38 = arith.maximumf %add3A_35, %max3A_37 : vector<4096x128xf32>
    %get3A_39 = arith.constant 0 : index
    %get3A_40 = arith.constant 0 : index
    %get3A_41 = vector.load %arg8[%get3A_39, %get3A_40] : memref<128x256xf32, #tpu.memory_space<vmem>>, vector<128x256xf32>
    %get3A_42 = arith.constant 0 : index
    %get3A_43 = arith.constant 0 : index
    %get3A_44 = vector.load %arg9[%get3A_42, %get3A_43] : memref<1x256xf32, #tpu.memory_space<vmem>>, vector<1x256xf32>
    %convert_element_type3A_45 = arith.truncf %max3A_38 : vector<4096x128xf32> to vector<4096x128xbf16>
    %convert_element_type3A_46 = arith.truncf %get3A_41 : vector<128x256xf32> to vector<128x256xbf16>
    %dot_general3A_47 = arith.constant dense<0.000000e+00> : vector<4096x256xf32>
    %dot_general3A_48 = tpu.matmul %convert_element_type3A_45, %convert_element_type3A_46, %dot_general3A_47 {dimension_numbers = #tpu.dot_dimension_numbers<[1], [0], [0], [1], [0, 0, 1, 1], [], []>, transpose_lhs_hint = false} : vector<4096x128xbf16>, vector<128x256xbf16>, vector<4096x256xf32> -> vector<4096x256xf32>
    %add3A_49 = vector.broadcast %get3A_44 : vector<1x256xf32> to vector<4096x256xf32>
    %add3A_50 = arith.addf %dot_general3A_48, %add3A_49 : vector<4096x256xf32>
    %max3A_51 = arith.constant 0.000000e+00 : f32
    %max3A_52 = vector.broadcast %max3A_51 : f32 to vector<4096x256xf32>
    %max3A_53 = arith.maximumf %add3A_50, %max3A_52 : vector<4096x256xf32>
    %reshape3A_54 = vector.shape_cast %max3A_53 : vector<4096x256xf32> to vector<32x128x256xf32>
    %reduce_max3A = arith.constant dense<0xFF800000> : vector<128x256xf32>
    %reduce_max3A_55 = vector.multi_reduction <maximumf>, %reshape3A_54, %reduce_max3A [0] : vector<32x128x256xf32> to vector<128x256xf32>
    %swap3A = arith.constant 0 : index
    %swap3A_56 = arith.constant 0 : index
    %swap3A_57 = arith.constant 0 : index
    %swap3A_58 = vector.load %arg10[%swap3A, %swap3A_56, %swap3A_57] : memref<1x128x256xf32, #tpu.memory_space<vmem>>, vector<1x128x256xf32>
    %swap3A_59 = vector.shape_cast %swap3A_58 : vector<1x128x256xf32> to vector<128x256xf32>
    %swap3A_60 = vector.shape_cast %reduce_max3A_55 : vector<128x256xf32> to vector<1x128x256xf32>
    tpu.vector_store %arg10[%swap3A, %swap3A_56, %swap3A_57], %swap3A_60 {strides = array<i32>} : memref<1x128x256xf32, #tpu.memory_space<vmem>>, vector<1x128x256xf32>,
    return
  }
  func.func @transform_0(%arg0: i32, %arg1: i32) -> (i32, i32, i32, i32) {
    %c0_i32 = arith.constant 0 : i32
    %c0_i32_0 = arith.constant 0 : i32
    %c0_i32_1 = arith.constant 0 : i32
    return %arg0, %c0_i32, %arg1, %c0_i32_0 : i32, i32, i32, i32
  }
  func.func @transform_1(%arg0: i32, %arg1: i32) -> (i32, i32, i32) {
    %c0_i32 = arith.constant 0 : i32
    %c0_i32_0 = arith.constant 0 : i32
    return %arg0, %arg1, %c0_i32 : i32, i32, i32
  }
  func.func @transform_2(%arg0: i32, %arg1: i32) -> (i32, i32) {
    %c0_i32 = arith.constant 0 : i32
    %c0_i32_0 = arith.constant 0 : i32
    %c0_i32_1 = arith.constant 0 : i32
    return %c0_i32, %c0_i32_0 : i32, i32
  }
  func.func @transform_3(%arg0: i32, %arg1: i32) -> (i32, i32) {
    %c0_i32 = arith.constant 0 : i32
    %c0_i32_0 = arith.constant 0 : i32
    %c0_i32_1 = arith.constant 0 : i32
    return %c0_i32, %c0_i32_0 : i32, i32
  }
  func.func @transform_4(%arg0: i32, %arg1: i32) -> (i32, i32) {
    %c0_i32 = arith.constant 0 : i32
    %c0_i32_0 = arith.constant 0 : i32
    %c0_i32_1 = arith.constant 0 : i32
    return %c0_i32, %c0_i32_0 : i32, i32
  }
  func.func @transform_5(%arg0: i32, %arg1: i32) -> (i32, i32) {
    %c0_i32 = arith.constant 0 : i32
    %c0_i32_0 = arith.constant 0 : i32
    %c0_i32_1 = arith.constant 0 : i32
    return %c0_i32, %c0_i32_0 : i32, i32
  }
  func.func @transform_6(%arg0: i32, %arg1: i32) -> (i32, i32) {
    %c0_i32 = arith.constant 0 : i32
    %c0_i32_0 = arith.constant 0 : i32
    %c0_i32_1 = arith.constant 0 : i32
    return %c0_i32, %c0_i32_0 : i32, i32
  }
  func.func @transform_7(%arg0: i32, %arg1: i32) -> (i32, i32) {
    %c0_i32 = arith.constant 0 : i32
    %c0_i32_0 = arith.constant 0 : i32
    %c0_i32_1 = arith.constant 0 : i32
    return %c0_i32, %c0_i32_0 : i32, i32
  }
  func.func @transform_8(%arg0: i32, %arg1: i32) -> (i32, i32, i32) {
    %c0_i32 = arith.constant 0 : i32
    %c0_i32_0 = arith.constant 0 : i32
    return %arg0, %arg1, %c0_i32 : i32, i32, i32
  }
}

module attributes {stable_mosaic.version = 14 : i64} {
  func.func @_sa2_body(%arg0: i32, %arg1: i32, %arg2: memref<1x32x128x272xf32, #tpu.memory_space<vmem>>, %arg3: memref<1x128x3xf32, #tpu.memory_space<vmem>>, %arg4: memref<272x256xf32, #tpu.memory_space<vmem>>, %arg5: memref<1x256xf32, #tpu.memory_space<vmem>>, %arg6: memref<256x256xf32, #tpu.memory_space<vmem>>, %arg7: memref<1x256xf32, #tpu.memory_space<vmem>>, %arg8: memref<256x512xf32, #tpu.memory_space<vmem>>, %arg9: memref<1x512xf32, #tpu.memory_space<vmem>>, %arg10: memref<1x128x512xf32, #tpu.memory_space<vmem>>) attributes {dimension_semantics = [#tpu.dimension_semantics<arbitrary>, #tpu.dimension_semantics<arbitrary>], iteration_bounds = array<i64: 8, 1>, scalar_prefetch = 0 : i64, scratch_operands = 0 : i64, tpu.core_type = #tpu.core_type<tc>, window_params = [{transform_indices = @transform_0, window_bounds = array<i64: 1, 32, 128, 272>}, {transform_indices = @transform_1, window_bounds = array<i64: 1, 128, 3>}, {pipeline_mode = #tpu.pipeline_mode<synchronous>, transform_indices = @transform_2, window_bounds = array<i64: 272, 256>}, {pipeline_mode = #tpu.pipeline_mode<synchronous>, transform_indices = @transform_3, window_bounds = array<i64: 1, 256>}, {pipeline_mode = #tpu.pipeline_mode<synchronous>, transform_indices = @transform_4, window_bounds = array<i64: 256, 256>}, {pipeline_mode = #tpu.pipeline_mode<synchronous>, transform_indices = @transform_5, window_bounds = array<i64: 1, 256>}, {pipeline_mode = #tpu.pipeline_mode<synchronous>, transform_indices = @transform_6, window_bounds = array<i64: 256, 512>}, {pipeline_mode = #tpu.pipeline_mode<synchronous>, transform_indices = @transform_7, window_bounds = array<i64: 1, 512>}, {transform_indices = @transform_8, window_bounds = array<i64: 1, 128, 512>}]} {
    %get3A = arith.constant 0 : index
    %get3A_0 = arith.constant 0 : index
    %get3A_1 = arith.constant 0 : index
    %get3A_2 = vector.load %arg3[%get3A, %get3A_0, %get3A_1] : memref<1x128x3xf32, #tpu.memory_space<vmem>>, vector<1x128x3xf32>
    %get3A_3 = vector.shape_cast %get3A_2 : vector<1x128x3xf32> to vector<128x3xf32>
    %broadcast_in_dim3A = arith.constant 0.000000e+00 : f32
    %broadcast_in_dim3A_4 = vector.broadcast %broadcast_in_dim3A : f32 to vector<128x269xf32>
    %concatenate3A = tpu.concatenate %get3A_3, %broadcast_in_dim3A_4 in 1 : vector<128x3xf32>, vector<128x269xf32> -> vector<128x272xf32>
    %get3A_5 = arith.constant 0 : index
    %get3A_6 = arith.constant 0 : index
    %get3A_7 = arith.constant 0 : index
    %get3A_8 = arith.constant 0 : index
    %get3A_9 = vector.load %arg2[%get3A_5, %get3A_6, %get3A_7, %get3A_8] : memref<1x32x128x272xf32, #tpu.memory_space<vmem>>, vector<1x32x128x272xf32>
    %get3A_10 = vector.shape_cast %get3A_9 : vector<1x32x128x272xf32> to vector<32x128x272xf32>
    %broadcast_in_dim3A_11 = vector.shape_cast %concatenate3A : vector<128x272xf32> to vector<1x128x272xf32>
    %sub3A = vector.broadcast %broadcast_in_dim3A_11 : vector<1x128x272xf32> to vector<32x128x272xf32>
    %sub3A_12 = arith.subf %get3A_10, %sub3A : vector<32x128x272xf32>
    %reshape3A = vector.shape_cast %sub3A_12 : vector<32x128x272xf32> to vector<4096x272xf32>
    %get3A_13 = arith.constant 0 : index
    %get3A_14 = arith.constant 0 : index
    %get3A_15 = vector.load %arg4[%get3A_13, %get3A_14] : memref<272x256xf32, #tpu.memory_space<vmem>>, vector<272x256xf32>
    %get3A_16 = arith.constant 0 : index
    %get3A_17 = arith.constant 0 : index
    %get3A_18 = vector.load %arg5[%get3A_16, %get3A_17] : memref<1x256xf32, #tpu.memory_space<vmem>>, vector<1x256xf32>
    %convert_element_type3A = arith.truncf %reshape3A : vector<4096x272xf32> to vector<4096x272xbf16>
    %convert_element_type3A_19 = arith.truncf %get3A_15 : vector<272x256xf32> to vector<272x256xbf16>
    %dot_general3A = arith.constant dense<0.000000e+00> : vector<4096x256xf32>
    %dot_general3A_20 = tpu.matmul %convert_element_type3A, %convert_element_type3A_19, %dot_general3A {dimension_numbers = #tpu.dot_dimension_numbers<[1], [0], [0], [1], [0, 0, 1, 1], [], []>, transpose_lhs_hint = false} : vector<4096x272xbf16>, vector<272x256xbf16>, vector<4096x256xf32> -> vector<4096x256xf32>
    %add3A = vector.broadcast %get3A_18 : vector<1x256xf32> to vector<4096x256xf32>
    %add3A_21 = arith.addf %dot_general3A_20, %add3A : vector<4096x256xf32>
    %max3A = arith.constant 0.000000e+00 : f32
    %max3A_22 = vector.broadcast %max3A : f32 to vector<4096x256xf32>
    %max3A_23 = arith.maximumf %add3A_21, %max3A_22 : vector<4096x256xf32>
    %get3A_24 = arith.constant 0 : index
    %get3A_25 = arith.constant 0 : index
    %get3A_26 = vector.load %arg6[%get3A_24, %get3A_25] : memref<256x256xf32, #tpu.memory_space<vmem>>, vector<256x256xf32>
    %get3A_27 = arith.constant 0 : index
    %get3A_28 = arith.constant 0 : index
    %get3A_29 = vector.load %arg7[%get3A_27, %get3A_28] : memref<1x256xf32, #tpu.memory_space<vmem>>, vector<1x256xf32>
    %convert_element_type3A_30 = arith.truncf %max3A_23 : vector<4096x256xf32> to vector<4096x256xbf16>
    %convert_element_type3A_31 = arith.truncf %get3A_26 : vector<256x256xf32> to vector<256x256xbf16>
    %dot_general3A_32 = arith.constant dense<0.000000e+00> : vector<4096x256xf32>
    %dot_general3A_33 = tpu.matmul %convert_element_type3A_30, %convert_element_type3A_31, %dot_general3A_32 {dimension_numbers = #tpu.dot_dimension_numbers<[1], [0], [0], [1], [0, 0, 1, 1], [], []>, transpose_lhs_hint = false} : vector<4096x256xbf16>, vector<256x256xbf16>, vector<4096x256xf32> -> vector<4096x256xf32>
    %add3A_34 = vector.broadcast %get3A_29 : vector<1x256xf32> to vector<4096x256xf32>
    %add3A_35 = arith.addf %dot_general3A_33, %add3A_34 : vector<4096x256xf32>
    %max3A_36 = arith.constant 0.000000e+00 : f32
    %max3A_37 = vector.broadcast %max3A_36 : f32 to vector<4096x256xf32>
    %max3A_38 = arith.maximumf %add3A_35, %max3A_37 : vector<4096x256xf32>
    %get3A_39 = arith.constant 0 : index
    %get3A_40 = arith.constant 0 : index
    %get3A_41 = vector.load %arg8[%get3A_39, %get3A_40] : memref<256x512xf32, #tpu.memory_space<vmem>>, vector<256x512xf32>
    %get3A_42 = arith.constant 0 : index
    %get3A_43 = arith.constant 0 : index
    %get3A_44 = vector.load %arg9[%get3A_42, %get3A_43] : memref<1x512xf32, #tpu.memory_space<vmem>>, vector<1x512xf32>
    %convert_element_type3A_45 = arith.truncf %max3A_38 : vector<4096x256xf32> to vector<4096x256xbf16>
    %convert_element_type3A_46 = arith.truncf %get3A_41 : vector<256x512xf32> to vector<256x512xbf16>
    %dot_general3A_47 = arith.constant dense<0.000000e+00> : vector<4096x512xf32>
    %dot_general3A_48 = tpu.matmul %convert_element_type3A_45, %convert_element_type3A_46, %dot_general3A_47 {dimension_numbers = #tpu.dot_dimension_numbers<[1], [0], [0], [1], [0, 0, 1, 1], [], []>, transpose_lhs_hint = false} : vector<4096x256xbf16>, vector<256x512xbf16>, vector<4096x512xf32> -> vector<4096x512xf32>
    %add3A_49 = vector.broadcast %get3A_44 : vector<1x512xf32> to vector<4096x512xf32>
    %add3A_50 = arith.addf %dot_general3A_48, %add3A_49 : vector<4096x512xf32>
    %max3A_51 = arith.constant 0.000000e+00 : f32
    %max3A_52 = vector.broadcast %max3A_51 : f32 to vector<4096x512xf32>
    %max3A_53 = arith.maximumf %add3A_50, %max3A_52 : vector<4096x512xf32>
    %reshape3A_54 = vector.shape_cast %max3A_53 : vector<4096x512xf32> to vector<32x128x512xf32>
    %reduce_max3A = arith.constant dense<0xFF800000> : vector<128x512xf32>
    %reduce_max3A_55 = vector.multi_reduction <maximumf>, %reshape3A_54, %reduce_max3A [0] : vector<32x128x512xf32> to vector<128x512xf32>
    %swap3A = arith.constant 0 : index
    %swap3A_56 = arith.constant 0 : index
    %swap3A_57 = arith.constant 0 : index
    %swap3A_58 = vector.load %arg10[%swap3A, %swap3A_56, %swap3A_57] : memref<1x128x512xf32, #tpu.memory_space<vmem>>, vector<1x128x512xf32>
    %swap3A_59 = vector.shape_cast %swap3A_58 : vector<1x128x512xf32> to vector<128x512xf32>
    %swap3A_60 = vector.shape_cast %reduce_max3A_55 : vector<128x512xf32> to vector<1x128x512xf32>
    tpu.vector_store %arg10[%swap3A, %swap3A_56, %swap3A_57], %swap3A_60 {strides = array<i32>} : memref<1x128x512xf32, #tpu.memory_space<vmem>>, vector<1x128x512xf32>,
    return
  }
  func.func @transform_0(%arg0: i32, %arg1: i32) -> (i32, i32, i32, i32) {
    %c0_i32 = arith.constant 0 : i32
    %c0_i32_0 = arith.constant 0 : i32
    %c0_i32_1 = arith.constant 0 : i32
    return %arg0, %c0_i32, %arg1, %c0_i32_0 : i32, i32, i32, i32
  }
  func.func @transform_1(%arg0: i32, %arg1: i32) -> (i32, i32, i32) {
    %c0_i32 = arith.constant 0 : i32
    %c0_i32_0 = arith.constant 0 : i32
    return %arg0, %arg1, %c0_i32 : i32, i32, i32
  }
  func.func @transform_2(%arg0: i32, %arg1: i32) -> (i32, i32) {
    %c0_i32 = arith.constant 0 : i32
    %c0_i32_0 = arith.constant 0 : i32
    %c0_i32_1 = arith.constant 0 : i32
    return %c0_i32, %c0_i32_0 : i32, i32
  }
  func.func @transform_3(%arg0: i32, %arg1: i32) -> (i32, i32) {
    %c0_i32 = arith.constant 0 : i32
    %c0_i32_0 = arith.constant 0 : i32
    %c0_i32_1 = arith.constant 0 : i32
    return %c0_i32, %c0_i32_0 : i32, i32
  }
  func.func @transform_4(%arg0: i32, %arg1: i32) -> (i32, i32) {
    %c0_i32 = arith.constant 0 : i32
    %c0_i32_0 = arith.constant 0 : i32
    %c0_i32_1 = arith.constant 0 : i32
    return %c0_i32, %c0_i32_0 : i32, i32
  }
  func.func @transform_5(%arg0: i32, %arg1: i32) -> (i32, i32) {
    %c0_i32 = arith.constant 0 : i32
    %c0_i32_0 = arith.constant 0 : i32
    %c0_i32_1 = arith.constant 0 : i32
    return %c0_i32, %c0_i32_0 : i32, i32
  }
  func.func @transform_6(%arg0: i32, %arg1: i32) -> (i32, i32) {
    %c0_i32 = arith.constant 0 : i32
    %c0_i32_0 = arith.constant 0 : i32
    %c0_i32_1 = arith.constant 0 : i32
    return %c0_i32, %c0_i32_0 : i32, i32
  }
  func.func @transform_7(%arg0: i32, %arg1: i32) -> (i32, i32) {
    %c0_i32 = arith.constant 0 : i32
    %c0_i32_0 = arith.constant 0 : i32
    %c0_i32_1 = arith.constant 0 : i32
    return %c0_i32, %c0_i32_0 : i32, i32
  }
  func.func @transform_8(%arg0: i32, %arg1: i32) -> (i32, i32, i32) {
    %c0_i32 = arith.constant 0 : i32
    %c0_i32_0 = arith.constant 0 : i32
    return %arg0, %arg1, %c0_i32 : i32, i32, i32
  }
}

module attributes {stable_mosaic.version = 14 : i64} {
  func.func @_fp_body(%arg0: i32, %arg1: i32, %arg2: memref<1x256x3xf32, #tpu.memory_space<vmem>>, %arg3: memref<3x1x1x128xf32, #tpu.memory_space<vmem>>, %arg4: memref<1x256x256xf32, #tpu.memory_space<vmem>>, %arg5: memref<1x128x512xf32, #tpu.memory_space<vmem>>, %arg6: memref<768x256xf32, #tpu.memory_space<vmem>>, %arg7: memref<1x256xf32, #tpu.memory_space<vmem>>, %arg8: memref<256x256xf32, #tpu.memory_space<vmem>>, %arg9: memref<1x256xf32, #tpu.memory_space<vmem>>, %arg10: memref<1x256x256xf32, #tpu.memory_space<vmem>>) attributes {dimension_semantics = [#tpu.dimension_semantics<arbitrary>, #tpu.dimension_semantics<arbitrary>], iteration_bounds = array<i64: 8, 1>, scalar_prefetch = 0 : i64, scratch_operands = 0 : i64, tpu.core_type = #tpu.core_type<tc>, window_params = [{transform_indices = @transform_0, window_bounds = array<i64: 1, 256, 3>}, {transform_indices = @transform_1, window_bounds = array<i64: 3, 1, 1, 128>}, {transform_indices = @transform_2, window_bounds = array<i64: 1, 256, 256>}, {transform_indices = @transform_3, window_bounds = array<i64: 1, 128, 512>}, {pipeline_mode = #tpu.pipeline_mode<synchronous>, transform_indices = @transform_4, window_bounds = array<i64: 768, 256>}, {pipeline_mode = #tpu.pipeline_mode<synchronous>, transform_indices = @transform_5, window_bounds = array<i64: 1, 256>}, {pipeline_mode = #tpu.pipeline_mode<synchronous>, transform_indices = @transform_6, window_bounds = array<i64: 256, 256>}, {pipeline_mode = #tpu.pipeline_mode<synchronous>, transform_indices = @transform_7, window_bounds = array<i64: 1, 256>}, {transform_indices = @transform_8, window_bounds = array<i64: 1, 256, 256>}]} {
    %get3A = arith.constant 0 : index
    %get3A_0 = arith.constant 0 : index
    %get3A_1 = arith.constant 0 : index
    %get3A_2 = vector.load %arg2[%get3A, %get3A_0, %get3A_1] : memref<1x256x3xf32, #tpu.memory_space<vmem>>, vector<1x256x3xf32>
    %get3A_3 = vector.shape_cast %get3A_2 : vector<1x256x3xf32> to vector<256x3xf32>
    %slice3A = vector.extract_strided_slice %get3A_3 {offsets = [0, 0], sizes = [256, 1], strides = [1, 1]} : vector<256x3xf32> to vector<256x1xf32>
    %slice3A_4 = vector.extract_strided_slice %get3A_3 {offsets = [0, 1], sizes = [256, 1], strides = [1, 1]} : vector<256x3xf32> to vector<256x1xf32>
    %slice3A_5 = vector.extract_strided_slice %get3A_3 {offsets = [0, 2], sizes = [256, 1], strides = [1, 1]} : vector<256x3xf32> to vector<256x1xf32>
    %get3A_6 = arith.constant 0 : index
    %get3A_7 = arith.constant 0 : index
    %get3A_8 = arith.constant 0 : index
    %get3A_9 = arith.constant 0 : index
    %get3A_10 = vector.load %arg3[%get3A_6, %get3A_7, %get3A_8, %get3A_9] : memref<3x1x1x128xf32, #tpu.memory_space<vmem>>, vector<3x1x1x128xf32>
    %get3A_11 = vector.shape_cast %get3A_10 : vector<3x1x1x128xf32> to vector<3x128xf32>
    %get3A_12 = arith.constant 0 : index
    %get3A_13 = arith.constant 0 : index
    %get3A_14 = arith.constant 0 : index
    %get3A_15 = arith.constant 0 : index
    %get3A_16 = vector.load %arg3[%get3A_12, %get3A_13, %get3A_14, %get3A_15] : memref<3x1x1x128xf32, #tpu.memory_space<vmem>>, vector<1x1x1x128xf32>
    %get3A_17 = vector.shape_cast %get3A_16 : vector<1x1x1x128xf32> to vector<1x128xf32>
    %get3A_18 = arith.constant 1 : index
    %get3A_19 = arith.constant 0 : index
    %get3A_20 = arith.constant 0 : index
    %get3A_21 = arith.constant 0 : index
    %get3A_22 = vector.load %arg3[%get3A_18, %get3A_19, %get3A_20, %get3A_21] : memref<3x1x1x128xf32, #tpu.memory_space<vmem>>, vector<1x1x1x128xf32>
    %get3A_23 = vector.shape_cast %get3A_22 : vector<1x1x1x128xf32> to vector<1x128xf32>
    %get3A_24 = arith.constant 2 : index
    %get3A_25 = arith.constant 0 : index
    %get3A_26 = arith.constant 0 : index
    %get3A_27 = arith.constant 0 : index
    %get3A_28 = vector.load %arg3[%get3A_24, %get3A_25, %get3A_26, %get3A_27] : memref<3x1x1x128xf32, #tpu.memory_space<vmem>>, vector<1x1x1x128xf32>
    %get3A_29 = vector.shape_cast %get3A_28 : vector<1x1x1x128xf32> to vector<1x128xf32>
    %mul3A = arith.mulf %slice3A, %slice3A : vector<256x1xf32>
    %mul3A_30 = arith.mulf %slice3A_4, %slice3A_4 : vector<256x1xf32>
    %add3A = arith.addf %mul3A, %mul3A_30 : vector<256x1xf32>
    %mul3A_31 = arith.mulf %slice3A_5, %slice3A_5 : vector<256x1xf32>
    %add3A_32 = arith.addf %add3A, %mul3A_31 : vector<256x1xf32>
    %mul3A_33 = arith.mulf %get3A_17, %get3A_17 : vector<1x128xf32>
    %mul3A_34 = arith.mulf %get3A_23, %get3A_23 : vector<1x128xf32>
    %add3A_35 = arith.addf %mul3A_33, %mul3A_34 : vector<1x128xf32>
    %mul3A_36 = arith.mulf %get3A_29, %get3A_29 : vector<1x128xf32>
    %add3A_37 = arith.addf %add3A_35, %mul3A_36 : vector<1x128xf32>
    %convert_element_type3A = arith.truncf %get3A_3 : vector<256x3xf32> to vector<256x3xbf16>
    %convert_element_type3A_38 = arith.truncf %get3A_11 : vector<3x128xf32> to vector<3x128xbf16>
    %dot_general3A = arith.constant dense<0.000000e+00> : vector<256x128xf32>
    %dot_general3A_39 = tpu.matmul %convert_element_type3A, %convert_element_type3A_38, %dot_general3A {dimension_numbers = #tpu.dot_dimension_numbers<[1], [0], [0], [1], [0, 0, 1, 1], [], []>, transpose_lhs_hint = false} : vector<256x3xbf16>, vector<3x128xbf16>, vector<256x128xf32> -> vector<256x128xf32>
    %add3A_40 = vector.broadcast %add3A_32 : vector<256x1xf32> to vector<256x128xf32>
    %add3A_41 = vector.broadcast %add3A_37 : vector<1x128xf32> to vector<256x128xf32>
    %add3A_42 = arith.addf %add3A_40, %add3A_41 : vector<256x128xf32>
    %mul3A_43 = arith.constant 2.000000e+00 : f32
    %mul3A_44 = vector.broadcast %mul3A_43 : f32 to vector<256x128xf32>
    %mul3A_45 = arith.mulf %mul3A_44, %dot_general3A_39 : vector<256x128xf32>
    %sub3A = arith.subf %add3A_42, %mul3A_45 : vector<256x128xf32>
    %iota3A = tpu.iota {dimensions = array<i32: 1>} : vector<256x128xi32>
    %reduce_min3A = arith.constant dense<0x7F800000> : vector<256xf32>
    %reduce_min3A_46 = vector.multi_reduction <minimumf>, %sub3A, %reduce_min3A [1] : vector<256x128xf32> to vector<256xf32>
    %broadcast_in_dim3A = vector.shape_cast %reduce_min3A_46 : vector<256xf32> to vector<256x1xf32>
    %eq3A = vector.broadcast %broadcast_in_dim3A : vector<256x1xf32> to vector<256x128xf32>
    %eq3A_47 = arith.cmpf oeq, %sub3A, %eq3A : vector<256x128xf32>
    %jit3A = arith.constant 128 : i32
    %broadcast_in_dim3A_48 = vector.broadcast %jit3A : i32 to vector<256x128xi32>
    %select_n3A = arith.select %eq3A_47, %iota3A, %broadcast_in_dim3A_48 : vector<256x128xi1>, vector<256x128xi32>
    %reduce_min3A_49 = arith.constant dense<2147483647> : vector<256xi32>
    %reduce_min3A_50 = vector.multi_reduction <minsi>, %select_n3A, %reduce_min3A_49 [1] : vector<256x128xi32> to vector<256xi32>
    %broadcast_in_dim3A_51 = vector.shape_cast %reduce_min3A_50 : vector<256xi32> to vector<256x1xi32>
    %eq3A_52 = vector.broadcast %broadcast_in_dim3A_51 : vector<256x1xi32> to vector<256x128xi32>
    %eq3A_53 = arith.cmpi eq, %iota3A, %eq3A_52 : vector<256x128xi32>
    %max3A = arith.constant 0.000000e+00 : f32
    %max3A_54 = vector.broadcast %max3A : f32 to vector<256x1xf32>
    %max3A_55 = arith.maximumf %broadcast_in_dim3A, %max3A_54 : vector<256x1xf32>
    %add3A_56 = arith.constant 9.99999993E-9 : f32
    %add3A_57 = vector.broadcast %add3A_56 : f32 to vector<256x1xf32>
    %add3A_58 = arith.addf %max3A_55, %add3A_57 : vector<256x1xf32>
    %div3A = arith.constant 1.000000e+00 : f32
    %div3A_59 = vector.broadcast %div3A : f32 to vector<256x1xf32>
    %div3A_60 = arith.divf %div3A_59, %add3A_58 : vector<256x1xf32>
    %jit3A_61 = arith.constant 0x7F800000 : f32
    %broadcast_in_dim3A_62 = vector.broadcast %jit3A_61 : f32 to vector<256x128xf32>
    %select_n3A_63 = arith.select %eq3A_53, %broadcast_in_dim3A_62, %sub3A : vector<256x128xi1>, vector<256x128xf32>
    %reduce_min3A_64 = arith.constant dense<0x7F800000> : vector<256xf32>
    %reduce_min3A_65 = vector.multi_reduction <minimumf>, %select_n3A_63, %reduce_min3A_64 [1] : vector<256x128xf32> to vector<256xf32>
    %broadcast_in_dim3A_66 = vector.shape_cast %reduce_min3A_65 : vector<256xf32> to vector<256x1xf32>
    %eq3A_67 = vector.broadcast %broadcast_in_dim3A_66 : vector<256x1xf32> to vector<256x128xf32>
    %eq3A_68 = arith.cmpf oeq, %select_n3A_63, %eq3A_67 : vector<256x128xf32>
    %jit3A_69 = arith.constant 128 : i32
    %broadcast_in_dim3A_70 = vector.broadcast %jit3A_69 : i32 to vector<256x128xi32>
    %select_n3A_71 = arith.select %eq3A_68, %iota3A, %broadcast_in_dim3A_70 : vector<256x128xi1>, vector<256x128xi32>
    %reduce_min3A_72 = arith.constant dense<2147483647> : vector<256xi32>
    %reduce_min3A_73 = vector.multi_reduction <minsi>, %select_n3A_71, %reduce_min3A_72 [1] : vector<256x128xi32> to vector<256xi32>
    %broadcast_in_dim3A_74 = vector.shape_cast %reduce_min3A_73 : vector<256xi32> to vector<256x1xi32>
    %eq3A_75 = vector.broadcast %broadcast_in_dim3A_74 : vector<256x1xi32> to vector<256x128xi32>
    %eq3A_76 = arith.cmpi eq, %iota3A, %eq3A_75 : vector<256x128xi32>
    %max3A_77 = arith.constant 0.000000e+00 : f32
    %max3A_78 = vector.broadcast %max3A_77 : f32 to vector<256x1xf32>
    %max3A_79 = arith.maximumf %broadcast_in_dim3A_66, %max3A_78 : vector<256x1xf32>
    %add3A_80 = arith.constant 9.99999993E-9 : f32
    %add3A_81 = vector.broadcast %add3A_80 : f32 to vector<256x1xf32>
    %add3A_82 = arith.addf %max3A_79, %add3A_81 : vector<256x1xf32>
    %div3A_83 = arith.constant 1.000000e+00 : f32
    %div3A_84 = vector.broadcast %div3A_83 : f32 to vector<256x1xf32>
    %div3A_85 = arith.divf %div3A_84, %add3A_82 : vector<256x1xf32>
    %jit3A_86 = arith.constant 0x7F800000 : f32
    %broadcast_in_dim3A_87 = vector.broadcast %jit3A_86 : f32 to vector<256x128xf32>
    %select_n3A_88 = arith.select %eq3A_76, %broadcast_in_dim3A_87, %select_n3A_63 : vector<256x128xi1>, vector<256x128xf32>
    %reduce_min3A_89 = arith.constant dense<0x7F800000> : vector<256xf32>
    %reduce_min3A_90 = vector.multi_reduction <minimumf>, %select_n3A_88, %reduce_min3A_89 [1] : vector<256x128xf32> to vector<256xf32>
    %broadcast_in_dim3A_91 = vector.shape_cast %reduce_min3A_90 : vector<256xf32> to vector<256x1xf32>
    %eq3A_92 = vector.broadcast %broadcast_in_dim3A_91 : vector<256x1xf32> to vector<256x128xf32>
    %eq3A_93 = arith.cmpf oeq, %select_n3A_88, %eq3A_92 : vector<256x128xf32>
    %jit3A_94 = arith.constant 128 : i32
    %broadcast_in_dim3A_95 = vector.broadcast %jit3A_94 : i32 to vector<256x128xi32>
    %select_n3A_96 = arith.select %eq3A_93, %iota3A, %broadcast_in_dim3A_95 : vector<256x128xi1>, vector<256x128xi32>
    %reduce_min3A_97 = arith.constant dense<2147483647> : vector<256xi32>
    %reduce_min3A_98 = vector.multi_reduction <minsi>, %select_n3A_96, %reduce_min3A_97 [1] : vector<256x128xi32> to vector<256xi32>
    %broadcast_in_dim3A_99 = vector.shape_cast %reduce_min3A_98 : vector<256xi32> to vector<256x1xi32>
    %eq3A_100 = vector.broadcast %broadcast_in_dim3A_99 : vector<256x1xi32> to vector<256x128xi32>
    %eq3A_101 = arith.cmpi eq, %iota3A, %eq3A_100 : vector<256x128xi32>
    %max3A_102 = arith.constant 0.000000e+00 : f32
    %max3A_103 = vector.broadcast %max3A_102 : f32 to vector<256x1xf32>
    %max3A_104 = arith.maximumf %broadcast_in_dim3A_91, %max3A_103 : vector<256x1xf32>
    %add3A_105 = arith.constant 9.99999993E-9 : f32
    %add3A_106 = vector.broadcast %add3A_105 : f32 to vector<256x1xf32>
    %add3A_107 = arith.addf %max3A_104, %add3A_106 : vector<256x1xf32>
    %div3A_108 = arith.constant 1.000000e+00 : f32
    %div3A_109 = vector.broadcast %div3A_108 : f32 to vector<256x1xf32>
    %div3A_110 = arith.divf %div3A_109, %add3A_107 : vector<256x1xf32>
    %add3A_111 = arith.addf %div3A_60, %div3A_85 : vector<256x1xf32>
    %add3A_112 = arith.addf %add3A_111, %div3A_110 : vector<256x1xf32>
    %div3A_113 = arith.divf %div3A_60, %add3A_112 : vector<256x1xf32>
    %jit3A_114 = arith.constant 0.000000e+00 : f32
    %broadcast_in_dim3A_115 = vector.shape_cast %div3A_113 : vector<256x1xf32> to vector<256x1xf32>
    %broadcast_in_dim3A_116 = vector.broadcast %broadcast_in_dim3A_115 : vector<256x1xf32> to vector<256x128xf32>
    %broadcast_in_dim3A_117 = vector.broadcast %jit3A_114 : f32 to vector<256x128xf32>
    %select_n3A_118 = arith.select %eq3A_53, %broadcast_in_dim3A_116, %broadcast_in_dim3A_117 : vector<256x128xi1>, vector<256x128xf32>
    %div3A_119 = arith.divf %div3A_85, %add3A_112 : vector<256x1xf32>
    %jit3A_120 = arith.constant 0.000000e+00 : f32
    %broadcast_in_dim3A_121 = vector.shape_cast %div3A_119 : vector<256x1xf32> to vector<256x1xf32>
    %broadcast_in_dim3A_122 = vector.broadcast %broadcast_in_dim3A_121 : vector<256x1xf32> to vector<256x128xf32>
    %broadcast_in_dim3A_123 = vector.broadcast %jit3A_120 : f32 to vector<256x128xf32>
    %select_n3A_124 = arith.select %eq3A_76, %broadcast_in_dim3A_122, %broadcast_in_dim3A_123 : vector<256x128xi1>, vector<256x128xf32>
    %add3A_125 = arith.addf %select_n3A_118, %select_n3A_124 : vector<256x128xf32>
    %div3A_126 = arith.divf %div3A_110, %add3A_112 : vector<256x1xf32>
    %jit3A_127 = arith.constant 0.000000e+00 : f32
    %broadcast_in_dim3A_128 = vector.shape_cast %div3A_126 : vector<256x1xf32> to vector<256x1xf32>
    %broadcast_in_dim3A_129 = vector.broadcast %broadcast_in_dim3A_128 : vector<256x1xf32> to vector<256x128xf32>
    %broadcast_in_dim3A_130 = vector.broadcast %jit3A_127 : f32 to vector<256x128xf32>
    %select_n3A_131 = arith.select %eq3A_101, %broadcast_in_dim3A_129, %broadcast_in_dim3A_130 : vector<256x128xi1>, vector<256x128xf32>
    %add3A_132 = arith.addf %add3A_125, %select_n3A_131 : vector<256x128xf32>
    %get3A_133 = arith.constant 0 : index
    %get3A_134 = arith.constant 0 : index
    %get3A_135 = arith.constant 0 : index
    %get3A_136 = vector.load %arg5[%get3A_133, %get3A_134, %get3A_135] : memref<1x128x512xf32, #tpu.memory_space<vmem>>, vector<1x128x512xf32>
    %get3A_137 = vector.shape_cast %get3A_136 : vector<1x128x512xf32> to vector<128x512xf32>
    %dot_general3A_138 = arith.constant dense<0.000000e+00> : vector<256x512xf32>
    %dot_general3A_139 = tpu.matmul %add3A_132, %get3A_137, %dot_general3A_138 {dimension_numbers = #tpu.dot_dimension_numbers<[1], [0], [0], [1], [0, 0, 1, 1], [], []>, transpose_lhs_hint = false} : vector<256x128xf32>, vector<128x512xf32>, vector<256x512xf32> -> vector<256x512xf32>
    %get3A_140 = arith.constant 0 : index
    %get3A_141 = arith.constant 0 : index
    %get3A_142 = arith.constant 0 : index
    %get3A_143 = vector.load %arg4[%get3A_140, %get3A_141, %get3A_142] : memref<1x256x256xf32, #tpu.memory_space<vmem>>, vector<1x256x256xf32>
    %get3A_144 = vector.shape_cast %get3A_143 : vector<1x256x256xf32> to vector<256x256xf32>
    %concatenate3A = tpu.concatenate %get3A_144, %dot_general3A_139 in 1 : vector<256x256xf32>, vector<256x512xf32> -> vector<256x768xf32>
    %get3A_145 = arith.constant 0 : index
    %get3A_146 = arith.constant 0 : index
    %get3A_147 = vector.load %arg6[%get3A_145, %get3A_146] : memref<768x256xf32, #tpu.memory_space<vmem>>, vector<768x256xf32>
    %get3A_148 = arith.constant 0 : index
    %get3A_149 = arith.constant 0 : index
    %get3A_150 = vector.load %arg7[%get3A_148, %get3A_149] : memref<1x256xf32, #tpu.memory_space<vmem>>, vector<1x256xf32>
    %convert_element_type3A_151 = arith.truncf %concatenate3A : vector<256x768xf32> to vector<256x768xbf16>
    %convert_element_type3A_152 = arith.truncf %get3A_147 : vector<768x256xf32> to vector<768x256xbf16>
    %dot_general3A_153 = arith.constant dense<0.000000e+00> : vector<256x256xf32>
    %dot_general3A_154 = tpu.matmul %convert_element_type3A_151, %convert_element_type3A_152, %dot_general3A_153 {dimension_numbers = #tpu.dot_dimension_numbers<[1], [0], [0], [1], [0, 0, 1, 1], [], []>, transpose_lhs_hint = false} : vector<256x768xbf16>, vector<768x256xbf16>, vector<256x256xf32> -> vector<256x256xf32>
    %add3A_155 = vector.broadcast %get3A_150 : vector<1x256xf32> to vector<256x256xf32>
    %add3A_156 = arith.addf %dot_general3A_154, %add3A_155 : vector<256x256xf32>
    %max3A_157 = arith.constant 0.000000e+00 : f32
    %max3A_158 = vector.broadcast %max3A_157 : f32 to vector<256x256xf32>
    %max3A_159 = arith.maximumf %add3A_156, %max3A_158 : vector<256x256xf32>
    %get3A_160 = arith.constant 0 : index
    %get3A_161 = arith.constant 0 : index
    %get3A_162 = vector.load %arg8[%get3A_160, %get3A_161] : memref<256x256xf32, #tpu.memory_space<vmem>>, vector<256x256xf32>
    %get3A_163 = arith.constant 0 : index
    %get3A_164 = arith.constant 0 : index
    %get3A_165 = vector.load %arg9[%get3A_163, %get3A_164] : memref<1x256xf32, #tpu.memory_space<vmem>>, vector<1x256xf32>
    %convert_element_type3A_166 = arith.truncf %max3A_159 : vector<256x256xf32> to vector<256x256xbf16>
    %convert_element_type3A_167 = arith.truncf %get3A_162 : vector<256x256xf32> to vector<256x256xbf16>
    %dot_general3A_168 = arith.constant dense<0.000000e+00> : vector<256x256xf32>
    %dot_general3A_169 = tpu.matmul %convert_element_type3A_166, %convert_element_type3A_167, %dot_general3A_168 {dimension_numbers = #tpu.dot_dimension_numbers<[1], [0], [0], [1], [0, 0, 1, 1], [], []>, transpose_lhs_hint = false} : vector<256x256xbf16>, vector<256x256xbf16>, vector<256x256xf32> -> vector<256x256xf32>
    %add3A_170 = vector.broadcast %get3A_165 : vector<1x256xf32> to vector<256x256xf32>
    %add3A_171 = arith.addf %dot_general3A_169, %add3A_170 : vector<256x256xf32>
    %max3A_172 = arith.constant 0.000000e+00 : f32
    %max3A_173 = vector.broadcast %max3A_172 : f32 to vector<256x256xf32>
    %max3A_174 = arith.maximumf %add3A_171, %max3A_173 : vector<256x256xf32>
    %swap3A = arith.constant 0 : index
    %swap3A_175 = arith.constant 0 : index
    %swap3A_176 = arith.constant 0 : index
    %swap3A_177 = vector.load %arg10[%swap3A, %swap3A_175, %swap3A_176] : memref<1x256x256xf32, #tpu.memory_space<vmem>>, vector<1x256x256xf32>
    %swap3A_178 = vector.shape_cast %swap3A_177 : vector<1x256x256xf32> to vector<256x256xf32>
    %swap3A_179 = vector.shape_cast %max3A_174 : vector<256x256xf32> to vector<1x256x256xf32>
    tpu.vector_store %arg10[%swap3A, %swap3A_175, %swap3A_176], %swap3A_179 {strides = array<i32>} : memref<1x256x256xf32, #tpu.memory_space<vmem>>, vector<1x256x256xf32>,
    return
  }
  func.func @transform_0(%arg0: i32, %arg1: i32) -> (i32, i32, i32) {
    %c0_i32 = arith.constant 0 : i32
    %c0_i32_0 = arith.constant 0 : i32
    return %arg0, %arg1, %c0_i32 : i32, i32, i32
  }
  func.func @transform_1(%arg0: i32, %arg1: i32) -> (i32, i32, i32, i32) {
    %c0_i32 = arith.constant 0 : i32
    %c0_i32_0 = arith.constant 0 : i32
    %c0_i32_1 = arith.constant 0 : i32
    %c0_i32_2 = arith.constant 0 : i32
    return %c0_i32, %arg0, %c0_i32_0, %c0_i32_1 : i32, i32, i32, i32
  }
  func.func @transform_2(%arg0: i32, %arg1: i32) -> (i32, i32, i32) {
    %c0_i32 = arith.constant 0 : i32
    %c0_i32_0 = arith.constant 0 : i32
    return %arg0, %arg1, %c0_i32 : i32, i32, i32
  }
  func.func @transform_3(%arg0: i32, %arg1: i32) -> (i32, i32, i32) {
    %c0_i32 = arith.constant 0 : i32
    %c0_i32_0 = arith.constant 0 : i32
    %c0_i32_1 = arith.constant 0 : i32
    return %arg0, %c0_i32, %c0_i32_0 : i32, i32, i32
  }
  func.func @transform_4(%arg0: i32, %arg1: i32) -> (i32, i32) {
    %c0_i32 = arith.constant 0 : i32
    %c0_i32_0 = arith.constant 0 : i32
    %c0_i32_1 = arith.constant 0 : i32
    return %c0_i32, %c0_i32_0 : i32, i32
  }
  func.func @transform_5(%arg0: i32, %arg1: i32) -> (i32, i32) {
    %c0_i32 = arith.constant 0 : i32
    %c0_i32_0 = arith.constant 0 : i32
    %c0_i32_1 = arith.constant 0 : i32
    return %c0_i32, %c0_i32_0 : i32, i32
  }
  func.func @transform_6(%arg0: i32, %arg1: i32) -> (i32, i32) {
    %c0_i32 = arith.constant 0 : i32
    %c0_i32_0 = arith.constant 0 : i32
    %c0_i32_1 = arith.constant 0 : i32
    return %c0_i32, %c0_i32_0 : i32, i32
  }
  func.func @transform_7(%arg0: i32, %arg1: i32) -> (i32, i32) {
    %c0_i32 = arith.constant 0 : i32
    %c0_i32_0 = arith.constant 0 : i32
    %c0_i32_1 = arith.constant 0 : i32
    return %c0_i32, %c0_i32_0 : i32, i32
  }
  func.func @transform_8(%arg0: i32, %arg1: i32) -> (i32, i32, i32) {
    %c0_i32 = arith.constant 0 : i32
    %c0_i32_0 = arith.constant 0 : i32
    return %arg0, %arg1, %c0_i32 : i32, i32, i32
  }
}

module attributes {stable_mosaic.version = 14 : i64} {
  func.func @_fp_body(%arg0: i32, %arg1: i32, %arg2: memref<1x256x3xf32, #tpu.memory_space<vmem>>, %arg3: memref<3x1x1x256xf32, #tpu.memory_space<vmem>>, %arg4: memref<1x256x128xf32, #tpu.memory_space<vmem>>, %arg5: memref<1x256x256xf32, #tpu.memory_space<vmem>>, %arg6: memref<384x256xf32, #tpu.memory_space<vmem>>, %arg7: memref<1x256xf32, #tpu.memory_space<vmem>>, %arg8: memref<256x256xf32, #tpu.memory_space<vmem>>, %arg9: memref<1x256xf32, #tpu.memory_space<vmem>>, %arg10: memref<1x256x256xf32, #tpu.memory_space<vmem>>) attributes {dimension_semantics = [#tpu.dimension_semantics<arbitrary>, #tpu.dimension_semantics<arbitrary>], iteration_bounds = array<i64: 8, 2>, scalar_prefetch = 0 : i64, scratch_operands = 0 : i64, tpu.core_type = #tpu.core_type<tc>, window_params = [{transform_indices = @transform_0, window_bounds = array<i64: 1, 256, 3>}, {transform_indices = @transform_1, window_bounds = array<i64: 3, 1, 1, 256>}, {transform_indices = @transform_2, window_bounds = array<i64: 1, 256, 128>}, {transform_indices = @transform_3, window_bounds = array<i64: 1, 256, 256>}, {pipeline_mode = #tpu.pipeline_mode<synchronous>, transform_indices = @transform_4, window_bounds = array<i64: 384, 256>}, {pipeline_mode = #tpu.pipeline_mode<synchronous>, transform_indices = @transform_5, window_bounds = array<i64: 1, 256>}, {pipeline_mode = #tpu.pipeline_mode<synchronous>, transform_indices = @transform_6, window_bounds = array<i64: 256, 256>}, {pipeline_mode = #tpu.pipeline_mode<synchronous>, transform_indices = @transform_7, window_bounds = array<i64: 1, 256>}, {transform_indices = @transform_8, window_bounds = array<i64: 1, 256, 256>}]} {
    %get3A = arith.constant 0 : index
    %get3A_0 = arith.constant 0 : index
    %get3A_1 = arith.constant 0 : index
    %get3A_2 = vector.load %arg2[%get3A, %get3A_0, %get3A_1] : memref<1x256x3xf32, #tpu.memory_space<vmem>>, vector<1x256x3xf32>
    %get3A_3 = vector.shape_cast %get3A_2 : vector<1x256x3xf32> to vector<256x3xf32>
    %slice3A = vector.extract_strided_slice %get3A_3 {offsets = [0, 0], sizes = [256, 1], strides = [1, 1]} : vector<256x3xf32> to vector<256x1xf32>
    %slice3A_4 = vector.extract_strided_slice %get3A_3 {offsets = [0, 1], sizes = [256, 1], strides = [1, 1]} : vector<256x3xf32> to vector<256x1xf32>
    %slice3A_5 = vector.extract_strided_slice %get3A_3 {offsets = [0, 2], sizes = [256, 1], strides = [1, 1]} : vector<256x3xf32> to vector<256x1xf32>
    %get3A_6 = arith.constant 0 : index
    %get3A_7 = arith.constant 0 : index
    %get3A_8 = arith.constant 0 : index
    %get3A_9 = arith.constant 0 : index
    %get3A_10 = vector.load %arg3[%get3A_6, %get3A_7, %get3A_8, %get3A_9] : memref<3x1x1x256xf32, #tpu.memory_space<vmem>>, vector<3x1x1x256xf32>
    %get3A_11 = vector.shape_cast %get3A_10 : vector<3x1x1x256xf32> to vector<3x256xf32>
    %get3A_12 = arith.constant 0 : index
    %get3A_13 = arith.constant 0 : index
    %get3A_14 = arith.constant 0 : index
    %get3A_15 = arith.constant 0 : index
    %get3A_16 = vector.load %arg3[%get3A_12, %get3A_13, %get3A_14, %get3A_15] : memref<3x1x1x256xf32, #tpu.memory_space<vmem>>, vector<1x1x1x256xf32>
    %get3A_17 = vector.shape_cast %get3A_16 : vector<1x1x1x256xf32> to vector<1x256xf32>
    %get3A_18 = arith.constant 1 : index
    %get3A_19 = arith.constant 0 : index
    %get3A_20 = arith.constant 0 : index
    %get3A_21 = arith.constant 0 : index
    %get3A_22 = vector.load %arg3[%get3A_18, %get3A_19, %get3A_20, %get3A_21] : memref<3x1x1x256xf32, #tpu.memory_space<vmem>>, vector<1x1x1x256xf32>
    %get3A_23 = vector.shape_cast %get3A_22 : vector<1x1x1x256xf32> to vector<1x256xf32>
    %get3A_24 = arith.constant 2 : index
    %get3A_25 = arith.constant 0 : index
    %get3A_26 = arith.constant 0 : index
    %get3A_27 = arith.constant 0 : index
    %get3A_28 = vector.load %arg3[%get3A_24, %get3A_25, %get3A_26, %get3A_27] : memref<3x1x1x256xf32, #tpu.memory_space<vmem>>, vector<1x1x1x256xf32>
    %get3A_29 = vector.shape_cast %get3A_28 : vector<1x1x1x256xf32> to vector<1x256xf32>
    %mul3A = arith.mulf %slice3A, %slice3A : vector<256x1xf32>
    %mul3A_30 = arith.mulf %slice3A_4, %slice3A_4 : vector<256x1xf32>
    %add3A = arith.addf %mul3A, %mul3A_30 : vector<256x1xf32>
    %mul3A_31 = arith.mulf %slice3A_5, %slice3A_5 : vector<256x1xf32>
    %add3A_32 = arith.addf %add3A, %mul3A_31 : vector<256x1xf32>
    %mul3A_33 = arith.mulf %get3A_17, %get3A_17 : vector<1x256xf32>
    %mul3A_34 = arith.mulf %get3A_23, %get3A_23 : vector<1x256xf32>
    %add3A_35 = arith.addf %mul3A_33, %mul3A_34 : vector<1x256xf32>
    %mul3A_36 = arith.mulf %get3A_29, %get3A_29 : vector<1x256xf32>
    %add3A_37 = arith.addf %add3A_35, %mul3A_36 : vector<1x256xf32>
    %convert_element_type3A = arith.truncf %get3A_3 : vector<256x3xf32> to vector<256x3xbf16>
    %convert_element_type3A_38 = arith.truncf %get3A_11 : vector<3x256xf32> to vector<3x256xbf16>
    %dot_general3A = arith.constant dense<0.000000e+00> : vector<256x256xf32>
    %dot_general3A_39 = tpu.matmul %convert_element_type3A, %convert_element_type3A_38, %dot_general3A {dimension_numbers = #tpu.dot_dimension_numbers<[1], [0], [0], [1], [0, 0, 1, 1], [], []>, transpose_lhs_hint = false} : vector<256x3xbf16>, vector<3x256xbf16>, vector<256x256xf32> -> vector<256x256xf32>
    %add3A_40 = vector.broadcast %add3A_32 : vector<256x1xf32> to vector<256x256xf32>
    %add3A_41 = vector.broadcast %add3A_37 : vector<1x256xf32> to vector<256x256xf32>
    %add3A_42 = arith.addf %add3A_40, %add3A_41 : vector<256x256xf32>
    %mul3A_43 = arith.constant 2.000000e+00 : f32
    %mul3A_44 = vector.broadcast %mul3A_43 : f32 to vector<256x256xf32>
    %mul3A_45 = arith.mulf %mul3A_44, %dot_general3A_39 : vector<256x256xf32>
    %sub3A = arith.subf %add3A_42, %mul3A_45 : vector<256x256xf32>
    %iota3A = tpu.iota {dimensions = array<i32: 1>} : vector<256x256xi32>
    %reduce_min3A = arith.constant dense<0x7F800000> : vector<256xf32>
    %reduce_min3A_46 = vector.multi_reduction <minimumf>, %sub3A, %reduce_min3A [1] : vector<256x256xf32> to vector<256xf32>
    %broadcast_in_dim3A = vector.shape_cast %reduce_min3A_46 : vector<256xf32> to vector<256x1xf32>
    %eq3A = vector.broadcast %broadcast_in_dim3A : vector<256x1xf32> to vector<256x256xf32>
    %eq3A_47 = arith.cmpf oeq, %sub3A, %eq3A : vector<256x256xf32>
    %jit3A = arith.constant 256 : i32
    %broadcast_in_dim3A_48 = vector.broadcast %jit3A : i32 to vector<256x256xi32>
    %select_n3A = arith.select %eq3A_47, %iota3A, %broadcast_in_dim3A_48 : vector<256x256xi1>, vector<256x256xi32>
    %reduce_min3A_49 = arith.constant dense<2147483647> : vector<256xi32>
    %reduce_min3A_50 = vector.multi_reduction <minsi>, %select_n3A, %reduce_min3A_49 [1] : vector<256x256xi32> to vector<256xi32>
    %broadcast_in_dim3A_51 = vector.shape_cast %reduce_min3A_50 : vector<256xi32> to vector<256x1xi32>
    %eq3A_52 = vector.broadcast %broadcast_in_dim3A_51 : vector<256x1xi32> to vector<256x256xi32>
    %eq3A_53 = arith.cmpi eq, %iota3A, %eq3A_52 : vector<256x256xi32>
    %max3A = arith.constant 0.000000e+00 : f32
    %max3A_54 = vector.broadcast %max3A : f32 to vector<256x1xf32>
    %max3A_55 = arith.maximumf %broadcast_in_dim3A, %max3A_54 : vector<256x1xf32>
    %add3A_56 = arith.constant 9.99999993E-9 : f32
    %add3A_57 = vector.broadcast %add3A_56 : f32 to vector<256x1xf32>
    %add3A_58 = arith.addf %max3A_55, %add3A_57 : vector<256x1xf32>
    %div3A = arith.constant 1.000000e+00 : f32
    %div3A_59 = vector.broadcast %div3A : f32 to vector<256x1xf32>
    %div3A_60 = arith.divf %div3A_59, %add3A_58 : vector<256x1xf32>
    %jit3A_61 = arith.constant 0x7F800000 : f32
    %broadcast_in_dim3A_62 = vector.broadcast %jit3A_61 : f32 to vector<256x256xf32>
    %select_n3A_63 = arith.select %eq3A_53, %broadcast_in_dim3A_62, %sub3A : vector<256x256xi1>, vector<256x256xf32>
    %reduce_min3A_64 = arith.constant dense<0x7F800000> : vector<256xf32>
    %reduce_min3A_65 = vector.multi_reduction <minimumf>, %select_n3A_63, %reduce_min3A_64 [1] : vector<256x256xf32> to vector<256xf32>
    %broadcast_in_dim3A_66 = vector.shape_cast %reduce_min3A_65 : vector<256xf32> to vector<256x1xf32>
    %eq3A_67 = vector.broadcast %broadcast_in_dim3A_66 : vector<256x1xf32> to vector<256x256xf32>
    %eq3A_68 = arith.cmpf oeq, %select_n3A_63, %eq3A_67 : vector<256x256xf32>
    %jit3A_69 = arith.constant 256 : i32
    %broadcast_in_dim3A_70 = vector.broadcast %jit3A_69 : i32 to vector<256x256xi32>
    %select_n3A_71 = arith.select %eq3A_68, %iota3A, %broadcast_in_dim3A_70 : vector<256x256xi1>, vector<256x256xi32>
    %reduce_min3A_72 = arith.constant dense<2147483647> : vector<256xi32>
    %reduce_min3A_73 = vector.multi_reduction <minsi>, %select_n3A_71, %reduce_min3A_72 [1] : vector<256x256xi32> to vector<256xi32>
    %broadcast_in_dim3A_74 = vector.shape_cast %reduce_min3A_73 : vector<256xi32> to vector<256x1xi32>
    %eq3A_75 = vector.broadcast %broadcast_in_dim3A_74 : vector<256x1xi32> to vector<256x256xi32>
    %eq3A_76 = arith.cmpi eq, %iota3A, %eq3A_75 : vector<256x256xi32>
    %max3A_77 = arith.constant 0.000000e+00 : f32
    %max3A_78 = vector.broadcast %max3A_77 : f32 to vector<256x1xf32>
    %max3A_79 = arith.maximumf %broadcast_in_dim3A_66, %max3A_78 : vector<256x1xf32>
    %add3A_80 = arith.constant 9.99999993E-9 : f32
    %add3A_81 = vector.broadcast %add3A_80 : f32 to vector<256x1xf32>
    %add3A_82 = arith.addf %max3A_79, %add3A_81 : vector<256x1xf32>
    %div3A_83 = arith.constant 1.000000e+00 : f32
    %div3A_84 = vector.broadcast %div3A_83 : f32 to vector<256x1xf32>
    %div3A_85 = arith.divf %div3A_84, %add3A_82 : vector<256x1xf32>
    %jit3A_86 = arith.constant 0x7F800000 : f32
    %broadcast_in_dim3A_87 = vector.broadcast %jit3A_86 : f32 to vector<256x256xf32>
    %select_n3A_88 = arith.select %eq3A_76, %broadcast_in_dim3A_87, %select_n3A_63 : vector<256x256xi1>, vector<256x256xf32>
    %reduce_min3A_89 = arith.constant dense<0x7F800000> : vector<256xf32>
    %reduce_min3A_90 = vector.multi_reduction <minimumf>, %select_n3A_88, %reduce_min3A_89 [1] : vector<256x256xf32> to vector<256xf32>
    %broadcast_in_dim3A_91 = vector.shape_cast %reduce_min3A_90 : vector<256xf32> to vector<256x1xf32>
    %eq3A_92 = vector.broadcast %broadcast_in_dim3A_91 : vector<256x1xf32> to vector<256x256xf32>
    %eq3A_93 = arith.cmpf oeq, %select_n3A_88, %eq3A_92 : vector<256x256xf32>
    %jit3A_94 = arith.constant 256 : i32
    %broadcast_in_dim3A_95 = vector.broadcast %jit3A_94 : i32 to vector<256x256xi32>
    %select_n3A_96 = arith.select %eq3A_93, %iota3A, %broadcast_in_dim3A_95 : vector<256x256xi1>, vector<256x256xi32>
    %reduce_min3A_97 = arith.constant dense<2147483647> : vector<256xi32>
    %reduce_min3A_98 = vector.multi_reduction <minsi>, %select_n3A_96, %reduce_min3A_97 [1] : vector<256x256xi32> to vector<256xi32>
    %broadcast_in_dim3A_99 = vector.shape_cast %reduce_min3A_98 : vector<256xi32> to vector<256x1xi32>
    %eq3A_100 = vector.broadcast %broadcast_in_dim3A_99 : vector<256x1xi32> to vector<256x256xi32>
    %eq3A_101 = arith.cmpi eq, %iota3A, %eq3A_100 : vector<256x256xi32>
    %max3A_102 = arith.constant 0.000000e+00 : f32
    %max3A_103 = vector.broadcast %max3A_102 : f32 to vector<256x1xf32>
    %max3A_104 = arith.maximumf %broadcast_in_dim3A_91, %max3A_103 : vector<256x1xf32>
    %add3A_105 = arith.constant 9.99999993E-9 : f32
    %add3A_106 = vector.broadcast %add3A_105 : f32 to vector<256x1xf32>
    %add3A_107 = arith.addf %max3A_104, %add3A_106 : vector<256x1xf32>
    %div3A_108 = arith.constant 1.000000e+00 : f32
    %div3A_109 = vector.broadcast %div3A_108 : f32 to vector<256x1xf32>
    %div3A_110 = arith.divf %div3A_109, %add3A_107 : vector<256x1xf32>
    %add3A_111 = arith.addf %div3A_60, %div3A_85 : vector<256x1xf32>
    %add3A_112 = arith.addf %add3A_111, %div3A_110 : vector<256x1xf32>
    %div3A_113 = arith.divf %div3A_60, %add3A_112 : vector<256x1xf32>
    %jit3A_114 = arith.constant 0.000000e+00 : f32
    %broadcast_in_dim3A_115 = vector.shape_cast %div3A_113 : vector<256x1xf32> to vector<256x1xf32>
    %broadcast_in_dim3A_116 = vector.broadcast %broadcast_in_dim3A_115 : vector<256x1xf32> to vector<256x256xf32>
    %broadcast_in_dim3A_117 = vector.broadcast %jit3A_114 : f32 to vector<256x256xf32>
    %select_n3A_118 = arith.select %eq3A_53, %broadcast_in_dim3A_116, %broadcast_in_dim3A_117 : vector<256x256xi1>, vector<256x256xf32>
    %div3A_119 = arith.divf %div3A_85, %add3A_112 : vector<256x1xf32>
    %jit3A_120 = arith.constant 0.000000e+00 : f32
    %broadcast_in_dim3A_121 = vector.shape_cast %div3A_119 : vector<256x1xf32> to vector<256x1xf32>
    %broadcast_in_dim3A_122 = vector.broadcast %broadcast_in_dim3A_121 : vector<256x1xf32> to vector<256x256xf32>
    %broadcast_in_dim3A_123 = vector.broadcast %jit3A_120 : f32 to vector<256x256xf32>
    %select_n3A_124 = arith.select %eq3A_76, %broadcast_in_dim3A_122, %broadcast_in_dim3A_123 : vector<256x256xi1>, vector<256x256xf32>
    %add3A_125 = arith.addf %select_n3A_118, %select_n3A_124 : vector<256x256xf32>
    %div3A_126 = arith.divf %div3A_110, %add3A_112 : vector<256x1xf32>
    %jit3A_127 = arith.constant 0.000000e+00 : f32
    %broadcast_in_dim3A_128 = vector.shape_cast %div3A_126 : vector<256x1xf32> to vector<256x1xf32>
    %broadcast_in_dim3A_129 = vector.broadcast %broadcast_in_dim3A_128 : vector<256x1xf32> to vector<256x256xf32>
    %broadcast_in_dim3A_130 = vector.broadcast %jit3A_127 : f32 to vector<256x256xf32>
    %select_n3A_131 = arith.select %eq3A_101, %broadcast_in_dim3A_129, %broadcast_in_dim3A_130 : vector<256x256xi1>, vector<256x256xf32>
    %add3A_132 = arith.addf %add3A_125, %select_n3A_131 : vector<256x256xf32>
    %get3A_133 = arith.constant 0 : index
    %get3A_134 = arith.constant 0 : index
    %get3A_135 = arith.constant 0 : index
    %get3A_136 = vector.load %arg5[%get3A_133, %get3A_134, %get3A_135] : memref<1x256x256xf32, #tpu.memory_space<vmem>>, vector<1x256x256xf32>
    %get3A_137 = vector.shape_cast %get3A_136 : vector<1x256x256xf32> to vector<256x256xf32>
    %dot_general3A_138 = arith.constant dense<0.000000e+00> : vector<256x256xf32>
    %dot_general3A_139 = tpu.matmul %add3A_132, %get3A_137, %dot_general3A_138 {dimension_numbers = #tpu.dot_dimension_numbers<[1], [0], [0], [1], [0, 0, 1, 1], [], []>, transpose_lhs_hint = false} : vector<256x256xf32>, vector<256x256xf32>, vector<256x256xf32> -> vector<256x256xf32>
    %get3A_140 = arith.constant 0 : index
    %get3A_141 = arith.constant 0 : index
    %get3A_142 = arith.constant 0 : index
    %get3A_143 = vector.load %arg4[%get3A_140, %get3A_141, %get3A_142] : memref<1x256x128xf32, #tpu.memory_space<vmem>>, vector<1x256x128xf32>
    %get3A_144 = vector.shape_cast %get3A_143 : vector<1x256x128xf32> to vector<256x128xf32>
    %concatenate3A = tpu.concatenate %get3A_144, %dot_general3A_139 in 1 : vector<256x128xf32>, vector<256x256xf32> -> vector<256x384xf32>
    %get3A_145 = arith.constant 0 : index
    %get3A_146 = arith.constant 0 : index
    %get3A_147 = vector.load %arg6[%get3A_145, %get3A_146] : memref<384x256xf32, #tpu.memory_space<vmem>>, vector<384x256xf32>
    %get3A_148 = arith.constant 0 : index
    %get3A_149 = arith.constant 0 : index
    %get3A_150 = vector.load %arg7[%get3A_148, %get3A_149] : memref<1x256xf32, #tpu.memory_space<vmem>>, vector<1x256xf32>
    %convert_element_type3A_151 = arith.truncf %concatenate3A : vector<256x384xf32> to vector<256x384xbf16>
    %convert_element_type3A_152 = arith.truncf %get3A_147 : vector<384x256xf32> to vector<384x256xbf16>
    %dot_general3A_153 = arith.constant dense<0.000000e+00> : vector<256x256xf32>
    %dot_general3A_154 = tpu.matmul %convert_element_type3A_151, %convert_element_type3A_152, %dot_general3A_153 {dimension_numbers = #tpu.dot_dimension_numbers<[1], [0], [0], [1], [0, 0, 1, 1], [], []>, transpose_lhs_hint = false} : vector<256x384xbf16>, vector<384x256xbf16>, vector<256x256xf32> -> vector<256x256xf32>
    %add3A_155 = vector.broadcast %get3A_150 : vector<1x256xf32> to vector<256x256xf32>
    %add3A_156 = arith.addf %dot_general3A_154, %add3A_155 : vector<256x256xf32>
    %max3A_157 = arith.constant 0.000000e+00 : f32
    %max3A_158 = vector.broadcast %max3A_157 : f32 to vector<256x256xf32>
    %max3A_159 = arith.maximumf %add3A_156, %max3A_158 : vector<256x256xf32>
    %get3A_160 = arith.constant 0 : index
    %get3A_161 = arith.constant 0 : index
    %get3A_162 = vector.load %arg8[%get3A_160, %get3A_161] : memref<256x256xf32, #tpu.memory_space<vmem>>, vector<256x256xf32>
    %get3A_163 = arith.constant 0 : index
    %get3A_164 = arith.constant 0 : index
    %get3A_165 = vector.load %arg9[%get3A_163, %get3A_164] : memref<1x256xf32, #tpu.memory_space<vmem>>, vector<1x256xf32>
    %convert_element_type3A_166 = arith.truncf %max3A_159 : vector<256x256xf32> to vector<256x256xbf16>
    %convert_element_type3A_167 = arith.truncf %get3A_162 : vector<256x256xf32> to vector<256x256xbf16>
    %dot_general3A_168 = arith.constant dense<0.000000e+00> : vector<256x256xf32>
    %dot_general3A_169 = tpu.matmul %convert_element_type3A_166, %convert_element_type3A_167, %dot_general3A_168 {dimension_numbers = #tpu.dot_dimension_numbers<[1], [0], [0], [1], [0, 0, 1, 1], [], []>, transpose_lhs_hint = false} : vector<256x256xbf16>, vector<256x256xbf16>, vector<256x256xf32> -> vector<256x256xf32>
    %add3A_170 = vector.broadcast %get3A_165 : vector<1x256xf32> to vector<256x256xf32>
    %add3A_171 = arith.addf %dot_general3A_169, %add3A_170 : vector<256x256xf32>
    %max3A_172 = arith.constant 0.000000e+00 : f32
    %max3A_173 = vector.broadcast %max3A_172 : f32 to vector<256x256xf32>
    %max3A_174 = arith.maximumf %add3A_171, %max3A_173 : vector<256x256xf32>
    %swap3A = arith.constant 0 : index
    %swap3A_175 = arith.constant 0 : index
    %swap3A_176 = arith.constant 0 : index
    %swap3A_177 = vector.load %arg10[%swap3A, %swap3A_175, %swap3A_176] : memref<1x256x256xf32, #tpu.memory_space<vmem>>, vector<1x256x256xf32>
    %swap3A_178 = vector.shape_cast %swap3A_177 : vector<1x256x256xf32> to vector<256x256xf32>
    %swap3A_179 = vector.shape_cast %max3A_174 : vector<256x256xf32> to vector<1x256x256xf32>
    tpu.vector_store %arg10[%swap3A, %swap3A_175, %swap3A_176], %swap3A_179 {strides = array<i32>} : memref<1x256x256xf32, #tpu.memory_space<vmem>>, vector<1x256x256xf32>,
    return
  }
  func.func @transform_0(%arg0: i32, %arg1: i32) -> (i32, i32, i32) {
    %c0_i32 = arith.constant 0 : i32
    %c0_i32_0 = arith.constant 0 : i32
    return %arg0, %arg1, %c0_i32 : i32, i32, i32
  }
  func.func @transform_1(%arg0: i32, %arg1: i32) -> (i32, i32, i32, i32) {
    %c0_i32 = arith.constant 0 : i32
    %c0_i32_0 = arith.constant 0 : i32
    %c0_i32_1 = arith.constant 0 : i32
    %c0_i32_2 = arith.constant 0 : i32
    return %c0_i32, %arg0, %c0_i32_0, %c0_i32_1 : i32, i32, i32, i32
  }
  func.func @transform_2(%arg0: i32, %arg1: i32) -> (i32, i32, i32) {
    %c0_i32 = arith.constant 0 : i32
    %c0_i32_0 = arith.constant 0 : i32
    return %arg0, %arg1, %c0_i32 : i32, i32, i32
  }
  func.func @transform_3(%arg0: i32, %arg1: i32) -> (i32, i32, i32) {
    %c0_i32 = arith.constant 0 : i32
    %c0_i32_0 = arith.constant 0 : i32
    %c0_i32_1 = arith.constant 0 : i32
    return %arg0, %c0_i32, %c0_i32_0 : i32, i32, i32
  }
  func.func @transform_4(%arg0: i32, %arg1: i32) -> (i32, i32) {
    %c0_i32 = arith.constant 0 : i32
    %c0_i32_0 = arith.constant 0 : i32
    %c0_i32_1 = arith.constant 0 : i32
    return %c0_i32, %c0_i32_0 : i32, i32
  }
  func.func @transform_5(%arg0: i32, %arg1: i32) -> (i32, i32) {
    %c0_i32 = arith.constant 0 : i32
    %c0_i32_0 = arith.constant 0 : i32
    %c0_i32_1 = arith.constant 0 : i32
    return %c0_i32, %c0_i32_0 : i32, i32
  }
  func.func @transform_6(%arg0: i32, %arg1: i32) -> (i32, i32) {
    %c0_i32 = arith.constant 0 : i32
    %c0_i32_0 = arith.constant 0 : i32
    %c0_i32_1 = arith.constant 0 : i32
    return %c0_i32, %c0_i32_0 : i32, i32
  }
  func.func @transform_7(%arg0: i32, %arg1: i32) -> (i32, i32) {
    %c0_i32 = arith.constant 0 : i32
    %c0_i32_0 = arith.constant 0 : i32
    %c0_i32_1 = arith.constant 0 : i32
    return %c0_i32, %c0_i32_0 : i32, i32
  }
  func.func @transform_8(%arg0: i32, %arg1: i32) -> (i32, i32, i32) {
    %c0_i32 = arith.constant 0 : i32
    %c0_i32_0 = arith.constant 0 : i32
    return %arg0, %arg1, %c0_i32 : i32, i32, i32
  }
}

module attributes {stable_mosaic.version = 14 : i64} {
  func.func @_fp_body(%arg0: i32, %arg1: i32, %arg2: memref<1x256x3xf32, #tpu.memory_space<vmem>>, %arg3: memref<3x1x1x512xf32, #tpu.memory_space<vmem>>, %arg4: memref<1x256x64xf32, #tpu.memory_space<vmem>>, %arg5: memref<1x512x256xf32, #tpu.memory_space<vmem>>, %arg6: memref<320x256xf32, #tpu.memory_space<vmem>>, %arg7: memref<1x256xf32, #tpu.memory_space<vmem>>, %arg8: memref<256x128xf32, #tpu.memory_space<vmem>>, %arg9: memref<1x128xf32, #tpu.memory_space<vmem>>, %arg10: memref<1x256x128xf32, #tpu.memory_space<vmem>>) attributes {dimension_semantics = [#tpu.dimension_semantics<arbitrary>, #tpu.dimension_semantics<arbitrary>], iteration_bounds = array<i64: 8, 4>, scalar_prefetch = 0 : i64, scratch_operands = 0 : i64, tpu.core_type = #tpu.core_type<tc>, window_params = [{transform_indices = @transform_0, window_bounds = array<i64: 1, 256, 3>}, {transform_indices = @transform_1, window_bounds = array<i64: 3, 1, 1, 512>}, {transform_indices = @transform_2, window_bounds = array<i64: 1, 256, 64>}, {transform_indices = @transform_3, window_bounds = array<i64: 1, 512, 256>}, {pipeline_mode = #tpu.pipeline_mode<synchronous>, transform_indices = @transform_4, window_bounds = array<i64: 320, 256>}, {pipeline_mode = #tpu.pipeline_mode<synchronous>, transform_indices = @transform_5, window_bounds = array<i64: 1, 256>}, {pipeline_mode = #tpu.pipeline_mode<synchronous>, transform_indices = @transform_6, window_bounds = array<i64: 256, 128>}, {pipeline_mode = #tpu.pipeline_mode<synchronous>, transform_indices = @transform_7, window_bounds = array<i64: 1, 128>}, {transform_indices = @transform_8, window_bounds = array<i64: 1, 256, 128>}]} {
    %get3A = arith.constant 0 : index
    %get3A_0 = arith.constant 0 : index
    %get3A_1 = arith.constant 0 : index
    %get3A_2 = vector.load %arg2[%get3A, %get3A_0, %get3A_1] : memref<1x256x3xf32, #tpu.memory_space<vmem>>, vector<1x256x3xf32>
    %get3A_3 = vector.shape_cast %get3A_2 : vector<1x256x3xf32> to vector<256x3xf32>
    %slice3A = vector.extract_strided_slice %get3A_3 {offsets = [0, 0], sizes = [256, 1], strides = [1, 1]} : vector<256x3xf32> to vector<256x1xf32>
    %slice3A_4 = vector.extract_strided_slice %get3A_3 {offsets = [0, 1], sizes = [256, 1], strides = [1, 1]} : vector<256x3xf32> to vector<256x1xf32>
    %slice3A_5 = vector.extract_strided_slice %get3A_3 {offsets = [0, 2], sizes = [256, 1], strides = [1, 1]} : vector<256x3xf32> to vector<256x1xf32>
    %get3A_6 = arith.constant 0 : index
    %get3A_7 = arith.constant 0 : index
    %get3A_8 = arith.constant 0 : index
    %get3A_9 = arith.constant 0 : index
    %get3A_10 = vector.load %arg3[%get3A_6, %get3A_7, %get3A_8, %get3A_9] : memref<3x1x1x512xf32, #tpu.memory_space<vmem>>, vector<3x1x1x512xf32>
    %get3A_11 = vector.shape_cast %get3A_10 : vector<3x1x1x512xf32> to vector<3x512xf32>
    %get3A_12 = arith.constant 0 : index
    %get3A_13 = arith.constant 0 : index
    %get3A_14 = arith.constant 0 : index
    %get3A_15 = arith.constant 0 : index
    %get3A_16 = vector.load %arg3[%get3A_12, %get3A_13, %get3A_14, %get3A_15] : memref<3x1x1x512xf32, #tpu.memory_space<vmem>>, vector<1x1x1x512xf32>
    %get3A_17 = vector.shape_cast %get3A_16 : vector<1x1x1x512xf32> to vector<1x512xf32>
    %get3A_18 = arith.constant 1 : index
    %get3A_19 = arith.constant 0 : index
    %get3A_20 = arith.constant 0 : index
    %get3A_21 = arith.constant 0 : index
    %get3A_22 = vector.load %arg3[%get3A_18, %get3A_19, %get3A_20, %get3A_21] : memref<3x1x1x512xf32, #tpu.memory_space<vmem>>, vector<1x1x1x512xf32>
    %get3A_23 = vector.shape_cast %get3A_22 : vector<1x1x1x512xf32> to vector<1x512xf32>
    %get3A_24 = arith.constant 2 : index
    %get3A_25 = arith.constant 0 : index
    %get3A_26 = arith.constant 0 : index
    %get3A_27 = arith.constant 0 : index
    %get3A_28 = vector.load %arg3[%get3A_24, %get3A_25, %get3A_26, %get3A_27] : memref<3x1x1x512xf32, #tpu.memory_space<vmem>>, vector<1x1x1x512xf32>
    %get3A_29 = vector.shape_cast %get3A_28 : vector<1x1x1x512xf32> to vector<1x512xf32>
    %mul3A = arith.mulf %slice3A, %slice3A : vector<256x1xf32>
    %mul3A_30 = arith.mulf %slice3A_4, %slice3A_4 : vector<256x1xf32>
    %add3A = arith.addf %mul3A, %mul3A_30 : vector<256x1xf32>
    %mul3A_31 = arith.mulf %slice3A_5, %slice3A_5 : vector<256x1xf32>
    %add3A_32 = arith.addf %add3A, %mul3A_31 : vector<256x1xf32>
    %mul3A_33 = arith.mulf %get3A_17, %get3A_17 : vector<1x512xf32>
    %mul3A_34 = arith.mulf %get3A_23, %get3A_23 : vector<1x512xf32>
    %add3A_35 = arith.addf %mul3A_33, %mul3A_34 : vector<1x512xf32>
    %mul3A_36 = arith.mulf %get3A_29, %get3A_29 : vector<1x512xf32>
    %add3A_37 = arith.addf %add3A_35, %mul3A_36 : vector<1x512xf32>
    %convert_element_type3A = arith.truncf %get3A_3 : vector<256x3xf32> to vector<256x3xbf16>
    %convert_element_type3A_38 = arith.truncf %get3A_11 : vector<3x512xf32> to vector<3x512xbf16>
    %dot_general3A = arith.constant dense<0.000000e+00> : vector<256x512xf32>
    %dot_general3A_39 = tpu.matmul %convert_element_type3A, %convert_element_type3A_38, %dot_general3A {dimension_numbers = #tpu.dot_dimension_numbers<[1], [0], [0], [1], [0, 0, 1, 1], [], []>, transpose_lhs_hint = false} : vector<256x3xbf16>, vector<3x512xbf16>, vector<256x512xf32> -> vector<256x512xf32>
    %add3A_40 = vector.broadcast %add3A_32 : vector<256x1xf32> to vector<256x512xf32>
    %add3A_41 = vector.broadcast %add3A_37 : vector<1x512xf32> to vector<256x512xf32>
    %add3A_42 = arith.addf %add3A_40, %add3A_41 : vector<256x512xf32>
    %mul3A_43 = arith.constant 2.000000e+00 : f32
    %mul3A_44 = vector.broadcast %mul3A_43 : f32 to vector<256x512xf32>
    %mul3A_45 = arith.mulf %mul3A_44, %dot_general3A_39 : vector<256x512xf32>
    %sub3A = arith.subf %add3A_42, %mul3A_45 : vector<256x512xf32>
    %iota3A = tpu.iota {dimensions = array<i32: 1>} : vector<256x512xi32>
    %reduce_min3A = arith.constant dense<0x7F800000> : vector<256xf32>
    %reduce_min3A_46 = vector.multi_reduction <minimumf>, %sub3A, %reduce_min3A [1] : vector<256x512xf32> to vector<256xf32>
    %broadcast_in_dim3A = vector.shape_cast %reduce_min3A_46 : vector<256xf32> to vector<256x1xf32>
    %eq3A = vector.broadcast %broadcast_in_dim3A : vector<256x1xf32> to vector<256x512xf32>
    %eq3A_47 = arith.cmpf oeq, %sub3A, %eq3A : vector<256x512xf32>
    %jit3A = arith.constant 512 : i32
    %broadcast_in_dim3A_48 = vector.broadcast %jit3A : i32 to vector<256x512xi32>
    %select_n3A = arith.select %eq3A_47, %iota3A, %broadcast_in_dim3A_48 : vector<256x512xi1>, vector<256x512xi32>
    %reduce_min3A_49 = arith.constant dense<2147483647> : vector<256xi32>
    %reduce_min3A_50 = vector.multi_reduction <minsi>, %select_n3A, %reduce_min3A_49 [1] : vector<256x512xi32> to vector<256xi32>
    %broadcast_in_dim3A_51 = vector.shape_cast %reduce_min3A_50 : vector<256xi32> to vector<256x1xi32>
    %eq3A_52 = vector.broadcast %broadcast_in_dim3A_51 : vector<256x1xi32> to vector<256x512xi32>
    %eq3A_53 = arith.cmpi eq, %iota3A, %eq3A_52 : vector<256x512xi32>
    %max3A = arith.constant 0.000000e+00 : f32
    %max3A_54 = vector.broadcast %max3A : f32 to vector<256x1xf32>
    %max3A_55 = arith.maximumf %broadcast_in_dim3A, %max3A_54 : vector<256x1xf32>
    %add3A_56 = arith.constant 9.99999993E-9 : f32
    %add3A_57 = vector.broadcast %add3A_56 : f32 to vector<256x1xf32>
    %add3A_58 = arith.addf %max3A_55, %add3A_57 : vector<256x1xf32>
    %div3A = arith.constant 1.000000e+00 : f32
    %div3A_59 = vector.broadcast %div3A : f32 to vector<256x1xf32>
    %div3A_60 = arith.divf %div3A_59, %add3A_58 : vector<256x1xf32>
    %jit3A_61 = arith.constant 0x7F800000 : f32
    %broadcast_in_dim3A_62 = vector.broadcast %jit3A_61 : f32 to vector<256x512xf32>
    %select_n3A_63 = arith.select %eq3A_53, %broadcast_in_dim3A_62, %sub3A : vector<256x512xi1>, vector<256x512xf32>
    %reduce_min3A_64 = arith.constant dense<0x7F800000> : vector<256xf32>
    %reduce_min3A_65 = vector.multi_reduction <minimumf>, %select_n3A_63, %reduce_min3A_64 [1] : vector<256x512xf32> to vector<256xf32>
    %broadcast_in_dim3A_66 = vector.shape_cast %reduce_min3A_65 : vector<256xf32> to vector<256x1xf32>
    %eq3A_67 = vector.broadcast %broadcast_in_dim3A_66 : vector<256x1xf32> to vector<256x512xf32>
    %eq3A_68 = arith.cmpf oeq, %select_n3A_63, %eq3A_67 : vector<256x512xf32>
    %jit3A_69 = arith.constant 512 : i32
    %broadcast_in_dim3A_70 = vector.broadcast %jit3A_69 : i32 to vector<256x512xi32>
    %select_n3A_71 = arith.select %eq3A_68, %iota3A, %broadcast_in_dim3A_70 : vector<256x512xi1>, vector<256x512xi32>
    %reduce_min3A_72 = arith.constant dense<2147483647> : vector<256xi32>
    %reduce_min3A_73 = vector.multi_reduction <minsi>, %select_n3A_71, %reduce_min3A_72 [1] : vector<256x512xi32> to vector<256xi32>
    %broadcast_in_dim3A_74 = vector.shape_cast %reduce_min3A_73 : vector<256xi32> to vector<256x1xi32>
    %eq3A_75 = vector.broadcast %broadcast_in_dim3A_74 : vector<256x1xi32> to vector<256x512xi32>
    %eq3A_76 = arith.cmpi eq, %iota3A, %eq3A_75 : vector<256x512xi32>
    %max3A_77 = arith.constant 0.000000e+00 : f32
    %max3A_78 = vector.broadcast %max3A_77 : f32 to vector<256x1xf32>
    %max3A_79 = arith.maximumf %broadcast_in_dim3A_66, %max3A_78 : vector<256x1xf32>
    %add3A_80 = arith.constant 9.99999993E-9 : f32
    %add3A_81 = vector.broadcast %add3A_80 : f32 to vector<256x1xf32>
    %add3A_82 = arith.addf %max3A_79, %add3A_81 : vector<256x1xf32>
    %div3A_83 = arith.constant 1.000000e+00 : f32
    %div3A_84 = vector.broadcast %div3A_83 : f32 to vector<256x1xf32>
    %div3A_85 = arith.divf %div3A_84, %add3A_82 : vector<256x1xf32>
    %jit3A_86 = arith.constant 0x7F800000 : f32
    %broadcast_in_dim3A_87 = vector.broadcast %jit3A_86 : f32 to vector<256x512xf32>
    %select_n3A_88 = arith.select %eq3A_76, %broadcast_in_dim3A_87, %select_n3A_63 : vector<256x512xi1>, vector<256x512xf32>
    %reduce_min3A_89 = arith.constant dense<0x7F800000> : vector<256xf32>
    %reduce_min3A_90 = vector.multi_reduction <minimumf>, %select_n3A_88, %reduce_min3A_89 [1] : vector<256x512xf32> to vector<256xf32>
    %broadcast_in_dim3A_91 = vector.shape_cast %reduce_min3A_90 : vector<256xf32> to vector<256x1xf32>
    %eq3A_92 = vector.broadcast %broadcast_in_dim3A_91 : vector<256x1xf32> to vector<256x512xf32>
    %eq3A_93 = arith.cmpf oeq, %select_n3A_88, %eq3A_92 : vector<256x512xf32>
    %jit3A_94 = arith.constant 512 : i32
    %broadcast_in_dim3A_95 = vector.broadcast %jit3A_94 : i32 to vector<256x512xi32>
    %select_n3A_96 = arith.select %eq3A_93, %iota3A, %broadcast_in_dim3A_95 : vector<256x512xi1>, vector<256x512xi32>
    %reduce_min3A_97 = arith.constant dense<2147483647> : vector<256xi32>
    %reduce_min3A_98 = vector.multi_reduction <minsi>, %select_n3A_96, %reduce_min3A_97 [1] : vector<256x512xi32> to vector<256xi32>
    %broadcast_in_dim3A_99 = vector.shape_cast %reduce_min3A_98 : vector<256xi32> to vector<256x1xi32>
    %eq3A_100 = vector.broadcast %broadcast_in_dim3A_99 : vector<256x1xi32> to vector<256x512xi32>
    %eq3A_101 = arith.cmpi eq, %iota3A, %eq3A_100 : vector<256x512xi32>
    %max3A_102 = arith.constant 0.000000e+00 : f32
    %max3A_103 = vector.broadcast %max3A_102 : f32 to vector<256x1xf32>
    %max3A_104 = arith.maximumf %broadcast_in_dim3A_91, %max3A_103 : vector<256x1xf32>
    %add3A_105 = arith.constant 9.99999993E-9 : f32
    %add3A_106 = vector.broadcast %add3A_105 : f32 to vector<256x1xf32>
    %add3A_107 = arith.addf %max3A_104, %add3A_106 : vector<256x1xf32>
    %div3A_108 = arith.constant 1.000000e+00 : f32
    %div3A_109 = vector.broadcast %div3A_108 : f32 to vector<256x1xf32>
    %div3A_110 = arith.divf %div3A_109, %add3A_107 : vector<256x1xf32>
    %add3A_111 = arith.addf %div3A_60, %div3A_85 : vector<256x1xf32>
    %add3A_112 = arith.addf %add3A_111, %div3A_110 : vector<256x1xf32>
    %div3A_113 = arith.divf %div3A_60, %add3A_112 : vector<256x1xf32>
    %jit3A_114 = arith.constant 0.000000e+00 : f32
    %broadcast_in_dim3A_115 = vector.shape_cast %div3A_113 : vector<256x1xf32> to vector<256x1xf32>
    %broadcast_in_dim3A_116 = vector.broadcast %broadcast_in_dim3A_115 : vector<256x1xf32> to vector<256x512xf32>
    %broadcast_in_dim3A_117 = vector.broadcast %jit3A_114 : f32 to vector<256x512xf32>
    %select_n3A_118 = arith.select %eq3A_53, %broadcast_in_dim3A_116, %broadcast_in_dim3A_117 : vector<256x512xi1>, vector<256x512xf32>
    %div3A_119 = arith.divf %div3A_85, %add3A_112 : vector<256x1xf32>
    %jit3A_120 = arith.constant 0.000000e+00 : f32
    %broadcast_in_dim3A_121 = vector.shape_cast %div3A_119 : vector<256x1xf32> to vector<256x1xf32>
    %broadcast_in_dim3A_122 = vector.broadcast %broadcast_in_dim3A_121 : vector<256x1xf32> to vector<256x512xf32>
    %broadcast_in_dim3A_123 = vector.broadcast %jit3A_120 : f32 to vector<256x512xf32>
    %select_n3A_124 = arith.select %eq3A_76, %broadcast_in_dim3A_122, %broadcast_in_dim3A_123 : vector<256x512xi1>, vector<256x512xf32>
    %add3A_125 = arith.addf %select_n3A_118, %select_n3A_124 : vector<256x512xf32>
    %div3A_126 = arith.divf %div3A_110, %add3A_112 : vector<256x1xf32>
    %jit3A_127 = arith.constant 0.000000e+00 : f32
    %broadcast_in_dim3A_128 = vector.shape_cast %div3A_126 : vector<256x1xf32> to vector<256x1xf32>
    %broadcast_in_dim3A_129 = vector.broadcast %broadcast_in_dim3A_128 : vector<256x1xf32> to vector<256x512xf32>
    %broadcast_in_dim3A_130 = vector.broadcast %jit3A_127 : f32 to vector<256x512xf32>
    %select_n3A_131 = arith.select %eq3A_101, %broadcast_in_dim3A_129, %broadcast_in_dim3A_130 : vector<256x512xi1>, vector<256x512xf32>
    %add3A_132 = arith.addf %add3A_125, %select_n3A_131 : vector<256x512xf32>
    %get3A_133 = arith.constant 0 : index
    %get3A_134 = arith.constant 0 : index
    %get3A_135 = arith.constant 0 : index
    %get3A_136 = vector.load %arg5[%get3A_133, %get3A_134, %get3A_135] : memref<1x512x256xf32, #tpu.memory_space<vmem>>, vector<1x512x256xf32>
    %get3A_137 = vector.shape_cast %get3A_136 : vector<1x512x256xf32> to vector<512x256xf32>
    %dot_general3A_138 = arith.constant dense<0.000000e+00> : vector<256x256xf32>
    %dot_general3A_139 = tpu.matmul %add3A_132, %get3A_137, %dot_general3A_138 {dimension_numbers = #tpu.dot_dimension_numbers<[1], [0], [0], [1], [0, 0, 1, 1], [], []>, transpose_lhs_hint = false} : vector<256x512xf32>, vector<512x256xf32>, vector<256x256xf32> -> vector<256x256xf32>
    %get3A_140 = arith.constant 0 : index
    %get3A_141 = arith.constant 0 : index
    %get3A_142 = arith.constant 0 : index
    %get3A_143 = vector.load %arg4[%get3A_140, %get3A_141, %get3A_142] : memref<1x256x64xf32, #tpu.memory_space<vmem>>, vector<1x256x64xf32>
    %get3A_144 = vector.shape_cast %get3A_143 : vector<1x256x64xf32> to vector<256x64xf32>
    %concatenate3A = tpu.concatenate %get3A_144, %dot_general3A_139 in 1 : vector<256x64xf32>, vector<256x256xf32> -> vector<256x320xf32>
    %get3A_145 = arith.constant 0 : index
    %get3A_146 = arith.constant 0 : index
    %get3A_147 = vector.load %arg6[%get3A_145, %get3A_146] : memref<320x256xf32, #tpu.memory_space<vmem>>, vector<320x256xf32>
    %get3A_148 = arith.constant 0 : index
    %get3A_149 = arith.constant 0 : index
    %get3A_150 = vector.load %arg7[%get3A_148, %get3A_149] : memref<1x256xf32, #tpu.memory_space<vmem>>, vector<1x256xf32>
    %convert_element_type3A_151 = arith.truncf %concatenate3A : vector<256x320xf32> to vector<256x320xbf16>
    %convert_element_type3A_152 = arith.truncf %get3A_147 : vector<320x256xf32> to vector<320x256xbf16>
    %dot_general3A_153 = arith.constant dense<0.000000e+00> : vector<256x256xf32>
    %dot_general3A_154 = tpu.matmul %convert_element_type3A_151, %convert_element_type3A_152, %dot_general3A_153 {dimension_numbers = #tpu.dot_dimension_numbers<[1], [0], [0], [1], [0, 0, 1, 1], [], []>, transpose_lhs_hint = false} : vector<256x320xbf16>, vector<320x256xbf16>, vector<256x256xf32> -> vector<256x256xf32>
    %add3A_155 = vector.broadcast %get3A_150 : vector<1x256xf32> to vector<256x256xf32>
    %add3A_156 = arith.addf %dot_general3A_154, %add3A_155 : vector<256x256xf32>
    %max3A_157 = arith.constant 0.000000e+00 : f32
    %max3A_158 = vector.broadcast %max3A_157 : f32 to vector<256x256xf32>
    %max3A_159 = arith.maximumf %add3A_156, %max3A_158 : vector<256x256xf32>
    %get3A_160 = arith.constant 0 : index
    %get3A_161 = arith.constant 0 : index
    %get3A_162 = vector.load %arg8[%get3A_160, %get3A_161] : memref<256x128xf32, #tpu.memory_space<vmem>>, vector<256x128xf32>
    %get3A_163 = arith.constant 0 : index
    %get3A_164 = arith.constant 0 : index
    %get3A_165 = vector.load %arg9[%get3A_163, %get3A_164] : memref<1x128xf32, #tpu.memory_space<vmem>>, vector<1x128xf32>
    %convert_element_type3A_166 = arith.truncf %max3A_159 : vector<256x256xf32> to vector<256x256xbf16>
    %convert_element_type3A_167 = arith.truncf %get3A_162 : vector<256x128xf32> to vector<256x128xbf16>
    %dot_general3A_168 = arith.constant dense<0.000000e+00> : vector<256x128xf32>
    %dot_general3A_169 = tpu.matmul %convert_element_type3A_166, %convert_element_type3A_167, %dot_general3A_168 {dimension_numbers = #tpu.dot_dimension_numbers<[1], [0], [0], [1], [0, 0, 1, 1], [], []>, transpose_lhs_hint = false} : vector<256x256xbf16>, vector<256x128xbf16>, vector<256x128xf32> -> vector<256x128xf32>
    %add3A_170 = vector.broadcast %get3A_165 : vector<1x128xf32> to vector<256x128xf32>
    %add3A_171 = arith.addf %dot_general3A_169, %add3A_170 : vector<256x128xf32>
    %max3A_172 = arith.constant 0.000000e+00 : f32
    %max3A_173 = vector.broadcast %max3A_172 : f32 to vector<256x128xf32>
    %max3A_174 = arith.maximumf %add3A_171, %max3A_173 : vector<256x128xf32>
    %swap3A = arith.constant 0 : index
    %swap3A_175 = arith.constant 0 : index
    %swap3A_176 = arith.constant 0 : index
    %swap3A_177 = vector.load %arg10[%swap3A, %swap3A_175, %swap3A_176] : memref<1x256x128xf32, #tpu.memory_space<vmem>>, vector<1x256x128xf32>
    %swap3A_178 = vector.shape_cast %swap3A_177 : vector<1x256x128xf32> to vector<256x128xf32>
    %swap3A_179 = vector.shape_cast %max3A_174 : vector<256x128xf32> to vector<1x256x128xf32>
    tpu.vector_store %arg10[%swap3A, %swap3A_175, %swap3A_176], %swap3A_179 {strides = array<i32>} : memref<1x256x128xf32, #tpu.memory_space<vmem>>, vector<1x256x128xf32>,
    return
  }
  func.func @transform_0(%arg0: i32, %arg1: i32) -> (i32, i32, i32) {
    %c0_i32 = arith.constant 0 : i32
    %c0_i32_0 = arith.constant 0 : i32
    return %arg0, %arg1, %c0_i32 : i32, i32, i32
  }
  func.func @transform_1(%arg0: i32, %arg1: i32) -> (i32, i32, i32, i32) {
    %c0_i32 = arith.constant 0 : i32
    %c0_i32_0 = arith.constant 0 : i32
    %c0_i32_1 = arith.constant 0 : i32
    %c0_i32_2 = arith.constant 0 : i32
    return %c0_i32, %arg0, %c0_i32_0, %c0_i32_1 : i32, i32, i32, i32
  }
  func.func @transform_2(%arg0: i32, %arg1: i32) -> (i32, i32, i32) {
    %c0_i32 = arith.constant 0 : i32
    %c0_i32_0 = arith.constant 0 : i32
    return %arg0, %arg1, %c0_i32 : i32, i32, i32
  }
  func.func @transform_3(%arg0: i32, %arg1: i32) -> (i32, i32, i32) {
    %c0_i32 = arith.constant 0 : i32
    %c0_i32_0 = arith.constant 0 : i32
    %c0_i32_1 = arith.constant 0 : i32
    return %arg0, %c0_i32, %c0_i32_0 : i32, i32, i32
  }
  func.func @transform_4(%arg0: i32, %arg1: i32) -> (i32, i32) {
    %c0_i32 = arith.constant 0 : i32
    %c0_i32_0 = arith.constant 0 : i32
    %c0_i32_1 = arith.constant 0 : i32
    return %c0_i32, %c0_i32_0 : i32, i32
  }
  func.func @transform_5(%arg0: i32, %arg1: i32) -> (i32, i32) {
    %c0_i32 = arith.constant 0 : i32
    %c0_i32_0 = arith.constant 0 : i32
    %c0_i32_1 = arith.constant 0 : i32
    return %c0_i32, %c0_i32_0 : i32, i32
  }
  func.func @transform_6(%arg0: i32, %arg1: i32) -> (i32, i32) {
    %c0_i32 = arith.constant 0 : i32
    %c0_i32_0 = arith.constant 0 : i32
    %c0_i32_1 = arith.constant 0 : i32
    return %c0_i32, %c0_i32_0 : i32, i32
  }
  func.func @transform_7(%arg0: i32, %arg1: i32) -> (i32, i32) {
    %c0_i32 = arith.constant 0 : i32
    %c0_i32_0 = arith.constant 0 : i32
    %c0_i32_1 = arith.constant 0 : i32
    return %c0_i32, %c0_i32_0 : i32, i32
  }
  func.func @transform_8(%arg0: i32, %arg1: i32) -> (i32, i32, i32) {
    %c0_i32 = arith.constant 0 : i32
    %c0_i32_0 = arith.constant 0 : i32
    return %arg0, %arg1, %c0_i32 : i32, i32, i32
  }
}

module attributes {stable_mosaic.version = 14 : i64} {
  func.func @_fp_body(%arg0: i32, %arg1: i32, %arg2: memref<1x256x3xf32, #tpu.memory_space<vmem>>, %arg3: memref<3x1x1x1024xf32, #tpu.memory_space<vmem>>, %arg4: memref<1x256x3xf32, #tpu.memory_space<vmem>>, %arg5: memref<1x1024x128xf32, #tpu.memory_space<vmem>>, %arg6: memref<131x128xf32, #tpu.memory_space<vmem>>, %arg7: memref<1x128xf32, #tpu.memory_space<vmem>>, %arg8: memref<128x128xf32, #tpu.memory_space<vmem>>, %arg9: memref<1x128xf32, #tpu.memory_space<vmem>>, %arg10: memref<128x128xf32, #tpu.memory_space<vmem>>, %arg11: memref<1x128xf32, #tpu.memory_space<vmem>>, %arg12: memref<1x256x128xf32, #tpu.memory_space<vmem>>) attributes {dimension_semantics = [#tpu.dimension_semantics<arbitrary>, #tpu.dimension_semantics<arbitrary>], iteration_bounds = array<i64: 8, 16>, scalar_prefetch = 0 : i64, scratch_operands = 0 : i64, tpu.core_type = #tpu.core_type<tc>, window_params = [{transform_indices = @transform_0, window_bounds = array<i64: 1, 256, 3>}, {transform_indices = @transform_1, window_bounds = array<i64: 3, 1, 1, 1024>}, {transform_indices = @transform_2, window_bounds = array<i64: 1, 256, 3>}, {transform_indices = @transform_3, window_bounds = array<i64: 1, 1024, 128>}, {pipeline_mode = #tpu.pipeline_mode<synchronous>, transform_indices = @transform_4, window_bounds = array<i64: 131, 128>}, {pipeline_mode = #tpu.pipeline_mode<synchronous>, transform_indices = @transform_5, window_bounds = array<i64: 1, 128>}, {pipeline_mode = #tpu.pipeline_mode<synchronous>, transform_indices = @transform_6, window_bounds = array<i64: 128, 128>}, {pipeline_mode = #tpu.pipeline_mode<synchronous>, transform_indices = @transform_7, window_bounds = array<i64: 1, 128>}, {pipeline_mode = #tpu.pipeline_mode<synchronous>, transform_indices = @transform_8, window_bounds = array<i64: 128, 128>}, {pipeline_mode = #tpu.pipeline_mode<synchronous>, transform_indices = @transform_9, window_bounds = array<i64: 1, 128>}, {transform_indices = @transform_10, window_bounds = array<i64: 1, 256, 128>}]} {
    %get3A = arith.constant 0 : index
    %get3A_0 = arith.constant 0 : index
    %get3A_1 = arith.constant 0 : index
    %get3A_2 = vector.load %arg2[%get3A, %get3A_0, %get3A_1] : memref<1x256x3xf32, #tpu.memory_space<vmem>>, vector<1x256x3xf32>
    %get3A_3 = vector.shape_cast %get3A_2 : vector<1x256x3xf32> to vector<256x3xf32>
    %slice3A = vector.extract_strided_slice %get3A_3 {offsets = [0, 0], sizes = [256, 1], strides = [1, 1]} : vector<256x3xf32> to vector<256x1xf32>
    %slice3A_4 = vector.extract_strided_slice %get3A_3 {offsets = [0, 1], sizes = [256, 1], strides = [1, 1]} : vector<256x3xf32> to vector<256x1xf32>
    %slice3A_5 = vector.extract_strided_slice %get3A_3 {offsets = [0, 2], sizes = [256, 1], strides = [1, 1]} : vector<256x3xf32> to vector<256x1xf32>
    %get3A_6 = arith.constant 0 : index
    %get3A_7 = arith.constant 0 : index
    %get3A_8 = arith.constant 0 : index
    %get3A_9 = arith.constant 0 : index
    %get3A_10 = vector.load %arg3[%get3A_6, %get3A_7, %get3A_8, %get3A_9] : memref<3x1x1x1024xf32, #tpu.memory_space<vmem>>, vector<3x1x1x1024xf32>
    %get3A_11 = vector.shape_cast %get3A_10 : vector<3x1x1x1024xf32> to vector<3x1024xf32>
    %get3A_12 = arith.constant 0 : index
    %get3A_13 = arith.constant 0 : index
    %get3A_14 = arith.constant 0 : index
    %get3A_15 = arith.constant 0 : index
    %get3A_16 = vector.load %arg3[%get3A_12, %get3A_13, %get3A_14, %get3A_15] : memref<3x1x1x1024xf32, #tpu.memory_space<vmem>>, vector<1x1x1x1024xf32>
    %get3A_17 = vector.shape_cast %get3A_16 : vector<1x1x1x1024xf32> to vector<1x1024xf32>
    %get3A_18 = arith.constant 1 : index
    %get3A_19 = arith.constant 0 : index
    %get3A_20 = arith.constant 0 : index
    %get3A_21 = arith.constant 0 : index
    %get3A_22 = vector.load %arg3[%get3A_18, %get3A_19, %get3A_20, %get3A_21] : memref<3x1x1x1024xf32, #tpu.memory_space<vmem>>, vector<1x1x1x1024xf32>
    %get3A_23 = vector.shape_cast %get3A_22 : vector<1x1x1x1024xf32> to vector<1x1024xf32>
    %get3A_24 = arith.constant 2 : index
    %get3A_25 = arith.constant 0 : index
    %get3A_26 = arith.constant 0 : index
    %get3A_27 = arith.constant 0 : index
    %get3A_28 = vector.load %arg3[%get3A_24, %get3A_25, %get3A_26, %get3A_27] : memref<3x1x1x1024xf32, #tpu.memory_space<vmem>>, vector<1x1x1x1024xf32>
    %get3A_29 = vector.shape_cast %get3A_28 : vector<1x1x1x1024xf32> to vector<1x1024xf32>
    %mul3A = arith.mulf %slice3A, %slice3A : vector<256x1xf32>
    %mul3A_30 = arith.mulf %slice3A_4, %slice3A_4 : vector<256x1xf32>
    %add3A = arith.addf %mul3A, %mul3A_30 : vector<256x1xf32>
    %mul3A_31 = arith.mulf %slice3A_5, %slice3A_5 : vector<256x1xf32>
    %add3A_32 = arith.addf %add3A, %mul3A_31 : vector<256x1xf32>
    %mul3A_33 = arith.mulf %get3A_17, %get3A_17 : vector<1x1024xf32>
    %mul3A_34 = arith.mulf %get3A_23, %get3A_23 : vector<1x1024xf32>
    %add3A_35 = arith.addf %mul3A_33, %mul3A_34 : vector<1x1024xf32>
    %mul3A_36 = arith.mulf %get3A_29, %get3A_29 : vector<1x1024xf32>
    %add3A_37 = arith.addf %add3A_35, %mul3A_36 : vector<1x1024xf32>
    %convert_element_type3A = arith.truncf %get3A_3 : vector<256x3xf32> to vector<256x3xbf16>
    %convert_element_type3A_38 = arith.truncf %get3A_11 : vector<3x1024xf32> to vector<3x1024xbf16>
    %dot_general3A = arith.constant dense<0.000000e+00> : vector<256x1024xf32>
    %dot_general3A_39 = tpu.matmul %convert_element_type3A, %convert_element_type3A_38, %dot_general3A {dimension_numbers = #tpu.dot_dimension_numbers<[1], [0], [0], [1], [0, 0, 1, 1], [], []>, transpose_lhs_hint = false} : vector<256x3xbf16>, vector<3x1024xbf16>, vector<256x1024xf32> -> vector<256x1024xf32>
    %add3A_40 = vector.broadcast %add3A_32 : vector<256x1xf32> to vector<256x1024xf32>
    %add3A_41 = vector.broadcast %add3A_37 : vector<1x1024xf32> to vector<256x1024xf32>
    %add3A_42 = arith.addf %add3A_40, %add3A_41 : vector<256x1024xf32>
    %mul3A_43 = arith.constant 2.000000e+00 : f32
    %mul3A_44 = vector.broadcast %mul3A_43 : f32 to vector<256x1024xf32>
    %mul3A_45 = arith.mulf %mul3A_44, %dot_general3A_39 : vector<256x1024xf32>
    %sub3A = arith.subf %add3A_42, %mul3A_45 : vector<256x1024xf32>
    %iota3A = tpu.iota {dimensions = array<i32: 1>} : vector<256x1024xi32>
    %reduce_min3A = arith.constant dense<0x7F800000> : vector<256xf32>
    %reduce_min3A_46 = vector.multi_reduction <minimumf>, %sub3A, %reduce_min3A [1] : vector<256x1024xf32> to vector<256xf32>
    %broadcast_in_dim3A = vector.shape_cast %reduce_min3A_46 : vector<256xf32> to vector<256x1xf32>
    %eq3A = vector.broadcast %broadcast_in_dim3A : vector<256x1xf32> to vector<256x1024xf32>
    %eq3A_47 = arith.cmpf oeq, %sub3A, %eq3A : vector<256x1024xf32>
    %jit3A = arith.constant 1024 : i32
    %broadcast_in_dim3A_48 = vector.broadcast %jit3A : i32 to vector<256x1024xi32>
    %select_n3A = arith.select %eq3A_47, %iota3A, %broadcast_in_dim3A_48 : vector<256x1024xi1>, vector<256x1024xi32>
    %reduce_min3A_49 = arith.constant dense<2147483647> : vector<256xi32>
    %reduce_min3A_50 = vector.multi_reduction <minsi>, %select_n3A, %reduce_min3A_49 [1] : vector<256x1024xi32> to vector<256xi32>
    %broadcast_in_dim3A_51 = vector.shape_cast %reduce_min3A_50 : vector<256xi32> to vector<256x1xi32>
    %eq3A_52 = vector.broadcast %broadcast_in_dim3A_51 : vector<256x1xi32> to vector<256x1024xi32>
    %eq3A_53 = arith.cmpi eq, %iota3A, %eq3A_52 : vector<256x1024xi32>
    %max3A = arith.constant 0.000000e+00 : f32
    %max3A_54 = vector.broadcast %max3A : f32 to vector<256x1xf32>
    %max3A_55 = arith.maximumf %broadcast_in_dim3A, %max3A_54 : vector<256x1xf32>
    %add3A_56 = arith.constant 9.99999993E-9 : f32
    %add3A_57 = vector.broadcast %add3A_56 : f32 to vector<256x1xf32>
    %add3A_58 = arith.addf %max3A_55, %add3A_57 : vector<256x1xf32>
    %div3A = arith.constant 1.000000e+00 : f32
    %div3A_59 = vector.broadcast %div3A : f32 to vector<256x1xf32>
    %div3A_60 = arith.divf %div3A_59, %add3A_58 : vector<256x1xf32>
    %jit3A_61 = arith.constant 0x7F800000 : f32
    %broadcast_in_dim3A_62 = vector.broadcast %jit3A_61 : f32 to vector<256x1024xf32>
    %select_n3A_63 = arith.select %eq3A_53, %broadcast_in_dim3A_62, %sub3A : vector<256x1024xi1>, vector<256x1024xf32>
    %reduce_min3A_64 = arith.constant dense<0x7F800000> : vector<256xf32>
    %reduce_min3A_65 = vector.multi_reduction <minimumf>, %select_n3A_63, %reduce_min3A_64 [1] : vector<256x1024xf32> to vector<256xf32>
    %broadcast_in_dim3A_66 = vector.shape_cast %reduce_min3A_65 : vector<256xf32> to vector<256x1xf32>
    %eq3A_67 = vector.broadcast %broadcast_in_dim3A_66 : vector<256x1xf32> to vector<256x1024xf32>
    %eq3A_68 = arith.cmpf oeq, %select_n3A_63, %eq3A_67 : vector<256x1024xf32>
    %jit3A_69 = arith.constant 1024 : i32
    %broadcast_in_dim3A_70 = vector.broadcast %jit3A_69 : i32 to vector<256x1024xi32>
    %select_n3A_71 = arith.select %eq3A_68, %iota3A, %broadcast_in_dim3A_70 : vector<256x1024xi1>, vector<256x1024xi32>
    %reduce_min3A_72 = arith.constant dense<2147483647> : vector<256xi32>
    %reduce_min3A_73 = vector.multi_reduction <minsi>, %select_n3A_71, %reduce_min3A_72 [1] : vector<256x1024xi32> to vector<256xi32>
    %broadcast_in_dim3A_74 = vector.shape_cast %reduce_min3A_73 : vector<256xi32> to vector<256x1xi32>
    %eq3A_75 = vector.broadcast %broadcast_in_dim3A_74 : vector<256x1xi32> to vector<256x1024xi32>
    %eq3A_76 = arith.cmpi eq, %iota3A, %eq3A_75 : vector<256x1024xi32>
    %max3A_77 = arith.constant 0.000000e+00 : f32
    %max3A_78 = vector.broadcast %max3A_77 : f32 to vector<256x1xf32>
    %max3A_79 = arith.maximumf %broadcast_in_dim3A_66, %max3A_78 : vector<256x1xf32>
    %add3A_80 = arith.constant 9.99999993E-9 : f32
    %add3A_81 = vector.broadcast %add3A_80 : f32 to vector<256x1xf32>
    %add3A_82 = arith.addf %max3A_79, %add3A_81 : vector<256x1xf32>
    %div3A_83 = arith.constant 1.000000e+00 : f32
    %div3A_84 = vector.broadcast %div3A_83 : f32 to vector<256x1xf32>
    %div3A_85 = arith.divf %div3A_84, %add3A_82 : vector<256x1xf32>
    %jit3A_86 = arith.constant 0x7F800000 : f32
    %broadcast_in_dim3A_87 = vector.broadcast %jit3A_86 : f32 to vector<256x1024xf32>
    %select_n3A_88 = arith.select %eq3A_76, %broadcast_in_dim3A_87, %select_n3A_63 : vector<256x1024xi1>, vector<256x1024xf32>
    %reduce_min3A_89 = arith.constant dense<0x7F800000> : vector<256xf32>
    %reduce_min3A_90 = vector.multi_reduction <minimumf>, %select_n3A_88, %reduce_min3A_89 [1] : vector<256x1024xf32> to vector<256xf32>
    %broadcast_in_dim3A_91 = vector.shape_cast %reduce_min3A_90 : vector<256xf32> to vector<256x1xf32>
    %eq3A_92 = vector.broadcast %broadcast_in_dim3A_91 : vector<256x1xf32> to vector<256x1024xf32>
    %eq3A_93 = arith.cmpf oeq, %select_n3A_88, %eq3A_92 : vector<256x1024xf32>
    %jit3A_94 = arith.constant 1024 : i32
    %broadcast_in_dim3A_95 = vector.broadcast %jit3A_94 : i32 to vector<256x1024xi32>
    %select_n3A_96 = arith.select %eq3A_93, %iota3A, %broadcast_in_dim3A_95 : vector<256x1024xi1>, vector<256x1024xi32>
    %reduce_min3A_97 = arith.constant dense<2147483647> : vector<256xi32>
    %reduce_min3A_98 = vector.multi_reduction <minsi>, %select_n3A_96, %reduce_min3A_97 [1] : vector<256x1024xi32> to vector<256xi32>
    %broadcast_in_dim3A_99 = vector.shape_cast %reduce_min3A_98 : vector<256xi32> to vector<256x1xi32>
    %eq3A_100 = vector.broadcast %broadcast_in_dim3A_99 : vector<256x1xi32> to vector<256x1024xi32>
    %eq3A_101 = arith.cmpi eq, %iota3A, %eq3A_100 : vector<256x1024xi32>
    %max3A_102 = arith.constant 0.000000e+00 : f32
    %max3A_103 = vector.broadcast %max3A_102 : f32 to vector<256x1xf32>
    %max3A_104 = arith.maximumf %broadcast_in_dim3A_91, %max3A_103 : vector<256x1xf32>
    %add3A_105 = arith.constant 9.99999993E-9 : f32
    %add3A_106 = vector.broadcast %add3A_105 : f32 to vector<256x1xf32>
    %add3A_107 = arith.addf %max3A_104, %add3A_106 : vector<256x1xf32>
    %div3A_108 = arith.constant 1.000000e+00 : f32
    %div3A_109 = vector.broadcast %div3A_108 : f32 to vector<256x1xf32>
    %div3A_110 = arith.divf %div3A_109, %add3A_107 : vector<256x1xf32>
    %add3A_111 = arith.addf %div3A_60, %div3A_85 : vector<256x1xf32>
    %add3A_112 = arith.addf %add3A_111, %div3A_110 : vector<256x1xf32>
    %div3A_113 = arith.divf %div3A_60, %add3A_112 : vector<256x1xf32>
    %jit3A_114 = arith.constant 0.000000e+00 : f32
    %broadcast_in_dim3A_115 = vector.shape_cast %div3A_113 : vector<256x1xf32> to vector<256x1xf32>
    %broadcast_in_dim3A_116 = vector.broadcast %broadcast_in_dim3A_115 : vector<256x1xf32> to vector<256x1024xf32>
    %broadcast_in_dim3A_117 = vector.broadcast %jit3A_114 : f32 to vector<256x1024xf32>
    %select_n3A_118 = arith.select %eq3A_53, %broadcast_in_dim3A_116, %broadcast_in_dim3A_117 : vector<256x1024xi1>, vector<256x1024xf32>
    %div3A_119 = arith.divf %div3A_85, %add3A_112 : vector<256x1xf32>
    %jit3A_120 = arith.constant 0.000000e+00 : f32
    %broadcast_in_dim3A_121 = vector.shape_cast %div3A_119 : vector<256x1xf32> to vector<256x1xf32>
    %broadcast_in_dim3A_122 = vector.broadcast %broadcast_in_dim3A_121 : vector<256x1xf32> to vector<256x1024xf32>
    %broadcast_in_dim3A_123 = vector.broadcast %jit3A_120 : f32 to vector<256x1024xf32>
    %select_n3A_124 = arith.select %eq3A_76, %broadcast_in_dim3A_122, %broadcast_in_dim3A_123 : vector<256x1024xi1>, vector<256x1024xf32>
    %add3A_125 = arith.addf %select_n3A_118, %select_n3A_124 : vector<256x1024xf32>
    %div3A_126 = arith.divf %div3A_110, %add3A_112 : vector<256x1xf32>
    %jit3A_127 = arith.constant 0.000000e+00 : f32
    %broadcast_in_dim3A_128 = vector.shape_cast %div3A_126 : vector<256x1xf32> to vector<256x1xf32>
    %broadcast_in_dim3A_129 = vector.broadcast %broadcast_in_dim3A_128 : vector<256x1xf32> to vector<256x1024xf32>
    %broadcast_in_dim3A_130 = vector.broadcast %jit3A_127 : f32 to vector<256x1024xf32>
    %select_n3A_131 = arith.select %eq3A_101, %broadcast_in_dim3A_129, %broadcast_in_dim3A_130 : vector<256x1024xi1>, vector<256x1024xf32>
    %add3A_132 = arith.addf %add3A_125, %select_n3A_131 : vector<256x1024xf32>
    %get3A_133 = arith.constant 0 : index
    %get3A_134 = arith.constant 0 : index
    %get3A_135 = arith.constant 0 : index
    %get3A_136 = vector.load %arg5[%get3A_133, %get3A_134, %get3A_135] : memref<1x1024x128xf32, #tpu.memory_space<vmem>>, vector<1x1024x128xf32>
    %get3A_137 = vector.shape_cast %get3A_136 : vector<1x1024x128xf32> to vector<1024x128xf32>
    %dot_general3A_138 = arith.constant dense<0.000000e+00> : vector<256x128xf32>
    %dot_general3A_139 = tpu.matmul %add3A_132, %get3A_137, %dot_general3A_138 {dimension_numbers = #tpu.dot_dimension_numbers<[1], [0], [0], [1], [0, 0, 1, 1], [], []>, transpose_lhs_hint = false} : vector<256x1024xf32>, vector<1024x128xf32>, vector<256x128xf32> -> vector<256x128xf32>
    %get3A_140 = arith.constant 0 : index
    %get3A_141 = arith.constant 0 : index
    %get3A_142 = arith.constant 0 : index
    %get3A_143 = vector.load %arg4[%get3A_140, %get3A_141, %get3A_142] : memref<1x256x3xf32, #tpu.memory_space<vmem>>, vector<1x256x3xf32>
    %get3A_144 = vector.shape_cast %get3A_143 : vector<1x256x3xf32> to vector<256x3xf32>
    %concatenate3A = tpu.concatenate %get3A_144, %dot_general3A_139 in 1 : vector<256x3xf32>, vector<256x128xf32> -> vector<256x131xf32>
    %get3A_145 = arith.constant 0 : index
    %get3A_146 = arith.constant 0 : index
    %get3A_147 = vector.load %arg6[%get3A_145, %get3A_146] : memref<131x128xf32, #tpu.memory_space<vmem>>, vector<131x128xf32>
    %get3A_148 = arith.constant 0 : index
    %get3A_149 = arith.constant 0 : index
    %get3A_150 = vector.load %arg7[%get3A_148, %get3A_149] : memref<1x128xf32, #tpu.memory_space<vmem>>, vector<1x128xf32>
    %convert_element_type3A_151 = arith.truncf %concatenate3A : vector<256x131xf32> to vector<256x131xbf16>
    %convert_element_type3A_152 = arith.truncf %get3A_147 : vector<131x128xf32> to vector<131x128xbf16>
    %dot_general3A_153 = arith.constant dense<0.000000e+00> : vector<256x128xf32>
    %dot_general3A_154 = tpu.matmul %convert_element_type3A_151, %convert_element_type3A_152, %dot_general3A_153 {dimension_numbers = #tpu.dot_dimension_numbers<[1], [0], [0], [1], [0, 0, 1, 1], [], []>, transpose_lhs_hint = false} : vector<256x131xbf16>, vector<131x128xbf16>, vector<256x128xf32> -> vector<256x128xf32>
    %add3A_155 = vector.broadcast %get3A_150 : vector<1x128xf32> to vector<256x128xf32>
    %add3A_156 = arith.addf %dot_general3A_154, %add3A_155 : vector<256x128xf32>
    %max3A_157 = arith.constant 0.000000e+00 : f32
    %max3A_158 = vector.broadcast %max3A_157 : f32 to vector<256x128xf32>
    %max3A_159 = arith.maximumf %add3A_156, %max3A_158 : vector<256x128xf32>
    %get3A_160 = arith.constant 0 : index
    %get3A_161 = arith.constant 0 : index
    %get3A_162 = vector.load %arg8[%get3A_160, %get3A_161] : memref<128x128xf32, #tpu.memory_space<vmem>>, vector<128x128xf32>
    %get3A_163 = arith.constant 0 : index
    %get3A_164 = arith.constant 0 : index
    %get3A_165 = vector.load %arg9[%get3A_163, %get3A_164] : memref<1x128xf32, #tpu.memory_space<vmem>>, vector<1x128xf32>
    %convert_element_type3A_166 = arith.truncf %max3A_159 : vector<256x128xf32> to vector<256x128xbf16>
    %convert_element_type3A_167 = arith.truncf %get3A_162 : vector<128x128xf32> to vector<128x128xbf16>
    %dot_general3A_168 = arith.constant dense<0.000000e+00> : vector<256x128xf32>
    %dot_general3A_169 = tpu.matmul %convert_element_type3A_166, %convert_element_type3A_167, %dot_general3A_168 {dimension_numbers = #tpu.dot_dimension_numbers<[1], [0], [0], [1], [0, 0, 1, 1], [], []>, transpose_lhs_hint = false} : vector<256x128xbf16>, vector<128x128xbf16>, vector<256x128xf32> -> vector<256x128xf32>
    %add3A_170 = vector.broadcast %get3A_165 : vector<1x128xf32> to vector<256x128xf32>
    %add3A_171 = arith.addf %dot_general3A_169, %add3A_170 : vector<256x128xf32>
    %max3A_172 = arith.constant 0.000000e+00 : f32
    %max3A_173 = vector.broadcast %max3A_172 : f32 to vector<256x128xf32>
    %max3A_174 = arith.maximumf %add3A_171, %max3A_173 : vector<256x128xf32>
    %get3A_175 = arith.constant 0 : index
    %get3A_176 = arith.constant 0 : index
    %get3A_177 = vector.load %arg10[%get3A_175, %get3A_176] : memref<128x128xf32, #tpu.memory_space<vmem>>, vector<128x128xf32>
    %get3A_178 = arith.constant 0 : index
    %get3A_179 = arith.constant 0 : index
    %get3A_180 = vector.load %arg11[%get3A_178, %get3A_179] : memref<1x128xf32, #tpu.memory_space<vmem>>, vector<1x128xf32>
    %convert_element_type3A_181 = arith.truncf %max3A_174 : vector<256x128xf32> to vector<256x128xbf16>
    %convert_element_type3A_182 = arith.truncf %get3A_177 : vector<128x128xf32> to vector<128x128xbf16>
    %dot_general3A_183 = arith.constant dense<0.000000e+00> : vector<256x128xf32>
    %dot_general3A_184 = tpu.matmul %convert_element_type3A_181, %convert_element_type3A_182, %dot_general3A_183 {dimension_numbers = #tpu.dot_dimension_numbers<[1], [0], [0], [1], [0, 0, 1, 1], [], []>, transpose_lhs_hint = false} : vector<256x128xbf16>, vector<128x128xbf16>, vector<256x128xf32> -> vector<256x128xf32>
    %add3A_185 = vector.broadcast %get3A_180 : vector<1x128xf32> to vector<256x128xf32>
    %add3A_186 = arith.addf %dot_general3A_184, %add3A_185 : vector<256x128xf32>
    %max3A_187 = arith.constant 0.000000e+00 : f32
    %max3A_188 = vector.broadcast %max3A_187 : f32 to vector<256x128xf32>
    %max3A_189 = arith.maximumf %add3A_186, %max3A_188 : vector<256x128xf32>
    %swap3A = arith.constant 0 : index
    %swap3A_190 = arith.constant 0 : index
    %swap3A_191 = arith.constant 0 : index
    %swap3A_192 = vector.load %arg12[%swap3A, %swap3A_190, %swap3A_191] : memref<1x256x128xf32, #tpu.memory_space<vmem>>, vector<1x256x128xf32>
    %swap3A_193 = vector.shape_cast %swap3A_192 : vector<1x256x128xf32> to vector<256x128xf32>
    %swap3A_194 = vector.shape_cast %max3A_189 : vector<256x128xf32> to vector<1x256x128xf32>
    tpu.vector_store %arg12[%swap3A, %swap3A_190, %swap3A_191], %swap3A_194 {strides = array<i32>} : memref<1x256x128xf32, #tpu.memory_space<vmem>>, vector<1x256x128xf32>,
    return
  }
  func.func @transform_0(%arg0: i32, %arg1: i32) -> (i32, i32, i32) {
    %c0_i32 = arith.constant 0 : i32
    %c0_i32_0 = arith.constant 0 : i32
    return %arg0, %arg1, %c0_i32 : i32, i32, i32
  }
  func.func @transform_1(%arg0: i32, %arg1: i32) -> (i32, i32, i32, i32) {
    %c0_i32 = arith.constant 0 : i32
    %c0_i32_0 = arith.constant 0 : i32
    %c0_i32_1 = arith.constant 0 : i32
    %c0_i32_2 = arith.constant 0 : i32
    return %c0_i32, %arg0, %c0_i32_0, %c0_i32_1 : i32, i32, i32, i32
  }
  func.func @transform_2(%arg0: i32, %arg1: i32) -> (i32, i32, i32) {
    %c0_i32 = arith.constant 0 : i32
    %c0_i32_0 = arith.constant 0 : i32
    return %arg0, %arg1, %c0_i32 : i32, i32, i32
  }
  func.func @transform_3(%arg0: i32, %arg1: i32) -> (i32, i32, i32) {
    %c0_i32 = arith.constant 0 : i32
    %c0_i32_0 = arith.constant 0 : i32
    %c0_i32_1 = arith.constant 0 : i32
    return %arg0, %c0_i32, %c0_i32_0 : i32, i32, i32
  }
  func.func @transform_4(%arg0: i32, %arg1: i32) -> (i32, i32) {
    %c0_i32 = arith.constant 0 : i32
    %c0_i32_0 = arith.constant 0 : i32
    %c0_i32_1 = arith.constant 0 : i32
    return %c0_i32, %c0_i32_0 : i32, i32
  }
  func.func @transform_5(%arg0: i32, %arg1: i32) -> (i32, i32) {
    %c0_i32 = arith.constant 0 : i32
    %c0_i32_0 = arith.constant 0 : i32
    %c0_i32_1 = arith.constant 0 : i32
    return %c0_i32, %c0_i32_0 : i32, i32
  }
  func.func @transform_6(%arg0: i32, %arg1: i32) -> (i32, i32) {
    %c0_i32 = arith.constant 0 : i32
    %c0_i32_0 = arith.constant 0 : i32
    %c0_i32_1 = arith.constant 0 : i32
    return %c0_i32, %c0_i32_0 : i32, i32
  }
  func.func @transform_7(%arg0: i32, %arg1: i32) -> (i32, i32) {
    %c0_i32 = arith.constant 0 : i32
    %c0_i32_0 = arith.constant 0 : i32
    %c0_i32_1 = arith.constant 0 : i32
    return %c0_i32, %c0_i32_0 : i32, i32
  }
  func.func @transform_8(%arg0: i32, %arg1: i32) -> (i32, i32) {
    %c0_i32 = arith.constant 0 : i32
    %c0_i32_0 = arith.constant 0 : i32
    %c0_i32_1 = arith.constant 0 : i32
    return %c0_i32, %c0_i32_0 : i32, i32
  }
  func.func @transform_9(%arg0: i32, %arg1: i32) -> (i32, i32) {
    %c0_i32 = arith.constant 0 : i32
    %c0_i32_0 = arith.constant 0 : i32
    %c0_i32_1 = arith.constant 0 : i32
    return %c0_i32, %c0_i32_0 : i32, i32
  }
  func.func @transform_10(%arg0: i32, %arg1: i32) -> (i32, i32, i32) {
    %c0_i32 = arith.constant 0 : i32
    %c0_i32_0 = arith.constant 0 : i32
    return %arg0, %arg1, %c0_i32 : i32, i32, i32
  }
}

module attributes {stable_mosaic.version = 14 : i64} {
  func.func @_head_body(%arg0: i32, %arg1: memref<1x4096x128xf32, #tpu.memory_space<vmem>>, %arg2: memref<128x128xf32, #tpu.memory_space<vmem>>, %arg3: memref<1x128xf32, #tpu.memory_space<vmem>>, %arg4: memref<128x128xf32, #tpu.memory_space<vmem>>, %arg5: memref<1x128xf32, #tpu.memory_space<vmem>>, %arg6: memref<128x128xf32, #tpu.memory_space<vmem>>, %arg7: memref<1x128xf32, #tpu.memory_space<vmem>>, %arg8: memref<128x13xf32, #tpu.memory_space<vmem>>, %arg9: memref<1x13xf32, #tpu.memory_space<vmem>>, %arg10: memref<1x4096x13xf32, #tpu.memory_space<vmem>>) attributes {dimension_semantics = [#tpu.dimension_semantics<arbitrary>], iteration_bounds = array<i64: 8>, scalar_prefetch = 0 : i64, scratch_operands = 0 : i64, tpu.core_type = #tpu.core_type<tc>, window_params = [{transform_indices = @transform_0, window_bounds = array<i64: 1, 4096, 128>}, {pipeline_mode = #tpu.pipeline_mode<synchronous>, transform_indices = @transform_1, window_bounds = array<i64: 128, 128>}, {pipeline_mode = #tpu.pipeline_mode<synchronous>, transform_indices = @transform_2, window_bounds = array<i64: 1, 128>}, {pipeline_mode = #tpu.pipeline_mode<synchronous>, transform_indices = @transform_3, window_bounds = array<i64: 128, 128>}, {pipeline_mode = #tpu.pipeline_mode<synchronous>, transform_indices = @transform_4, window_bounds = array<i64: 1, 128>}, {pipeline_mode = #tpu.pipeline_mode<synchronous>, transform_indices = @transform_5, window_bounds = array<i64: 128, 128>}, {pipeline_mode = #tpu.pipeline_mode<synchronous>, transform_indices = @transform_6, window_bounds = array<i64: 1, 128>}, {pipeline_mode = #tpu.pipeline_mode<synchronous>, transform_indices = @transform_7, window_bounds = array<i64: 128, 13>}, {pipeline_mode = #tpu.pipeline_mode<synchronous>, transform_indices = @transform_8, window_bounds = array<i64: 1, 13>}, {transform_indices = @transform_9, window_bounds = array<i64: 1, 4096, 13>}]} {
    %get3A = arith.constant 0 : index
    %get3A_0 = arith.constant 0 : index
    %get3A_1 = arith.constant 0 : index
    %get3A_2 = vector.load %arg1[%get3A, %get3A_0, %get3A_1] : memref<1x4096x128xf32, #tpu.memory_space<vmem>>, vector<1x4096x128xf32>
    %get3A_3 = vector.shape_cast %get3A_2 : vector<1x4096x128xf32> to vector<4096x128xf32>
    %add3A = arith.addf %get3A_3, %get3A_3 : vector<4096x128xf32>
    %add3A_4 = arith.addf %add3A, %get3A_3 : vector<4096x128xf32>
    %add3A_5 = arith.addf %add3A_4, %get3A_3 : vector<4096x128xf32>
    %div3A = arith.constant 4.000000e+00 : f32
    %div3A_6 = vector.broadcast %div3A : f32 to vector<4096x128xf32>
    %div3A_7 = arith.divf %add3A_5, %div3A_6 : vector<4096x128xf32>
    %get3A_8 = arith.constant 0 : index
    %get3A_9 = arith.constant 0 : index
    %get3A_10 = vector.load %arg2[%get3A_8, %get3A_9] : memref<128x128xf32, #tpu.memory_space<vmem>>, vector<128x128xf32>
    %convert_element_type3A = arith.truncf %div3A_7 : vector<4096x128xf32> to vector<4096x128xbf16>
    %convert_element_type3A_11 = arith.truncf %get3A_10 : vector<128x128xf32> to vector<128x128xbf16>
    %dot_general3A = arith.constant dense<0.000000e+00> : vector<4096x128xf32>
    %dot_general3A_12 = tpu.matmul %convert_element_type3A, %convert_element_type3A_11, %dot_general3A {dimension_numbers = #tpu.dot_dimension_numbers<[1], [0], [0], [1], [0, 0, 1, 1], [], []>, transpose_lhs_hint = false} : vector<4096x128xbf16>, vector<128x128xbf16>, vector<4096x128xf32> -> vector<4096x128xf32>
    %get3A_13 = arith.constant 0 : index
    %get3A_14 = arith.constant 0 : index
    %get3A_15 = vector.load %arg3[%get3A_13, %get3A_14] : memref<1x128xf32, #tpu.memory_space<vmem>>, vector<1x128xf32>
    %add3A_16 = vector.broadcast %get3A_15 : vector<1x128xf32> to vector<4096x128xf32>
    %add3A_17 = arith.addf %dot_general3A_12, %add3A_16 : vector<4096x128xf32>
    %max3A = arith.constant 0.000000e+00 : f32
    %max3A_18 = vector.broadcast %max3A : f32 to vector<4096x128xf32>
    %max3A_19 = arith.maximumf %add3A_17, %max3A_18 : vector<4096x128xf32>
    %convert_element_type3A_20 = arith.truncf %max3A_19 : vector<4096x128xf32> to vector<4096x128xbf16>
    %dot_general3A_21 = arith.constant dense<0.000000e+00> : vector<128x128xf32>
    %dot_general3A_22 = tpu.matmul %convert_element_type3A_20, %convert_element_type3A_20, %dot_general3A_21 {dimension_numbers = #tpu.dot_dimension_numbers<[0], [0], [1], [1], [0, 1, 1, 1], [], []>, transpose_lhs_hint = false} : vector<4096x128xbf16>, vector<4096x128xbf16>, vector<128x128xf32> -> vector<128x128xf32>
    %div3A_23 = arith.constant 4.096000e+03 : f32
    %div3A_24 = vector.broadcast %div3A_23 : f32 to vector<128x128xf32>
    %div3A_25 = arith.divf %dot_general3A_22, %div3A_24 : vector<128x128xf32>
    %reduce_max3A = arith.constant dense<0xFF800000> : vector<128xf32>
    %reduce_max3A_26 = vector.multi_reduction <maximumf>, %div3A_25, %reduce_max3A [1] : vector<128x128xf32> to vector<128xf32>
    %broadcast_in_dim3A = vector.shape_cast %reduce_max3A_26 : vector<128xf32> to vector<128x1xf32>
    %sub3A = vector.broadcast %broadcast_in_dim3A : vector<128x1xf32> to vector<128x128xf32>
    %sub3A_27 = arith.subf %div3A_25, %sub3A : vector<128x128xf32>
    %exp3A = math.exp %sub3A_27 : vector<128x128xf32>
    %reduce_sum3A = arith.constant dense<0.000000e+00> : vector<128xf32>
    %reduce_sum3A_28 = vector.multi_reduction <add>, %exp3A, %reduce_sum3A [1] : vector<128x128xf32> to vector<128xf32>
    %broadcast_in_dim3A_29 = vector.shape_cast %reduce_sum3A_28 : vector<128xf32> to vector<128x1xf32>
    %div3A_30 = vector.broadcast %broadcast_in_dim3A_29 : vector<128x1xf32> to vector<128x128xf32>
    %div3A_31 = arith.divf %exp3A, %div3A_30 : vector<128x128xf32>
    %convert_element_type3A_32 = arith.truncf %max3A_19 : vector<4096x128xf32> to vector<4096x128xbf16>
    %convert_element_type3A_33 = arith.truncf %div3A_31 : vector<128x128xf32> to vector<128x128xbf16>
    %dot_general3A_34 = arith.constant dense<0.000000e+00> : vector<4096x128xf32>
    %dot_general3A_35 = tpu.matmul %convert_element_type3A_32, %convert_element_type3A_33, %dot_general3A_34 {dimension_numbers = #tpu.dot_dimension_numbers<[1], [0], [0], [1], [0, 0, 1, 1], [], []>, transpose_lhs_hint = false} : vector<4096x128xbf16>, vector<128x128xbf16>, vector<4096x128xf32> -> vector<4096x128xf32>
    %get3A_36 = arith.constant 0 : index
    %get3A_37 = arith.constant 0 : index
    %get3A_38 = vector.load %arg4[%get3A_36, %get3A_37] : memref<128x128xf32, #tpu.memory_space<vmem>>, vector<128x128xf32>
    %convert_element_type3A_39 = arith.truncf %dot_general3A_35 : vector<4096x128xf32> to vector<4096x128xbf16>
    %convert_element_type3A_40 = arith.truncf %get3A_38 : vector<128x128xf32> to vector<128x128xbf16>
    %dot_general3A_41 = arith.constant dense<0.000000e+00> : vector<4096x128xf32>
    %dot_general3A_42 = tpu.matmul %convert_element_type3A_39, %convert_element_type3A_40, %dot_general3A_41 {dimension_numbers = #tpu.dot_dimension_numbers<[1], [0], [0], [1], [0, 0, 1, 1], [], []>, transpose_lhs_hint = false} : vector<4096x128xbf16>, vector<128x128xbf16>, vector<4096x128xf32> -> vector<4096x128xf32>
    %get3A_43 = arith.constant 0 : index
    %get3A_44 = arith.constant 0 : index
    %get3A_45 = vector.load %arg5[%get3A_43, %get3A_44] : memref<1x128xf32, #tpu.memory_space<vmem>>, vector<1x128xf32>
    %add3A_46 = vector.broadcast %get3A_45 : vector<1x128xf32> to vector<4096x128xf32>
    %add3A_47 = arith.addf %dot_general3A_42, %add3A_46 : vector<4096x128xf32>
    %max3A_48 = arith.constant 0.000000e+00 : f32
    %max3A_49 = vector.broadcast %max3A_48 : f32 to vector<4096x128xf32>
    %max3A_50 = arith.maximumf %add3A_47, %max3A_49 : vector<4096x128xf32>
    %add3A_51 = arith.addf %max3A_50, %max3A_19 : vector<4096x128xf32>
    %get3A_52 = arith.constant 0 : index
    %get3A_53 = arith.constant 0 : index
    %get3A_54 = vector.load %arg6[%get3A_52, %get3A_53] : memref<128x128xf32, #tpu.memory_space<vmem>>, vector<128x128xf32>
    %convert_element_type3A_55 = arith.truncf %add3A_51 : vector<4096x128xf32> to vector<4096x128xbf16>
    %convert_element_type3A_56 = arith.truncf %get3A_54 : vector<128x128xf32> to vector<128x128xbf16>
    %dot_general3A_57 = arith.constant dense<0.000000e+00> : vector<4096x128xf32>
    %dot_general3A_58 = tpu.matmul %convert_element_type3A_55, %convert_element_type3A_56, %dot_general3A_57 {dimension_numbers = #tpu.dot_dimension_numbers<[1], [0], [0], [1], [0, 0, 1, 1], [], []>, transpose_lhs_hint = false} : vector<4096x128xbf16>, vector<128x128xbf16>, vector<4096x128xf32> -> vector<4096x128xf32>
    %get3A_59 = arith.constant 0 : index
    %get3A_60 = arith.constant 0 : index
    %get3A_61 = vector.load %arg7[%get3A_59, %get3A_60] : memref<1x128xf32, #tpu.memory_space<vmem>>, vector<1x128xf32>
    %add3A_62 = vector.broadcast %get3A_61 : vector<1x128xf32> to vector<4096x128xf32>
    %add3A_63 = arith.addf %dot_general3A_58, %add3A_62 : vector<4096x128xf32>
    %max3A_64 = arith.constant 0.000000e+00 : f32
    %max3A_65 = vector.broadcast %max3A_64 : f32 to vector<4096x128xf32>
    %max3A_66 = arith.maximumf %add3A_63, %max3A_65 : vector<4096x128xf32>
    %get3A_67 = arith.constant 0 : index
    %get3A_68 = arith.constant 0 : index
    %get3A_69 = vector.load %arg8[%get3A_67, %get3A_68] : memref<128x13xf32, #tpu.memory_space<vmem>>, vector<128x13xf32>
    %convert_element_type3A_70 = arith.truncf %max3A_66 : vector<4096x128xf32> to vector<4096x128xbf16>
    %convert_element_type3A_71 = arith.truncf %get3A_69 : vector<128x13xf32> to vector<128x13xbf16>
    %dot_general3A_72 = arith.constant dense<0.000000e+00> : vector<4096x13xf32>
    %dot_general3A_73 = tpu.matmul %convert_element_type3A_70, %convert_element_type3A_71, %dot_general3A_72 {dimension_numbers = #tpu.dot_dimension_numbers<[1], [0], [0], [1], [0, 0, 1, 1], [], []>, transpose_lhs_hint = false} : vector<4096x128xbf16>, vector<128x13xbf16>, vector<4096x13xf32> -> vector<4096x13xf32>
    %get3A_74 = arith.constant 0 : index
    %get3A_75 = arith.constant 0 : index
    %get3A_76 = vector.load %arg9[%get3A_74, %get3A_75] : memref<1x13xf32, #tpu.memory_space<vmem>>, vector<1x13xf32>
    %add3A_77 = vector.broadcast %get3A_76 : vector<1x13xf32> to vector<4096x13xf32>
    %add3A_78 = arith.addf %dot_general3A_73, %add3A_77 : vector<4096x13xf32>
    %swap3A = arith.constant 0 : index
    %swap3A_79 = arith.constant 0 : index
    %swap3A_80 = arith.constant 0 : index
    %swap3A_81 = vector.load %arg10[%swap3A, %swap3A_79, %swap3A_80] : memref<1x4096x13xf32, #tpu.memory_space<vmem>>, vector<1x4096x13xf32>
    %swap3A_82 = vector.shape_cast %swap3A_81 : vector<1x4096x13xf32> to vector<4096x13xf32>
    %swap3A_83 = vector.shape_cast %add3A_78 : vector<4096x13xf32> to vector<1x4096x13xf32>
    tpu.vector_store %arg10[%swap3A, %swap3A_79, %swap3A_80], %swap3A_83 {strides = array<i32>} : memref<1x4096x13xf32, #tpu.memory_space<vmem>>, vector<1x4096x13xf32>,
    return
  }
  func.func @transform_0(%arg0: i32) -> (i32, i32, i32) {
    %c0_i32 = arith.constant 0 : i32
    %c0_i32_0 = arith.constant 0 : i32
    %c0_i32_1 = arith.constant 0 : i32
    return %arg0, %c0_i32, %c0_i32_0 : i32, i32, i32
  }
  func.func @transform_1(%arg0: i32) -> (i32, i32) {
    %c0_i32 = arith.constant 0 : i32
    %c0_i32_0 = arith.constant 0 : i32
    %c0_i32_1 = arith.constant 0 : i32
    return %c0_i32, %c0_i32_0 : i32, i32
  }
  func.func @transform_2(%arg0: i32) -> (i32, i32) {
    %c0_i32 = arith.constant 0 : i32
    %c0_i32_0 = arith.constant 0 : i32
    %c0_i32_1 = arith.constant 0 : i32
    return %c0_i32, %c0_i32_0 : i32, i32
  }
  func.func @transform_3(%arg0: i32) -> (i32, i32) {
    %c0_i32 = arith.constant 0 : i32
    %c0_i32_0 = arith.constant 0 : i32
    %c0_i32_1 = arith.constant 0 : i32
    return %c0_i32, %c0_i32_0 : i32, i32
  }
  func.func @transform_4(%arg0: i32) -> (i32, i32) {
    %c0_i32 = arith.constant 0 : i32
    %c0_i32_0 = arith.constant 0 : i32
    %c0_i32_1 = arith.constant 0 : i32
    return %c0_i32, %c0_i32_0 : i32, i32
  }
  func.func @transform_5(%arg0: i32) -> (i32, i32) {
    %c0_i32 = arith.constant 0 : i32
    %c0_i32_0 = arith.constant 0 : i32
    %c0_i32_1 = arith.constant 0 : i32
    return %c0_i32, %c0_i32_0 : i32, i32
  }
  func.func @transform_6(%arg0: i32) -> (i32, i32) {
    %c0_i32 = arith.constant 0 : i32
    %c0_i32_0 = arith.constant 0 : i32
    %c0_i32_1 = arith.constant 0 : i32
    return %c0_i32, %c0_i32_0 : i32, i32
  }
  func.func @transform_7(%arg0: i32) -> (i32, i32) {
    %c0_i32 = arith.constant 0 : i32
    %c0_i32_0 = arith.constant 0 : i32
    %c0_i32_1 = arith.constant 0 : i32
    return %c0_i32, %c0_i32_0 : i32, i32
  }
  func.func @transform_8(%arg0: i32) -> (i32, i32) {
    %c0_i32 = arith.constant 0 : i32
    %c0_i32_0 = arith.constant 0 : i32
    %c0_i32_1 = arith.constant 0 : i32
    return %c0_i32, %c0_i32_0 : i32, i32
  }
  func.func @transform_9(%arg0: i32) -> (i32, i32, i32) {
    %c0_i32 = arith.constant 0 : i32
    %c0_i32_0 = arith.constant 0 : i32
    %c0_i32_1 = arith.constant 0 : i32
    return %arg0, %c0_i32, %c0_i32_0 : i32, i32, i32
  }
}

</mosaic_0001>

<sc_bundles>
// kernel: kernel.23.cloned.1.call-start
scs
__scs_entry_jumppad:
0x0: {  	(pc) =	sbr.rel $0x88, $3  }
0x1: {  	(tag) =	ssettag $0x0;
	lr =	simm.s32 $0x1  }
0x2: {  	[smem:$0x3F6E] =	sst lr;
	_ =	strace $0xD0000000  }
0x3: {  	_ = 	snop  }
0x4: {  	_ = 	snop  }
0x5: {  	_ = 	snop  }
0x6: {  	_ = 	snop  }
0x7: {  	_ = 	snop  }
__scs_overlays_trampoline_lowered:
0x8: {  	[smem:$0x3F7D] =	sst s0  }
0x9: {  	[smem:$0x3F7E] =	sst s1  }
0xa: {  	[smem:$0x3F7F] =	sst s2  }
0xb: {  	[smem:$0x3F80] =	sst s3  }
0xc: {  	[smem:$0x3F81] =	sst s4  }
0xd: {  	[smem:$0x3F82] =	sst s5  }
0xe: {  	[smem:$0x3F83] =	sst s6  }
0xf: {  	[smem:$0x3F84] =	sst s7  }
0x10: {  	[smem:$0x3F85] =	sst s8  }
0x11: {  	[smem:$0x3F86] =	sst s9;
	s0 =	simm.s32 @!p0 $0x0  }
0x12: {  	s1 =	sld [smem:$0x3F6C];
	s0 =	simm.s32 @p0 $0x1  }
0x13: {  	[smem:$0x3F87] =	sst s0;
	s0 =	simm.s32 @!p1 $0x0  }
0x14: {  	s2 =	sld [smem:$0x3F6B];
	s0 =	simm.s32 @p1 $0x1  }
0x15: {  	[smem:$0x3F88] =	sst s0;
	s0 =	simm.s32 @!p2 $0x0  }
0x16: {  	s3 =	sld [smem:$0x3FDB];
	s0 =	simm.s32 @p2 $0x1  }
0x17: {  	s4 =	simm.s32 $0x1BF5;
	[smem:$0x3F8A] =	sst s0  }
0x18: {  	s0 =	sld [smem:$0x3F6D];
	_ =	swait.ge [sflag:s4], $0x0  }
0x19: {  	s7 =	sld [smem:$0x3F6E]  }
0x1a: {  	s8 =	sadd.s32 $0xFFFFE003, lr  }
0x1b: {  	s9 =	sadd.s32 $0xFFFFFEF7, lr;
	s5 =	simm.s32 $0xFFFFFFFF;
	p2 =	slt.u32 s8, $0xFFFFF086  }
0x1c: {  	p1 =	slt.u32 s9, $0xF7A;
	s5 =	simm.s32 @!p2 $0x0  }
0x1d: {  	s5 =	simm.s32 @p1 $0x1;
	p0 =	seq.s32 s7, s2  }
0x1e: {  	s7 =	smul.u32 @!p0 $0xF7A, s2;
	p2 =	seq.s32 @!p0 s5, $0x0  }
0x1f: {  	s9 =	smul.u32 $0xF7A, s1;
	s8 =	simm.s32 @!p0 $0x1BF5;
	p2 =	por !p2, p0  }
0x20: {  	[sflag:s8] =	ssyncset.s32 @!p0 $0xFFFFF086;
	s6 =	sadd.s32 @!p0 s3, s7;
	s7 =	simm.s32 @!p0 $0x108  }
0x21: {  	s3 =	sadd.s32 s3, s9;
	s6 =	sadd.s32 @!p0 $0x88, s6;
	s7 =	simm.s32 @p2 $0x1082  }
0x22: {  	[simem:s7], [sflag:s8] =	dma.local @!p0 [hbm:s6], $0xF7A  }
0x23: {  	s9 =	sor.u32 $0xD0000000, s2;
	s6 =	simm.s32 $0x108;
	_ =	swait.ge @!p0 [sflag:s8], $0x0  }
0x24: {  	s3 =	sadd.s32 $0x88, s3;
	s6 =	simm.s32 @!p1 $0x1082;
	[sflag:s4] =	ssyncset.s32 $0xFFFFF086  }
0x25: {  	[simem:s6], [sflag:s4] =	dma.local [hbm:s3], $0xF7A  }
0x26: {  	[smem:$0x3F6E] =	sst s1;
	(tag) =	ssettag s2;
	_ =	strace s9  }
0x27: {  	s1 =	sld [smem:$0x3F7E]  }
0x28: {  	s2 =	sld [smem:$0x3F7F]  }
0x29: {  	s4 =	sld [smem:$0x3F81]  }
0x2a: {  	p0 =	seq.s32 s5, $0x0;
	s5 =	sld [smem:$0x3F82]  }
0x2b: {  	s6 =	sld [smem:$0x3F83]  }
0x2c: {  	s7 =	sld [smem:$0x3F84]  }
0x2d: {  	s3 =	simm.s32 $0x108;
	s8 =	sld [smem:$0x3F85]  }
0x2e: {  	s3 =	simm.s32 @!p0 $0x1082;
	s9 =	sld [smem:$0x3F86]  }
0x2f: {  	lr =	sadd.s32 s0, s3;
	s0 =	sld [smem:$0x3F7D]  }
0x30: {  	s3 =	sld [smem:$0x3F80]  }
0x31: {  	[smem:$0x3F89] =	sst s10  }
0x32: {  	s10 =	sld [smem:$0x3F87];
	_ =	sdelay $0x3  }
0x33: {  	p0 =	seq.s32 s10, $0x1;
	s10 =	sld [smem:$0x3F89];
	_ =	sdelay $0x3  }
0x34: {  	[smem:$0x3F89] =	sst s10  }
0x35: {  	s10 =	sld [smem:$0x3F88];
	_ =	sdelay $0x3  }
0x36: {  	p1 =	seq.s32 s10, $0x1;
	s10 =	sld [smem:$0x3F89];
	_ =	sdelay $0x3  }
0x37: {  	[smem:$0x3F89] =	sst s10  }
0x38: {  	s10 =	sld [smem:$0x3F8A]  }
0x39: {  	_ = 	snop;
	(pc) =	sbr.ind lr, $3  }
0x3a: {  	_ = 	snop  }
0x3b: {  	_ = 	snop  }
0x3c: {  	p2 =	seq.s32 s10, $0x1;
	s10 =	sld [smem:$0x3F89]  }
0x3d: {  	_ =	shalt  }
0x3e: {  	_ =	shalt  }
0x3f: {  	_ =	shalt  }
0x40: {  	_ =	shalt  }
0x41: {  	_ =	shalt  }
0x42: {  	_ =	shalt  }
0x43: {  	_ =	shalt  }
0x44: {  	_ =	shalt  }
0x45: {  	_ =	shalt  }
0x46: {  	_ =	shalt  }
0x47: {  	_ =	shalt  }
0x48: {  	_ =	shalt  }
0x49: {  	_ =	shalt  }
0x4a: {  	_ =	shalt  }
0x4b: {  	_ =	shalt  }
0x4c: {  	_ =	shalt  }
0x4d: {  	_ =	shalt  }
0x4e: {  	_ =	shalt  }
0x4f: {  	_ =	shalt  }
0x50: {  	_ =	shalt  }
0x51: {  	_ =	shalt  }
0x52: {  	_ =	shalt  }
0x53: {  	_ =	shalt  }
0x54: {  	_ =	shalt  }
0x55: {  	_ =	shalt  }
0x56: {  	_ =	shalt  }
0x57: {  	_ =	shalt  }
0x58: {  	_ =	shalt  }
0x59: {  	_ =	shalt  }
0x5a: {  	_ =	shalt  }
0x5b: {  	_ =	shalt  }
0x5c: {  	_ =	shalt  }
0x5d: {  	_ =	shalt  }
0x5e: {  	_ =	shalt  }
0x5f: {  	_ =	shalt  }
0x60: {  	_ =	shalt  }
0x61: {  	_ =	shalt  }
0x62: {  	_ =	shalt  }
0x63: {  	_ =	shalt  }
0x64: {  	_ =	shalt  }
0x65: {  	_ =	shalt  }
0x66: {  	_ =	shalt  }
0x67: {  	_ =	shalt  }
0x68: {  	_ =	shalt  }
0x69: {  	_ =	shalt  }
0x6a: {  	_ =	shalt  }
0x6b: {  	_ =	shalt  }
0x6c: {  	_ =	shalt  }
0x6d: {  	_ =	shalt  }
0x6e: {  	_ =	shalt  }
0x6f: {  	_ =	shalt  }
0x70: {  	_ =	shalt  }
0x71: {  	_ =	shalt  }
0x72: {  	_ =	shalt  }
0x73: {  	_ =	shalt  }
0x74: {  	_ =	shalt  }
0x75: {  	_ =	shalt  }
0x76: {  	_ =	shalt  }
0x77: {  	_ =	shalt  }
0x78: {  	_ =	shalt  }
0x79: {  	_ =	shalt  }
0x7a: {  	_ =	shalt  }
0x7b: {  	_ =	shalt  }
0x7c: {  	_ =	shalt  }
0x7d: {  	_ =	shalt  }
0x7e: {  	_ =	shalt  }
0x7f: {  	_ =	shalt  }
0x80: {  	_ =	shalt  }
0x81: {  	_ =	shalt  }
0x82: {  	_ =	shalt  }
0x83: {  	_ =	shalt  }
0x84: {  	_ =	shalt  }
0x85: {  	_ =	shalt  }
0x86: {  	_ =	shalt  }
0x87: {  	_ =	shalt  }
.Lfunc_end0:
.L_simem_size_0:
called_computation_lowered:
.L_overlay_start_0:
0x88: {  	s2 =	sld [smem:$0x3FD9]  }
0x89: {  	s3 =	sld [smem:$0x3FFE];
	_ =	sdelay $0x1  }
0x8a: {  	s1 =	srdreg.scid  }
0x8b: {  	s0 =	sand.u32 $0x1, s1  }
0x8c: {  	s17 =	sshll.u32 s0, $0xA;
	s2 =	sadd.s32 s3, s2  }
0x8d: {  	s2 =	sadd.s32 s2, s17  }
0x8e: {  	[smem:$0x3F95] =	sst s2  }
0x8f: {  	_ = 	snop  }
0x90: {  	s2 =	sld [smem:$0x3FD0];
	(tm) =	ssettm $0x1  }
0x91: {  	s18 =	sld [smem:$0x3FFB];
	_ =	sdelay $0x3  }
0x92: {  	_ =	strace s18  }
0x93: {  	s3 =	sld [smem:$0x3FFC];
	_ =	sdelay $0x3  }
0x94: {  	_ =	strace s3  }
0x95: {  	s3 =	sld [smem:$0x3FFD];
	_ =	sdelay $0x3  }
0x96: {  	_ =	strace s3  }
0x97: {  	_ =	strace $0x8FFFFFFF  }
0x98: {  	s19 =	sld [smem:$0x3FDB];
	_ =	sdelay $0x1  }
0x99: {  	s4 =	simm.s32 $_scs_section_size  }
0x9a: {  	s5 =	simm.s32 $_size__tile_overlayer_lowered;
	s6 =	simm.s32 $_tile_overlayer_lowered  }
0x9b: {  	s22 =	simm.s32 $0x1BFF;
	s21 =	sshll.u32 s6, $0x1;
	s3 =	sadd.s32 s4, s19  }
0x9c: {  	s7 =	simm.s32 $0x0;
	s20 =	sshll.u32 s5, $0x1;
	s5 =	sadd.s32 s21, s3  }
0x9d: {  	[timem:s7], [sflag:s22] =	dma.local [hbm:s5], s20  }
0x9e: {  	_ =	swait.ge [sflag:s22], s20  }
0x9f: {  	s4 =	ssub.s32 $0x0, s20;
	[sflag:s22] =	ssyncset.done $0x0  }
0xa0: {  	[sflag:s22] =	ssyncadd.s32 s4;
	_ =	sdelay $0x1  }
0xa1: {  	s23 =	simm.s32 $0x1B8B  }
0xa2: {  	_ =	swait.ge [sflag:s23], $0x1  }
0xa3: {  	[sflag:s23] =	ssyncset.done $0x0  }
0xa4: {  	s25 =	simm.s32 $0x1B8E;
	s24 =	sld [smem:$0x3FFE];
	[sflag:s23] =	ssyncadd.s32 $0xFFFFFFFF  }
0xa5: {  	s26 =	simm.s32 $execute0_lowered;
	[smem:$0x3FD2] =	sst s25  }
0xa6: {  	s5 =	sshll.u32 s26, $0x1;
	_ =	strace $0x80000046;
	[dreg:$0x1] =	wrdreg $0xFFFFFFFF  }
0xa7: {  	s28 =	simm.s32 $_size_execute0_lowered;
	s3 =	sadd.s32 s3, s5;
	[dreg:$0x0] =	wrdreg $0x0  }
0xa8: {  	s5 =	sshll.u32 s28, $0x1;
	[dreg:$0x2] =	wrdreg s3  }
0xa9: {  	[dreg:$0x3] =	wrdreg s5  }
0xaa: {  	[dreg:$0x4] =	wrdreg $0xC0  }
0xab: {  	_ =	task [dreg:s7], $0x5FFFF  }
0xac: {  	[dreg:$0x1] =	wrdreg $0xFFFFFFFF  }
0xad: {  	[dreg:$0x0] =	wrdreg $0x60  }
0xae: {  	[dreg:$0x2] =	wrdreg s24  }
0xaf: {  	[dreg:$0x3] =	wrdreg s2  }
0xb0: {  	[dreg:$0x4] =	wrdreg $0x9  }
0xb1: {  	_ =	task.clear_ibuf [dreg:s7], $0x5FFFF;
	_ =	strace $0x90000046  }
0xb2: {  	s29 =	simm.s32 $0x9;
	_ =	strace $0x80000048  }
0xb3: {  	_ =	swait.ge [sflag:s29], $0x1  }
0xb4: {  	[sflag:s29] =	ssyncadd.s32 $0xFFFFFFFF  }
0xb5: {  	_ =	strace $0x90000048  }
0xb6: {  	_ =	sfence  }
0xb7: {  	s30 =	sld [smem:$0x0];
	_ =	sdelay $0x2  }
0xb8: {  	s31 =	sshll.u32 s1, $0xD;
	s1 =	sshrl.u32 s1, $0x2  }
0xb9: {  	s3 =	sand.u32 $0x4000, s31;
	s1 =	sadd.s32 s1, s30  }
0xba: {  	s0 =	sor.u32 s3, s0;
	s1 =	sshll.u32 s1, $0x11  }
0xbb: {  	s0 =	sor.u32 s1, s0  }
0xbc: {  	s0 =	sadd.s32 $0x8F2B, s0  }
0xbd: {  	[sflag:s0] =	ssyncadd.remote.s32 $0x1  }
0xbe: {  	_ =	sfence.sel $0xFFFF  }
0xbf: {  	[dreg:$0x0] =	wrdreg $0xFFFFFFFF;
	(pc) =	sbr.abs _section_cstart, $3  }
0xc0: {  	[dreg:$0x1] =	wrdreg $0xFFFFFFFF  }
0xc1: {  	_ =	task.clear_ibuf [dreg:s7], $0x2FFFF;
	_ =	strace $0x9FFFFFFF  }
0xc2: {  	(tm) =	ssettm $0x7FFFFFFF  }
0xc3: {  	_ =	shalt  }
tec
execute0_lowered:
.L_overlay_start_1:
0x0: {  	(tag) =	ssettag $0x1  }
0x1: {  	s4 =	rddreg [dreg:$0x0]  }
0x2: {  	s6 =	rddreg [dreg:$0x1]  }
0x3: {  	s0 =	rddreg [dreg:$0x2];
	s2 =	simm.s32 $0x0;
	s1 =	stileid.u32  }
0x4: {  	s3 =	srdreg.scid;
	[smem:$0x7FF] =	sst s2  }
0x5: {  	s5 =	sshll.u32 s1, $0xF;
	s7 =	sand.u32 $0x1, s3;
	s3 =	sadd.s32 $0xC600, s4  }
0x6: {  	s9 =	sshll.u32 s1, $0xE;
	_ =	strace $0x80000047;
	s5 =	sadd.s32 s5, s4  }
0x7: {  	s29 =	ssub.s32 $0x2, s7;
	s10 =	sshll.u32 s7, $0xD;
	s7 =	sshll.u32 s7, $0xE  }
0x8: {  	s8 =	sshrl.u32 s29, $0x1;
	s30 =	sor.u32 s10, s9;
	s5 =	sadd.s32 s7, s5  }
0x9: {  	s7 =	simm.s32 $0x2;
	s9 =	simm.s32 $0x1;
	s10 =	simm.s32 $0x0  }
0xa: {  	s4 =	ssub.s32 s29, s8;
	s31 =	sshrl.u32 s30, $0x3;
	s5 =	sadd.s32 $0x12C600, s5  }
0xb: {  	s8 =	simm.s32 $0x80;
	s4 =	smax.u32 s4, $0x1;
	s6 =	sadd.s32 s31, s6  }
.LBB2_1:
0xc: {  	s11 =	sadd.s32 $0x0, s6  }
0xd: {  	[tilespmem:s2], [sflag:$0x2] =	stream.linear.gather [hbm4b:s11+s2], $0x80, $0x38;
	[tilespmem:$0x880] =	vst v63  }
0xe: {  	_ =	swait.ge [sflag:s7], $0x80  }
0xf: {  	[sflag:s7] =	ssyncset.done $0x0  }
0x10: {  	[sflag:s7] =	ssyncadd.s32 $0xFFFFFF80  }
0x11: {  	[tilespmem:s8], [sflag:$0x1] =	stream.indirect.gather [hbm4b:s3+s8], $0x10, s2, s8, $0xb8;
	[tilespmem:$0x880] =	vst v63  }
0x12: {  	_ =	swait.ge [sflag:s9], $0x800  }
0x13: {  	[sflag:s9] =	ssyncset.done $0x0  }
0x14: {  	[sflag:s9] =	ssyncadd.s32 $0xFFFFF800  }
0x15: {  	[hbm4b:s5+s2] =	stream.linear.scatter [tilespmem:s8], [sflag:$0x2], $0x800, $0x38;
	[tilespmem:$0x880] =	vst v63  }
0x16: {  	s12 =	simm.s32 $0x10;
	_ =	swait.ge [sflag:s7], $0x800  }
0x17: {  	s13 =	simm.s32 $0x20;
	s11 =	sadd.s32 $0x100, s5;
	[sflag:s7] =	ssyncset.done $0x0  }
.LBB2_2:
0x18: {  	s14 =	sadd.s32 s12, s6  }
0x19: {  	[sflag:s7] =	ssyncadd.s32 $0xFFFFF800;
	s12 =	smov.u32 s13;
	s15 =	sadd.s32 $0x10, s13  }
0x1a: {  	[tilespmem:s2], [sflag:$0x2] =	stream.linear.gather [hbm4b:s14+s2], $0x80, $0x38;
	[tilespmem:$0x880] =	vst v63  }
0x1b: {  	p0 =	sne.s32 s13, $0x3F0;
	_ =	swait.ge [sflag:s7], $0x80  }
0x1c: {  	[sflag:s7] =	ssyncset.done $0x0  }
0x1d: {  	[sflag:s7] =	ssyncadd.s32 $0xFFFFFF80  }
0x1e: {  	[tilespmem:s8], [sflag:$0x1] =	stream.indirect.gather [hbm4b:s3+s8], $0x10, s2, s8, $0xb8;
	[tilespmem:$0x880] =	vst v63  }
0x1f: {  	_ =	swait.ge [sflag:s9], $0x800  }
.Ltmp0:
0x20: {  	[sflag:s9] =	ssyncset.done $0x0;
	(pc) =	sbr.rel @p0 .LBB2_2-.Ltmp0, $4  }
0x21: {  	[sflag:s9] =	ssyncadd.s32 $0xFFFFF800  }
0x22: {  	[hbm4b:s11+s2] =	stream.linear.scatter [tilespmem:s8], [sflag:$0x2], $0x800, $0x38;
	[tilespmem:$0x880] =	vst v63  }
0x23: {  	_ =	swait.ge [sflag:s7], $0x800  }
0x24: {  	s13 =	smov.u32 s15;
	s11 =	sadd.s32 $0x100, s11;
	[sflag:s7] =	ssyncset.done $0x0  }
0x25: {  	s12 =	sadd.s32 s12, s6;
	[sflag:s7] =	ssyncadd.s32 $0xFFFFF800  }
0x26: {  	[tilespmem:s2], [sflag:$0x2] =	stream.linear.gather [hbm4b:s12+s2], $0x80, $0x38;
	[tilespmem:$0x880] =	vst v63  }
0x27: {  	_ =	swait.ge [sflag:s7], $0x80  }
0x28: {  	[sflag:s7] =	ssyncset.done $0x0  }
0x29: {  	[sflag:s7] =	ssyncadd.s32 $0xFFFFFF80  }
0x2a: {  	[tilespmem:s8], [sflag:$0x1] =	stream.indirect.gather [hbm4b:s3+s8], $0x10, s2, s8, $0xb8;
	[tilespmem:$0x880] =	vst v63  }
0x2b: {  	s10 =	sadd.s32 $0x1, s10;
	_ =	swait.ge [sflag:s9], $0x800  }
0x2c: {  	p0 =	sne.s32 s10, s4;
	[sflag:s9] =	ssyncset.done $0x0  }
.Ltmp1:
0x2d: {  	[sflag:s9] =	ssyncadd.s32 $0xFFFFF800;
	(pc) =	sbr.rel @p0 .LBB2_1-.Ltmp1, $4  }
0x2e: {  	[hbm4b:s11+s2] =	stream.linear.scatter [tilespmem:s8], [sflag:$0x2], $0x800, $0x38;
	[tilespmem:$0x880] =	vst v63  }
0x2f: {  	_ =	swait.ge [sflag:s7], $0x800  }
0x30: {  	[sflag:s7] =	ssyncset.done $0x0  }
0x31: {  	[sflag:s7] =	ssyncadd.s32 $0xFFFFF800  }
0x32: {  	_ =	sfence.sel $0x180000  }
0x33: {  	[bflag:$0x0] =	sbarrier.arrive $0xFFFF  }
0x34: {  	p0 =	sne.s32 s1, $0x0;
	_ =	strace $0x90000047  }
0x35: {  	s0 =	sadd.s32 @!p0 $0x100000, s0;
	[bflag:$0x2] =	sbarrier.arrive $0xFFFF  }
0x36: {  	[sflag:s0] =	ssyncadd.tile.s32 @!p0 $0x1;
	_ =	shalt  }
.Lfunc_end2:
_tile_overlayer_lowered:
.L_overlay_start_2:
0x37: {  	(tag) =	ssettag $0x2  }
0x38: {  	s0 =	rddreg [dreg:$0x0];
	s2 =	stileid.u32  }
0x39: {  	s1 =	rddreg [dreg:$0x1];
	p0 =	sne.s32 s2, $0x0  }
0x3a: {  	s3 =	rddreg [dreg:$0x2];
	[bflag:$0x3] =	sbarrier.arrive $0xFFFF;
	s2 =	simm.s32 @!p0 $0x1C02  }
0x3b: {  	[timem:s3], [sflag:s2] =	dma.local @!p0 [hbm:s0], s1  }
0x3c: {  	s0 =	simm.s32 @!p0 $0x2  }
0x3d: {  	_ =	swait.ge @!p0 [sflag:s0], s1  }
0x3e: {  	s1 =	ssub.s32 @!p0 $0x0, s1;
	[sflag:s0] =	ssyncset.done @!p0 $0x0  }
0x3f: {  	[sflag:s0] =	ssyncadd.s32 @!p0 s1  }
0x40: {  	[bflag:$0x3] =	sbarrier.arrive $0xFFFF  }
0x41: {  	_ =	shalt  }

// kernel: kernel.26.cloned.1.call-start
scs
__scs_entry_jumppad:
0x0: {  	(pc) =	sbr.rel $0x88, $3  }
0x1: {  	(tag) =	ssettag $0x0;
	lr =	simm.s32 $0x1  }
0x2: {  	[smem:$0x3F6E] =	sst lr;
	_ =	strace $0xD0000000  }
0x3: {  	_ = 	snop  }
0x4: {  	_ = 	snop  }
0x5: {  	_ = 	snop  }
0x6: {  	_ = 	snop  }
0x7: {  	_ = 	snop  }
__scs_overlays_trampoline_lowered:
0x8: {  	[smem:$0x3F7D] =	sst s0  }
0x9: {  	[smem:$0x3F7E] =	sst s1  }
0xa: {  	[smem:$0x3F7F] =	sst s2  }
0xb: {  	[smem:$0x3F80] =	sst s3  }
0xc: {  	[smem:$0x3F81] =	sst s4  }
0xd: {  	[smem:$0x3F82] =	sst s5  }
0xe: {  	[smem:$0x3F83] =	sst s6  }
0xf: {  	[smem:$0x3F84] =	sst s7  }
0x10: {  	[smem:$0x3F85] =	sst s8  }
0x11: {  	[smem:$0x3F86] =	sst s9;
	s0 =	simm.s32 @!p0 $0x0  }
0x12: {  	s1 =	sld [smem:$0x3F6C];
	s0 =	simm.s32 @p0 $0x1  }
0x13: {  	[smem:$0x3F87] =	sst s0;
	s0 =	simm.s32 @!p1 $0x0  }
0x14: {  	s2 =	sld [smem:$0x3F6B];
	s0 =	simm.s32 @p1 $0x1  }
0x15: {  	[smem:$0x3F88] =	sst s0;
	s0 =	simm.s32 @!p2 $0x0  }
0x16: {  	s3 =	sld [smem:$0x3FDB];
	s0 =	simm.s32 @p2 $0x1  }
0x17: {  	s4 =	simm.s32 $0x1BF5;
	[smem:$0x3F8A] =	sst s0  }
0x18: {  	s0 =	sld [smem:$0x3F6D];
	_ =	swait.ge [sflag:s4], $0x0  }
0x19: {  	s7 =	sld [smem:$0x3F6E]  }
0x1a: {  	s8 =	sadd.s32 $0xFFFFE003, lr  }
0x1b: {  	s9 =	sadd.s32 $0xFFFFFEF7, lr;
	s5 =	simm.s32 $0xFFFFFFFF;
	p2 =	slt.u32 s8, $0xFFFFF086  }
0x1c: {  	p1 =	slt.u32 s9, $0xF7A;
	s5 =	simm.s32 @!p2 $0x0  }
0x1d: {  	s5 =	simm.s32 @p1 $0x1;
	p0 =	seq.s32 s7, s2  }
0x1e: {  	s7 =	smul.u32 @!p0 $0xF7A, s2;
	p2 =	seq.s32 @!p0 s5, $0x0  }
0x1f: {  	s9 =	smul.u32 $0xF7A, s1;
	s8 =	simm.s32 @!p0 $0x1BF5;
	p2 =	por !p2, p0  }
0x20: {  	[sflag:s8] =	ssyncset.s32 @!p0 $0xFFFFF086;
	s6 =	sadd.s32 @!p0 s3, s7;
	s7 =	simm.s32 @!p0 $0x108  }
0x21: {  	s3 =	sadd.s32 s3, s9;
	s6 =	sadd.s32 @!p0 $0x88, s6;
	s7 =	simm.s32 @p2 $0x1082  }
0x22: {  	[simem:s7], [sflag:s8] =	dma.local @!p0 [hbm:s6], $0xF7A  }
0x23: {  	s9 =	sor.u32 $0xD0000000, s2;
	s6 =	simm.s32 $0x108;
	_ =	swait.ge @!p0 [sflag:s8], $0x0  }
0x24: {  	s3 =	sadd.s32 $0x88, s3;
	s6 =	simm.s32 @!p1 $0x1082;
	[sflag:s4] =	ssyncset.s32 $0xFFFFF086  }
0x25: {  	[simem:s6], [sflag:s4] =	dma.local [hbm:s3], $0xF7A  }
0x26: {  	[smem:$0x3F6E] =	sst s1;
	(tag) =	ssettag s2;
	_ =	strace s9  }
0x27: {  	s1 =	sld [smem:$0x3F7E]  }
0x28: {  	s2 =	sld [smem:$0x3F7F]  }
0x29: {  	s4 =	sld [smem:$0x3F81]  }
0x2a: {  	p0 =	seq.s32 s5, $0x0;
	s5 =	sld [smem:$0x3F82]  }
0x2b: {  	s6 =	sld [smem:$0x3F83]  }
0x2c: {  	s7 =	sld [smem:$0x3F84]  }
0x2d: {  	s3 =	simm.s32 $0x108;
	s8 =	sld [smem:$0x3F85]  }
0x2e: {  	s3 =	simm.s32 @!p0 $0x1082;
	s9 =	sld [smem:$0x3F86]  }
0x2f: {  	lr =	sadd.s32 s0, s3;
	s0 =	sld [smem:$0x3F7D]  }
0x30: {  	s3 =	sld [smem:$0x3F80]  }
0x31: {  	[smem:$0x3F89] =	sst s10  }
0x32: {  	s10 =	sld [smem:$0x3F87];
	_ =	sdelay $0x3  }
0x33: {  	p0 =	seq.s32 s10, $0x1;
	s10 =	sld [smem:$0x3F89];
	_ =	sdelay $0x3  }
0x34: {  	[smem:$0x3F89] =	sst s10  }
0x35: {  	s10 =	sld [smem:$0x3F88];
	_ =	sdelay $0x3  }
0x36: {  	p1 =	seq.s32 s10, $0x1;
	s10 =	sld [smem:$0x3F89];
	_ =	sdelay $0x3  }
0x37: {  	[smem:$0x3F89] =	sst s10  }
0x38: {  	s10 =	sld [smem:$0x3F8A]  }
0x39: {  	_ = 	snop;
	(pc) =	sbr.ind lr, $3  }
0x3a: {  	_ = 	snop  }
0x3b: {  	_ = 	snop  }
0x3c: {  	p2 =	seq.s32 s10, $0x1;
	s10 =	sld [smem:$0x3F89]  }
0x3d: {  	_ =	shalt  }
0x3e: {  	_ =	shalt  }
0x3f: {  	_ =	shalt  }
0x40: {  	_ =	shalt  }
0x41: {  	_ =	shalt  }
0x42: {  	_ =	shalt  }
0x43: {  	_ =	shalt  }
0x44: {  	_ =	shalt  }
0x45: {  	_ =	shalt  }
0x46: {  	_ =	shalt  }
0x47: {  	_ =	shalt  }
0x48: {  	_ =	shalt  }
0x49: {  	_ =	shalt  }
0x4a: {  	_ =	shalt  }
0x4b: {  	_ =	shalt  }
0x4c: {  	_ =	shalt  }
0x4d: {  	_ =	shalt  }
0x4e: {  	_ =	shalt  }
0x4f: {  	_ =	shalt  }
0x50: {  	_ =	shalt  }
0x51: {  	_ =	shalt  }
0x52: {  	_ =	shalt  }
0x53: {  	_ =	shalt  }
0x54: {  	_ =	shalt  }
0x55: {  	_ =	shalt  }
0x56: {  	_ =	shalt  }
0x57: {  	_ =	shalt  }
0x58: {  	_ =	shalt  }
0x59: {  	_ =	shalt  }
0x5a: {  	_ =	shalt  }
0x5b: {  	_ =	shalt  }
0x5c: {  	_ =	shalt  }
0x5d: {  	_ =	shalt  }
0x5e: {  	_ =	shalt  }
0x5f: {  	_ =	shalt  }
0x60: {  	_ =	shalt  }
0x61: {  	_ =	shalt  }
0x62: {  	_ =	shalt  }
0x63: {  	_ =	shalt  }
0x64: {  	_ =	shalt  }
0x65: {  	_ =	shalt  }
0x66: {  	_ =	shalt  }
0x67: {  	_ =	shalt  }
0x68: {  	_ =	shalt  }
0x69: {  	_ =	shalt  }
0x6a: {  	_ =	shalt  }
0x6b: {  	_ =	shalt  }
0x6c: {  	_ =	shalt  }
0x6d: {  	_ =	shalt  }
0x6e: {  	_ =	shalt  }
0x6f: {  	_ =	shalt  }
0x70: {  	_ =	shalt  }
0x71: {  	_ =	shalt  }
0x72: {  	_ =	shalt  }
0x73: {  	_ =	shalt  }
0x74: {  	_ =	shalt  }
0x75: {  	_ =	shalt  }
0x76: {  	_ =	shalt  }
0x77: {  	_ =	shalt  }
0x78: {  	_ =	shalt  }
0x79: {  	_ =	shalt  }
0x7a: {  	_ =	shalt  }
0x7b: {  	_ =	shalt  }
0x7c: {  	_ =	shalt  }
0x7d: {  	_ =	shalt  }
0x7e: {  	_ =	shalt  }
0x7f: {  	_ =	shalt  }
0x80: {  	_ =	shalt  }
0x81: {  	_ =	shalt  }
0x82: {  	_ =	shalt  }
0x83: {  	_ =	shalt  }
0x84: {  	_ =	shalt  }
0x85: {  	_ =	shalt  }
0x86: {  	_ =	shalt  }
0x87: {  	_ =	shalt  }
.Lfunc_end0:
.L_simem_size_0:
called_computation.1_lowered:
.L_overlay_start_0:
0x88: {  	s2 =	sld [smem:$0x3FD9]  }
0x89: {  	s3 =	sld [smem:$0x3FFE];
	_ =	sdelay $0x1  }
0x8a: {  	s1 =	srdreg.scid  }
0x8b: {  	s0 =	sand.u32 $0x1, s1  }
0x8c: {  	s16 =	sshll.u32 s0, $0xA;
	s2 =	sadd.s32 s3, s2  }
0x8d: {  	s2 =	sadd.s32 s2, s16  }
0x8e: {  	[smem:$0x3F95] =	sst s2  }
0x8f: {  	_ = 	snop  }
0x90: {  	(tm) =	ssettm $0x1  }
0x91: {  	s17 =	sld [smem:$0x3FFB];
	_ =	sdelay $0x3  }
0x92: {  	_ =	strace s17  }
0x93: {  	s2 =	sld [smem:$0x3FFC];
	_ =	sdelay $0x3  }
0x94: {  	_ =	strace s2  }
0x95: {  	s2 =	sld [smem:$0x3FFD];
	_ =	sdelay $0x3  }
0x96: {  	_ =	strace s2  }
0x97: {  	_ =	strace $0x8FFFFFFF  }
0x98: {  	s18 =	sld [smem:$0x3FDB];
	_ =	sdelay $0x1  }
0x99: {  	s19 =	simm.s32 $_scs_section_size  }
0x9a: {  	s4 =	simm.s32 $_size__tile_overlayer_lowered;
	s5 =	simm.s32 $_tile_overlayer_lowered  }
0x9b: {  	s22 =	simm.s32 $0x1BFF;
	s21 =	sshll.u32 s5, $0x1;
	s2 =	sadd.s32 s19, s18  }
0x9c: {  	s6 =	simm.s32 $0x0;
	s20 =	sshll.u32 s4, $0x1;
	s4 =	sadd.s32 s21, s2  }
0x9d: {  	[timem:s6], [sflag:s22] =	dma.local [hbm:s4], s20  }
0x9e: {  	_ =	swait.ge [sflag:s22], s20  }
0x9f: {  	s3 =	ssub.s32 $0x0, s20;
	[sflag:s22] =	ssyncset.done $0x0  }
0xa0: {  	[sflag:s22] =	ssyncadd.s32 s3;
	_ =	sdelay $0x1  }
0xa1: {  	s23 =	simm.s32 $0x1B8B  }
0xa2: {  	_ =	swait.ge [sflag:s23], $0x1  }
0xa3: {  	[sflag:s23] =	ssyncset.done $0x0  }
0xa4: {  	s25 =	simm.s32 $0x1B8E;
	s24 =	sld [smem:$0x3FFE];
	[sflag:s23] =	ssyncadd.s32 $0xFFFFFFFF  }
0xa5: {  	s26 =	simm.s32 $execute0_lowered;
	[smem:$0x3FD2] =	sst s25  }
0xa6: {  	s4 =	sshll.u32 s26, $0x1;
	_ =	strace $0x80000049;
	[dreg:$0x1] =	wrdreg $0xFFFFFFFF  }
0xa7: {  	s28 =	simm.s32 $_size_execute0_lowered;
	s2 =	sadd.s32 s2, s4;
	[dreg:$0x0] =	wrdreg $0x0  }
0xa8: {  	s4 =	sshll.u32 s28, $0x1;
	[dreg:$0x2] =	wrdreg s2  }
0xa9: {  	[dreg:$0x3] =	wrdreg s4  }
0xaa: {  	[dreg:$0x4] =	wrdreg $0xC0  }
0xab: {  	_ =	task [dreg:s6], $0x5FFFF  }
0xac: {  	[dreg:$0x1] =	wrdreg $0xFFFFFFFF  }
0xad: {  	[dreg:$0x0] =	wrdreg $0x60  }
0xae: {  	[dreg:$0x2] =	wrdreg s24  }
0xaf: {  	[dreg:$0x3] =	wrdreg $0x9  }
0xb0: {  	_ =	task.clear_ibuf [dreg:s6], $0x4FFFF;
	_ =	strace $0x90000049  }
0xb1: {  	s29 =	simm.s32 $0x9;
	_ =	strace $0x8000004B  }
0xb2: {  	_ =	swait.ge [sflag:s29], $0x1  }
0xb3: {  	[sflag:s29] =	ssyncadd.s32 $0xFFFFFFFF  }
0xb4: {  	_ =	strace $0x9000004B  }
0xb5: {  	_ =	sfence  }
0xb6: {  	s30 =	sld [smem:$0x0];
	_ =	sdelay $0x2  }
0xb7: {  	s31 =	sshll.u32 s1, $0xD;
	s1 =	sshrl.u32 s1, $0x2  }
0xb8: {  	s3 =	sand.u32 $0x4000, s31;
	s1 =	sadd.s32 s1, s30  }
0xb9: {  	s0 =	sor.u32 s3, s0;
	s1 =	sshll.u32 s1, $0x11  }
0xba: {  	s0 =	sor.u32 s1, s0  }
0xbb: {  	s0 =	sadd.s32 $0x8F2B, s0  }
0xbc: {  	[sflag:s0] =	ssyncadd.remote.s32 $0x1  }
0xbd: {  	_ =	sfence.sel $0xFFFF  }
0xbe: {  	[dreg:$0x0] =	wrdreg $0xFFFFFFFF;
	(pc) =	sbr.abs _section_cstart, $3  }
0xbf: {  	[dreg:$0x1] =	wrdreg $0xFFFFFFFF  }
0xc0: {  	_ =	task.clear_ibuf [dreg:s6], $0x2FFFF;
	_ =	strace $0x9FFFFFFF  }
0xc1: {  	(tm) =	ssettm $0x7FFFFFFF  }
tec
execute0_lowered:
.L_overlay_start_1:
0x0: {  	(tag) =	ssettag $0x1  }
0x1: {  	s4 =	rddreg [dreg:$0x0]  }
0x2: {  	s0 =	rddreg [dreg:$0x1];
	s2 =	simm.s32 $0x0;
	s5 =	srdreg.scid  }
0x3: {  	s1 =	stileid.u32;
	s10 =	simm.s32 $0x0;
	[smem:$0x7FF] =	sst s2  }
0x4: {  	s3 =	sadd.s32 $0x51200, s4;
	s5 =	sand.u32 $0x1, s5;
	s6 =	sshll.u32 s1, $0xD  }
0x5: {  	s8 =	smul.u32 $0x14000, s1;
	_ =	strace $0x8000004A;
	s7 =	sshll.u32 s5, $0xC  }
0x6: {  	s9 =	ssub.s32 $0x2, s5;
	s5 =	smul.u32 $0xA000, s5;
	s6 =	sor.u32 s7, s6  }
0x7: {  	s30 =	sshrl.u32 s9, $0x1;
	s8 =	sadd.s32 s8, s4;
	s6 =	sshrl.u32 s6, $0x3  }
0x8: {  	s7 =	ssub.s32 s9, s30;
	s31 =	sadd.s32 s5, s8;
	s8 =	simm.s32 $0x80  }
0x9: {  	s9 =	simm.s32 $0x1;
	s6 =	sadd.s32 s6, s4;
	s4 =	smax.u32 s7, $0x1  }
0xa: {  	s7 =	simm.s32 $0x2;
	s5 =	sadd.s32 $0x2D200, s6;
	s6 =	sadd.s32 $0x12C600, s31  }
.LBB2_1:
0xb: {  	s11 =	sadd.s32 $0x0, s5  }
0xc: {  	[tilespmem:s2], [sflag:$0x2] =	stream.linear.gather [hbm4b:s11+s2], $0x80, $0x38;
	[tilespmem:$0x2880] =	vst v63  }
0xd: {  	_ =	swait.ge [sflag:s7], $0x80  }
0xe: {  	[sflag:s7] =	ssyncset.done $0x0  }
0xf: {  	[sflag:s7] =	ssyncadd.s32 $0xFFFFFF80  }
0x10: {  	[tilespmem:s8], [sflag:$0x1] =	stream.indirect.gather [hbm4b:s3+s8], $0x50, s2, s8, $0xb8;
	[tilespmem:$0x2880] =	vst v63  }
0x11: {  	_ =	swait.ge [sflag:s9], $0x2800  }
0x12: {  	[sflag:s9] =	ssyncset.done $0x0  }
0x13: {  	[sflag:s9] =	ssyncadd.s32 $0xFFFFD800  }
0x14: {  	[hbm4b:s6+s2] =	stream.linear.scatter [tilespmem:s8], [sflag:$0x2], $0x2800, $0x38;
	[tilespmem:$0x2880] =	vst v63  }
0x15: {  	s12 =	simm.s32 $0x10;
	_ =	swait.ge [sflag:s7], $0x2800  }
0x16: {  	s13 =	simm.s32 $0x20;
	s11 =	sadd.s32 $0x500, s6;
	[sflag:s7] =	ssyncset.done $0x0  }
.LBB2_2:
0x17: {  	s14 =	sadd.s32 s12, s5  }
0x18: {  	[sflag:s7] =	ssyncadd.s32 $0xFFFFD800;
	s12 =	smov.u32 s13;
	s15 =	sadd.s32 $0x10, s13  }
0x19: {  	[tilespmem:s2], [sflag:$0x2] =	stream.linear.gather [hbm4b:s14+s2], $0x80, $0x38;
	[tilespmem:$0x2880] =	vst v63  }
0x1a: {  	p0 =	sne.s32 s13, $0x1F0;
	_ =	swait.ge [sflag:s7], $0x80  }
0x1b: {  	[sflag:s7] =	ssyncset.done $0x0  }
0x1c: {  	[sflag:s7] =	ssyncadd.s32 $0xFFFFFF80  }
0x1d: {  	[tilespmem:s8], [sflag:$0x1] =	stream.indirect.gather [hbm4b:s3+s8], $0x50, s2, s8, $0xb8;
	[tilespmem:$0x2880] =	vst v63  }
0x1e: {  	_ =	swait.ge [sflag:s9], $0x2800  }
.Ltmp0:
0x1f: {  	[sflag:s9] =	ssyncset.done $0x0;
	(pc) =	sbr.rel @p0 .LBB2_2-.Ltmp0, $4  }
0x20: {  	[sflag:s9] =	ssyncadd.s32 $0xFFFFD800  }
0x21: {  	[hbm4b:s11+s2] =	stream.linear.scatter [tilespmem:s8], [sflag:$0x2], $0x2800, $0x38;
	[tilespmem:$0x2880] =	vst v63  }
0x22: {  	_ =	swait.ge [sflag:s7], $0x2800  }
0x23: {  	s13 =	smov.u32 s15;
	s11 =	sadd.s32 $0x500, s11;
	[sflag:s7] =	ssyncset.done $0x0  }
0x24: {  	s12 =	sadd.s32 s12, s5;
	[sflag:s7] =	ssyncadd.s32 $0xFFFFD800  }
0x25: {  	[tilespmem:s2], [sflag:$0x2] =	stream.linear.gather [hbm4b:s12+s2], $0x80, $0x38;
	[tilespmem:$0x2880] =	vst v63  }
0x26: {  	_ =	swait.ge [sflag:s7], $0x80  }
0x27: {  	[sflag:s7] =	ssyncset.done $0x0  }
0x28: {  	[sflag:s7] =	ssyncadd.s32 $0xFFFFFF80  }
0x29: {  	[tilespmem:s8], [sflag:$0x1] =	stream.indirect.gather [hbm4b:s3+s8], $0x50, s2, s8, $0xb8;
	[tilespmem:$0x2880] =	vst v63  }
0x2a: {  	s10 =	sadd.s32 $0x1, s10;
	_ =	swait.ge [sflag:s9], $0x2800  }
0x2b: {  	p0 =	sne.s32 s10, s4;
	[sflag:s9] =	ssyncset.done $0x0  }
.Ltmp1:
0x2c: {  	[sflag:s9] =	ssyncadd.s32 $0xFFFFD800;
	(pc) =	sbr.rel @p0 .LBB2_1-.Ltmp1, $4  }
0x2d: {  	[hbm4b:s11+s2] =	stream.linear.scatter [tilespmem:s8], [sflag:$0x2], $0x2800, $0x38;
	[tilespmem:$0x2880] =	vst v63  }
0x2e: {  	_ =	swait.ge [sflag:s7], $0x2800  }
0x2f: {  	[sflag:s7] =	ssyncset.done $0x0  }
0x30: {  	[sflag:s7] =	ssyncadd.s32 $0xFFFFD800  }
0x31: {  	_ =	sfence.sel $0x180000  }
0x32: {  	[bflag:$0x0] =	sbarrier.arrive $0xFFFF  }
0x33: {  	p0 =	sne.s32 s1, $0x0;
	_ =	strace $0x9000004A  }
0x34: {  	s0 =	sadd.s32 @!p0 $0x100000, s0;
	[bflag:$0x2] =	sbarrier.arrive $0xFFFF  }
0x35: {  	[sflag:s0] =	ssyncadd.tile.s32 @!p0 $0x1;
	_ =	shalt  }
.Lfunc_end2:
_tile_overlayer_lowered:
.L_overlay_start_2:
0x36: {  	(tag) =	ssettag $0x2  }
0x37: {  	s0 =	rddreg [dreg:$0x0];
	s2 =	stileid.u32  }
0x38: {  	s1 =	rddreg [dreg:$0x1];
	p0 =	sne.s32 s2, $0x0  }
0x39: {  	s3 =	rddreg [dreg:$0x2];
	[bflag:$0x3] =	sbarrier.arrive $0xFFFF;
	s2 =	simm.s32 @!p0 $0x1C02  }
0x3a: {  	[timem:s3], [sflag:s2] =	dma.local @!p0 [hbm:s0], s1  }
0x3b: {  	s0 =	simm.s32 @!p0 $0x2  }
0x3c: {  	_ =	swait.ge @!p0 [sflag:s0], s1  }
0x3d: {  	s1 =	ssub.s32 @!p0 $0x0, s1;
	[sflag:s0] =	ssyncset.done @!p0 $0x0  }
0x3e: {  	[sflag:s0] =	ssyncadd.s32 @!p0 s1  }
0x3f: {  	[bflag:$0x3] =	sbarrier.arrive $0xFFFF  }
0x40: {  	_ =	shalt  }

// kernel: kernel.29.cloned.1.call-start
scs
__scs_entry_jumppad:
0x0: {  	(pc) =	sbr.rel $0x88, $3  }
0x1: {  	(tag) =	ssettag $0x0;
	lr =	simm.s32 $0x1  }
0x2: {  	[smem:$0x3F6E] =	sst lr;
	_ =	strace $0xD0000000  }
0x3: {  	_ = 	snop  }
0x4: {  	_ = 	snop  }
0x5: {  	_ = 	snop  }
0x6: {  	_ = 	snop  }
0x7: {  	_ = 	snop  }
__scs_overlays_trampoline_lowered:
0x8: {  	[smem:$0x3F7D] =	sst s0  }
0x9: {  	[smem:$0x3F7E] =	sst s1  }
0xa: {  	[smem:$0x3F7F] =	sst s2  }
0xb: {  	[smem:$0x3F80] =	sst s3  }
0xc: {  	[smem:$0x3F81] =	sst s4  }
0xd: {  	[smem:$0x3F82] =	sst s5  }
0xe: {  	[smem:$0x3F83] =	sst s6  }
0xf: {  	[smem:$0x3F84] =	sst s7  }
0x10: {  	[smem:$0x3F85] =	sst s8  }
0x11: {  	[smem:$0x3F86] =	sst s9;
	s0 =	simm.s32 @!p0 $0x0  }
0x12: {  	s1 =	sld [smem:$0x3F6C];
	s0 =	simm.s32 @p0 $0x1  }
0x13: {  	[smem:$0x3F87] =	sst s0;
	s0 =	simm.s32 @!p1 $0x0  }
0x14: {  	s2 =	sld [smem:$0x3F6B];
	s0 =	simm.s32 @p1 $0x1  }
0x15: {  	[smem:$0x3F88] =	sst s0;
	s0 =	simm.s32 @!p2 $0x0  }
0x16: {  	s3 =	sld [smem:$0x3FDB];
	s0 =	simm.s32 @p2 $0x1  }
0x17: {  	s4 =	simm.s32 $0x1BF5;
	[smem:$0x3F8A] =	sst s0  }
0x18: {  	s0 =	sld [smem:$0x3F6D];
	_ =	swait.ge [sflag:s4], $0x0  }
0x19: {  	s7 =	sld [smem:$0x3F6E]  }
0x1a: {  	s8 =	sadd.s32 $0xFFFFE003, lr  }
0x1b: {  	s9 =	sadd.s32 $0xFFFFFEF7, lr;
	s5 =	simm.s32 $0xFFFFFFFF;
	p2 =	slt.u32 s8, $0xFFFFF086  }
0x1c: {  	p1 =	slt.u32 s9, $0xF7A;
	s5 =	simm.s32 @!p2 $0x0  }
0x1d: {  	s5 =	simm.s32 @p1 $0x1;
	p0 =	seq.s32 s7, s2  }
0x1e: {  	s7 =	smul.u32 @!p0 $0xF7A, s2;
	p2 =	seq.s32 @!p0 s5, $0x0  }
0x1f: {  	s9 =	smul.u32 $0xF7A, s1;
	s8 =	simm.s32 @!p0 $0x1BF5;
	p2 =	por !p2, p0  }
0x20: {  	[sflag:s8] =	ssyncset.s32 @!p0 $0xFFFFF086;
	s6 =	sadd.s32 @!p0 s3, s7;
	s7 =	simm.s32 @!p0 $0x108  }
0x21: {  	s3 =	sadd.s32 s3, s9;
	s6 =	sadd.s32 @!p0 $0x88, s6;
	s7 =	simm.s32 @p2 $0x1082  }
0x22: {  	[simem:s7], [sflag:s8] =	dma.local @!p0 [hbm:s6], $0xF7A  }
0x23: {  	s9 =	sor.u32 $0xD0000000, s2;
	s6 =	simm.s32 $0x108;
	_ =	swait.ge @!p0 [sflag:s8], $0x0  }
0x24: {  	s3 =	sadd.s32 $0x88, s3;
	s6 =	simm.s32 @!p1 $0x1082;
	[sflag:s4] =	ssyncset.s32 $0xFFFFF086  }
0x25: {  	[simem:s6], [sflag:s4] =	dma.local [hbm:s3], $0xF7A  }
0x26: {  	[smem:$0x3F6E] =	sst s1;
	(tag) =	ssettag s2;
	_ =	strace s9  }
0x27: {  	s1 =	sld [smem:$0x3F7E]  }
0x28: {  	s2 =	sld [smem:$0x3F7F]  }
0x29: {  	s4 =	sld [smem:$0x3F81]  }
0x2a: {  	p0 =	seq.s32 s5, $0x0;
	s5 =	sld [smem:$0x3F82]  }
0x2b: {  	s6 =	sld [smem:$0x3F83]  }
0x2c: {  	s7 =	sld [smem:$0x3F84]  }
0x2d: {  	s3 =	simm.s32 $0x108;
	s8 =	sld [smem:$0x3F85]  }
0x2e: {  	s3 =	simm.s32 @!p0 $0x1082;
	s9 =	sld [smem:$0x3F86]  }
0x2f: {  	lr =	sadd.s32 s0, s3;
	s0 =	sld [smem:$0x3F7D]  }
0x30: {  	s3 =	sld [smem:$0x3F80]  }
0x31: {  	[smem:$0x3F89] =	sst s10  }
0x32: {  	s10 =	sld [smem:$0x3F87];
	_ =	sdelay $0x3  }
0x33: {  	p0 =	seq.s32 s10, $0x1;
	s10 =	sld [smem:$0x3F89];
	_ =	sdelay $0x3  }
0x34: {  	[smem:$0x3F89] =	sst s10  }
0x35: {  	s10 =	sld [smem:$0x3F88];
	_ =	sdelay $0x3  }
0x36: {  	p1 =	seq.s32 s10, $0x1;
	s10 =	sld [smem:$0x3F89];
	_ =	sdelay $0x3  }
0x37: {  	[smem:$0x3F89] =	sst s10  }
0x38: {  	s10 =	sld [smem:$0x3F8A]  }
0x39: {  	_ = 	snop;
	(pc) =	sbr.ind lr, $3  }
0x3a: {  	_ = 	snop  }
0x3b: {  	_ = 	snop  }
0x3c: {  	p2 =	seq.s32 s10, $0x1;
	s10 =	sld [smem:$0x3F89]  }
0x3d: {  	_ =	shalt  }
0x3e: {  	_ =	shalt  }
0x3f: {  	_ =	shalt  }
0x40: {  	_ =	shalt  }
0x41: {  	_ =	shalt  }
0x42: {  	_ =	shalt  }
0x43: {  	_ =	shalt  }
0x44: {  	_ =	shalt  }
0x45: {  	_ =	shalt  }
0x46: {  	_ =	shalt  }
0x47: {  	_ =	shalt  }
0x48: {  	_ =	shalt  }
0x49: {  	_ =	shalt  }
0x4a: {  	_ =	shalt  }
0x4b: {  	_ =	shalt  }
0x4c: {  	_ =	shalt  }
0x4d: {  	_ =	shalt  }
0x4e: {  	_ =	shalt  }
0x4f: {  	_ =	shalt  }
0x50: {  	_ =	shalt  }
0x51: {  	_ =	shalt  }
0x52: {  	_ =	shalt  }
0x53: {  	_ =	shalt  }
0x54: {  	_ =	shalt  }
0x55: {  	_ =	shalt  }
0x56: {  	_ =	shalt  }
0x57: {  	_ =	shalt  }
0x58: {  	_ =	shalt  }
0x59: {  	_ =	shalt  }
0x5a: {  	_ =	shalt  }
0x5b: {  	_ =	shalt  }
0x5c: {  	_ =	shalt  }
0x5d: {  	_ =	shalt  }
0x5e: {  	_ =	shalt  }
0x5f: {  	_ =	shalt  }
0x60: {  	_ =	shalt  }
0x61: {  	_ =	shalt  }
0x62: {  	_ =	shalt  }
0x63: {  	_ =	shalt  }
0x64: {  	_ =	shalt  }
0x65: {  	_ =	shalt  }
0x66: {  	_ =	shalt  }
0x67: {  	_ =	shalt  }
0x68: {  	_ =	shalt  }
0x69: {  	_ =	shalt  }
0x6a: {  	_ =	shalt  }
0x6b: {  	_ =	shalt  }
0x6c: {  	_ =	shalt  }
0x6d: {  	_ =	shalt  }
0x6e: {  	_ =	shalt  }
0x6f: {  	_ =	shalt  }
0x70: {  	_ =	shalt  }
0x71: {  	_ =	shalt  }
0x72: {  	_ =	shalt  }
0x73: {  	_ =	shalt  }
0x74: {  	_ =	shalt  }
0x75: {  	_ =	shalt  }
0x76: {  	_ =	shalt  }
0x77: {  	_ =	shalt  }
0x78: {  	_ =	shalt  }
0x79: {  	_ =	shalt  }
0x7a: {  	_ =	shalt  }
0x7b: {  	_ =	shalt  }
0x7c: {  	_ =	shalt  }
0x7d: {  	_ =	shalt  }
0x7e: {  	_ =	shalt  }
0x7f: {  	_ =	shalt  }
0x80: {  	_ =	shalt  }
0x81: {  	_ =	shalt  }
0x82: {  	_ =	shalt  }
0x83: {  	_ =	shalt  }
0x84: {  	_ =	shalt  }
0x85: {  	_ =	shalt  }
0x86: {  	_ =	shalt  }
0x87: {  	_ =	shalt  }
.Lfunc_end0:
.L_simem_size_0:
called_computation.2_lowered:
.L_overlay_start_0:
0x88: {  	s2 =	sld [smem:$0x3FD9]  }
0x89: {  	s3 =	sld [smem:$0x3FFE];
	_ =	sdelay $0x1  }
0x8a: {  	s1 =	srdreg.scid  }
0x8b: {  	s0 =	sand.u32 $0x1, s1  }
0x8c: {  	s17 =	sshll.u32 s0, $0xA;
	s2 =	sadd.s32 s3, s2  }
0x8d: {  	s2 =	sadd.s32 s2, s17  }
0x8e: {  	[smem:$0x3F95] =	sst s2  }
0x8f: {  	_ = 	snop  }
0x90: {  	s2 =	sld [smem:$0x3FD0];
	(tm) =	ssettm $0x1  }
0x91: {  	s18 =	sld [smem:$0x3FFB];
	_ =	sdelay $0x3  }
0x92: {  	_ =	strace s18  }
0x93: {  	s3 =	sld [smem:$0x3FFC];
	_ =	sdelay $0x3  }
0x94: {  	_ =	strace s3  }
0x95: {  	s3 =	sld [smem:$0x3FFD];
	_ =	sdelay $0x3  }
0x96: {  	_ =	strace s3  }
0x97: {  	_ =	strace $0x8FFFFFFF  }
0x98: {  	s19 =	sld [smem:$0x3FDB];
	_ =	sdelay $0x1  }
0x99: {  	s4 =	simm.s32 $_scs_section_size  }
0x9a: {  	s5 =	simm.s32 $_size__tile_overlayer_lowered;
	s6 =	simm.s32 $_tile_overlayer_lowered  }
0x9b: {  	s22 =	simm.s32 $0x1BFF;
	s21 =	sshll.u32 s6, $0x1;
	s3 =	sadd.s32 s4, s19  }
0x9c: {  	s7 =	simm.s32 $0x0;
	s20 =	sshll.u32 s5, $0x1;
	s5 =	sadd.s32 s21, s3  }
0x9d: {  	[timem:s7], [sflag:s22] =	dma.local [hbm:s5], s20  }
0x9e: {  	_ =	swait.ge [sflag:s22], s20  }
0x9f: {  	s4 =	ssub.s32 $0x0, s20;
	[sflag:s22] =	ssyncset.done $0x0  }
0xa0: {  	[sflag:s22] =	ssyncadd.s32 s4;
	_ =	sdelay $0x1  }
0xa1: {  	s23 =	simm.s32 $0x1B8B  }
0xa2: {  	_ =	swait.ge [sflag:s23], $0x1  }
0xa3: {  	[sflag:s23] =	ssyncset.done $0x0  }
0xa4: {  	s25 =	simm.s32 $0x1B8E;
	s24 =	sld [smem:$0x3FFE];
	[sflag:s23] =	ssyncadd.s32 $0xFFFFFFFF  }
0xa5: {  	s26 =	simm.s32 $execute0_lowered;
	[smem:$0x3FD2] =	sst s25  }
0xa6: {  	s5 =	sshll.u32 s26, $0x1;
	_ =	strace $0x8000004C;
	[dreg:$0x1] =	wrdreg $0xFFFFFFFF  }
0xa7: {  	s28 =	simm.s32 $_size_execute0_lowered;
	s3 =	sadd.s32 s3, s5;
	[dreg:$0x0] =	wrdreg $0x0  }
0xa8: {  	s5 =	sshll.u32 s28, $0x1;
	[dreg:$0x2] =	wrdreg s3  }
0xa9: {  	[dreg:$0x3] =	wrdreg s5  }
0xaa: {  	[dreg:$0x4] =	wrdreg $0xC0  }
0xab: {  	_ =	task [dreg:s7], $0x5FFFF  }
0xac: {  	[dreg:$0x1] =	wrdreg $0xFFFFFFFF  }
0xad: {  	[dreg:$0x0] =	wrdreg $0x60  }
0xae: {  	[dreg:$0x2] =	wrdreg s24  }
0xaf: {  	[dreg:$0x3] =	wrdreg s2  }
0xb0: {  	[dreg:$0x4] =	wrdreg $0x9  }
0xb1: {  	_ =	task.clear_ibuf [dreg:s7], $0x5FFFF;
	_ =	strace $0x9000004C  }
0xb2: {  	s29 =	simm.s32 $0x9;
	_ =	strace $0x8000004E  }
0xb3: {  	_ =	swait.ge [sflag:s29], $0x1  }
0xb4: {  	[sflag:s29] =	ssyncadd.s32 $0xFFFFFFFF  }
0xb5: {  	_ =	strace $0x9000004E  }
0xb6: {  	_ =	sfence  }
0xb7: {  	s30 =	sld [smem:$0x0];
	_ =	sdelay $0x2  }
0xb8: {  	s31 =	sshll.u32 s1, $0xD;
	s1 =	sshrl.u32 s1, $0x2  }
0xb9: {  	s3 =	sand.u32 $0x4000, s31;
	s1 =	sadd.s32 s1, s30  }
0xba: {  	s0 =	sor.u32 s3, s0;
	s1 =	sshll.u32 s1, $0x11  }
0xbb: {  	s0 =	sor.u32 s1, s0  }
0xbc: {  	s0 =	sadd.s32 $0x8F2B, s0  }
0xbd: {  	[sflag:s0] =	ssyncadd.remote.s32 $0x1  }
0xbe: {  	_ =	sfence.sel $0xFFFF  }
0xbf: {  	[dreg:$0x0] =	wrdreg $0xFFFFFFFF;
	(pc) =	sbr.abs _section_cstart, $3  }
0xc0: {  	[dreg:$0x1] =	wrdreg $0xFFFFFFFF  }
0xc1: {  	_ =	task.clear_ibuf [dreg:s7], $0x2FFFF;
	_ =	strace $0x9FFFFFFF  }
0xc2: {  	(tm) =	ssettm $0x7FFFFFFF  }
0xc3: {  	_ =	shalt  }
tec
execute0_lowered:
.L_overlay_start_1:
0x0: {  	(tag) =	ssettag $0x1  }
0x1: {  	s3 =	rddreg [dreg:$0x0]  }
0x2: {  	s5 =	rddreg [dreg:$0x1]  }
0x3: {  	s0 =	rddreg [dreg:$0x2];
	s1 =	stileid.u32  }
0x4: {  	s4 =	srdreg.scid;
	s2 =	simm.s32 $0x0;
	s6 =	smul.u32 $0x12000, s1  }
0x5: {  	s4 =	sand.u32 $0x1, s4;
	[smem:$0x7FF] =	sst s2;
	s9 =	sshll.u32 s1, $0xC  }
0x6: {  	s7 =	ssub.s32 $0x2, s4;
	_ =	strace $0x8000004D;
	s10 =	sshll.u32 s4, $0xB  }
0x7: {  	s11 =	smul.u32 $0x9000, s4;
	s6 =	sadd.s32 s6, s3;
	s8 =	sshrl.u32 s7, $0x1  }
0x8: {  	s3 =	sadd.s32 $0x61200, s3;
	s31 =	sor.u32 s10, s9;
	s9 =	simm.s32 $0x1  }
0x9: {  	s10 =	simm.s32 $0x0;
	s30 =	ssub.s32 s7, s8;
	s7 =	sshrl.u32 s31, $0x3  }
0xa: {  	s6 =	sadd.s32 s11, s6;
	s8 =	simm.s32 $0x80;
	s4 =	smax.u32 s30, $0x1  }
0xb: {  	s5 =	sadd.s32 s7, s5;
	s6 =	sadd.s32 $0x12C600, s6;
	s7 =	simm.s32 $0x2  }
.LBB2_1:
0xc: {  	s11 =	sadd.s32 $0x0, s5  }
0xd: {  	[tilespmem:s2], [sflag:$0x2] =	stream.linear.gather [hbm4b:s11+s2], $0x80, $0x38;
	[tilespmem:$0x4880] =	vst v63  }
0xe: {  	_ =	swait.ge [sflag:s7], $0x80  }
0xf: {  	[sflag:s7] =	ssyncset.done $0x0  }
0x10: {  	[sflag:s7] =	ssyncadd.s32 $0xFFFFFF80  }
0x11: {  	[tilespmem:s8], [sflag:$0x1] =	stream.indirect.gather [hbm4b:s3+s8], $0x90, s2, s8, $0xb8;
	[tilespmem:$0x4880] =	vst v63  }
0x12: {  	_ =	swait.ge [sflag:s9], $0x4800  }
0x13: {  	[sflag:s9] =	ssyncset.done $0x0  }
0x14: {  	[sflag:s9] =	ssyncadd.s32 $0xFFFFB800  }
0x15: {  	[hbm4b:s6+s2] =	stream.linear.scatter [tilespmem:s8], [sflag:$0x2], $0x4800, $0x38;
	[tilespmem:$0x4880] =	vst v63  }
0x16: {  	s12 =	simm.s32 $0x10;
	_ =	swait.ge [sflag:s7], $0x4800  }
0x17: {  	s13 =	simm.s32 $0x20;
	s11 =	sadd.s32 $0x900, s6;
	[sflag:s7] =	ssyncset.done $0x0  }
.LBB2_2:
0x18: {  	s14 =	sadd.s32 s12, s5  }
0x19: {  	[sflag:s7] =	ssyncadd.s32 $0xFFFFB800;
	s12 =	smov.u32 s13;
	s15 =	sadd.s32 $0x10, s13  }
0x1a: {  	[tilespmem:s2], [sflag:$0x2] =	stream.linear.gather [hbm4b:s14+s2], $0x80, $0x38;
	[tilespmem:$0x4880] =	vst v63  }
0x1b: {  	p0 =	sne.s32 s13, $0xF0;
	_ =	swait.ge [sflag:s7], $0x80  }
0x1c: {  	[sflag:s7] =	ssyncset.done $0x0  }
0x1d: {  	[sflag:s7] =	ssyncadd.s32 $0xFFFFFF80  }
0x1e: {  	[tilespmem:s8], [sflag:$0x1] =	stream.indirect.gather [hbm4b:s3+s8], $0x90, s2, s8, $0xb8;
	[tilespmem:$0x4880] =	vst v63  }
0x1f: {  	_ =	swait.ge [sflag:s9], $0x4800  }
.Ltmp0:
0x20: {  	[sflag:s9] =	ssyncset.done $0x0;
	(pc) =	sbr.rel @p0 .LBB2_2-.Ltmp0, $4  }
0x21: {  	[sflag:s9] =	ssyncadd.s32 $0xFFFFB800  }
0x22: {  	[hbm4b:s11+s2] =	stream.linear.scatter [tilespmem:s8], [sflag:$0x2], $0x4800, $0x38;
	[tilespmem:$0x4880] =	vst v63  }
0x23: {  	_ =	swait.ge [sflag:s7], $0x4800  }
0x24: {  	s13 =	smov.u32 s15;
	s11 =	sadd.s32 $0x900, s11;
	[sflag:s7] =	ssyncset.done $0x0  }
0x25: {  	s12 =	sadd.s32 s12, s5;
	[sflag:s7] =	ssyncadd.s32 $0xFFFFB800  }
0x26: {  	[tilespmem:s2], [sflag:$0x2] =	stream.linear.gather [hbm4b:s12+s2], $0x80, $0x38;
	[tilespmem:$0x4880] =	vst v63  }
0x27: {  	_ =	swait.ge [sflag:s7], $0x80  }
0x28: {  	[sflag:s7] =	ssyncset.done $0x0  }
0x29: {  	[sflag:s7] =	ssyncadd.s32 $0xFFFFFF80  }
0x2a: {  	[tilespmem:s8], [sflag:$0x1] =	stream.indirect.gather [hbm4b:s3+s8], $0x90, s2, s8, $0xb8;
	[tilespmem:$0x4880] =	vst v63  }
0x2b: {  	s10 =	sadd.s32 $0x1, s10;
	_ =	swait.ge [sflag:s9], $0x4800  }
0x2c: {  	p0 =	sne.s32 s10, s4;
	[sflag:s9] =	ssyncset.done $0x0  }
.Ltmp1:
0x2d: {  	[sflag:s9] =	ssyncadd.s32 $0xFFFFB800;
	(pc) =	sbr.rel @p0 .LBB2_1-.Ltmp1, $4  }
0x2e: {  	[hbm4b:s11+s2] =	stream.linear.scatter [tilespmem:s8], [sflag:$0x2], $0x4800, $0x38;
	[tilespmem:$0x4880] =	vst v63  }
0x2f: {  	_ =	swait.ge [sflag:s7], $0x4800  }
0x30: {  	[sflag:s7] =	ssyncset.done $0x0  }
0x31: {  	[sflag:s7] =	ssyncadd.s32 $0xFFFFB800  }
0x32: {  	_ =	sfence.sel $0x180000  }
0x33: {  	[bflag:$0x0] =	sbarrier.arrive $0xFFFF  }
0x34: {  	p0 =	sne.s32 s1, $0x0;
	_ =	strace $0x9000004D  }
0x35: {  	s0 =	sadd.s32 @!p0 $0x100000, s0;
	[bflag:$0x2] =	sbarrier.arrive $0xFFFF  }
0x36: {  	[sflag:s0] =	ssyncadd.tile.s32 @!p0 $0x1;
	_ =	shalt  }
.Lfunc_end2:
_tile_overlayer_lowered:
.L_overlay_start_2:
0x37: {  	(tag) =	ssettag $0x2  }
0x38: {  	s0 =	rddreg [dreg:$0x0];
	s2 =	stileid.u32  }
0x39: {  	s1 =	rddreg [dreg:$0x1];
	p0 =	sne.s32 s2, $0x0  }
0x3a: {  	s3 =	rddreg [dreg:$0x2];
	[bflag:$0x3] =	sbarrier.arrive $0xFFFF;
	s2 =	simm.s32 @!p0 $0x1C02  }
0x3b: {  	[timem:s3], [sflag:s2] =	dma.local @!p0 [hbm:s0], s1  }
0x3c: {  	s0 =	simm.s32 @!p0 $0x2  }
0x3d: {  	_ =	swait.ge @!p0 [sflag:s0], s1  }
0x3e: {  	s1 =	ssub.s32 @!p0 $0x0, s1;
	[sflag:s0] =	ssyncset.done @!p0 $0x0  }
0x3f: {  	[sflag:s0] =	ssyncadd.s32 @!p0 s1  }
0x40: {  	[bflag:$0x3] =	sbarrier.arrive $0xFFFF  }
0x41: {  	_ =	shalt  }

// kernel: kernel.32.cloned.1.call-start
scs
__scs_entry_jumppad:
0x0: {  	(pc) =	sbr.rel $0x88, $3  }
0x1: {  	(tag) =	ssettag $0x0;
	lr =	simm.s32 $0x1  }
0x2: {  	[smem:$0x3F6E] =	sst lr;
	_ =	strace $0xD0000000  }
0x3: {  	_ = 	snop  }
0x4: {  	_ = 	snop  }
0x5: {  	_ = 	snop  }
0x6: {  	_ = 	snop  }
0x7: {  	_ = 	snop  }
__scs_overlays_trampoline_lowered:
0x8: {  	[smem:$0x3F7D] =	sst s0  }
0x9: {  	[smem:$0x3F7E] =	sst s1  }
0xa: {  	[smem:$0x3F7F] =	sst s2  }
0xb: {  	[smem:$0x3F80] =	sst s3  }
0xc: {  	[smem:$0x3F81] =	sst s4  }
0xd: {  	[smem:$0x3F82] =	sst s5  }
0xe: {  	[smem:$0x3F83] =	sst s6  }
0xf: {  	[smem:$0x3F84] =	sst s7  }
0x10: {  	[smem:$0x3F85] =	sst s8  }
0x11: {  	[smem:$0x3F86] =	sst s9;
	s0 =	simm.s32 @!p0 $0x0  }
0x12: {  	s1 =	sld [smem:$0x3F6C];
	s0 =	simm.s32 @p0 $0x1  }
0x13: {  	[smem:$0x3F87] =	sst s0;
	s0 =	simm.s32 @!p1 $0x0  }
0x14: {  	s2 =	sld [smem:$0x3F6B];
	s0 =	simm.s32 @p1 $0x1  }
0x15: {  	[smem:$0x3F88] =	sst s0;
	s0 =	simm.s32 @!p2 $0x0  }
0x16: {  	s3 =	sld [smem:$0x3FDB];
	s0 =	simm.s32 @p2 $0x1  }
0x17: {  	s4 =	simm.s32 $0x1BF5;
	[smem:$0x3F8A] =	sst s0  }
0x18: {  	s0 =	sld [smem:$0x3F6D];
	_ =	swait.ge [sflag:s4], $0x0  }
0x19: {  	s7 =	sld [smem:$0x3F6E]  }
0x1a: {  	s8 =	sadd.s32 $0xFFFFE003, lr  }
0x1b: {  	s9 =	sadd.s32 $0xFFFFFEF7, lr;
	s5 =	simm.s32 $0xFFFFFFFF;
	p2 =	slt.u32 s8, $0xFFFFF086  }
0x1c: {  	p1 =	slt.u32 s9, $0xF7A;
	s5 =	simm.s32 @!p2 $0x0  }
0x1d: {  	s5 =	simm.s32 @p1 $0x1;
	p0 =	seq.s32 s7, s2  }
0x1e: {  	s7 =	smul.u32 @!p0 $0xF7A, s2;
	p2 =	seq.s32 @!p0 s5, $0x0  }
0x1f: {  	s9 =	smul.u32 $0xF7A, s1;
	s8 =	simm.s32 @!p0 $0x1BF5;
	p2 =	por !p2, p0  }
0x20: {  	[sflag:s8] =	ssyncset.s32 @!p0 $0xFFFFF086;
	s6 =	sadd.s32 @!p0 s3, s7;
	s7 =	simm.s32 @!p0 $0x108  }
0x21: {  	s3 =	sadd.s32 s3, s9;
	s6 =	sadd.s32 @!p0 $0x88, s6;
	s7 =	simm.s32 @p2 $0x1082  }
0x22: {  	[simem:s7], [sflag:s8] =	dma.local @!p0 [hbm:s6], $0xF7A  }
0x23: {  	s9 =	sor.u32 $0xD0000000, s2;
	s6 =	simm.s32 $0x108;
	_ =	swait.ge @!p0 [sflag:s8], $0x0  }
0x24: {  	s3 =	sadd.s32 $0x88, s3;
	s6 =	simm.s32 @!p1 $0x1082;
	[sflag:s4] =	ssyncset.s32 $0xFFFFF086  }
0x25: {  	[simem:s6], [sflag:s4] =	dma.local [hbm:s3], $0xF7A  }
0x26: {  	[smem:$0x3F6E] =	sst s1;
	(tag) =	ssettag s2;
	_ =	strace s9  }
0x27: {  	s1 =	sld [smem:$0x3F7E]  }
0x28: {  	s2 =	sld [smem:$0x3F7F]  }
0x29: {  	s4 =	sld [smem:$0x3F81]  }
0x2a: {  	p0 =	seq.s32 s5, $0x0;
	s5 =	sld [smem:$0x3F82]  }
0x2b: {  	s6 =	sld [smem:$0x3F83]  }
0x2c: {  	s7 =	sld [smem:$0x3F84]  }
0x2d: {  	s3 =	simm.s32 $0x108;
	s8 =	sld [smem:$0x3F85]  }
0x2e: {  	s3 =	simm.s32 @!p0 $0x1082;
	s9 =	sld [smem:$0x3F86]  }
0x2f: {  	lr =	sadd.s32 s0, s3;
	s0 =	sld [smem:$0x3F7D]  }
0x30: {  	s3 =	sld [smem:$0x3F80]  }
0x31: {  	[smem:$0x3F89] =	sst s10  }
0x32: {  	s10 =	sld [smem:$0x3F87];
	_ =	sdelay $0x3  }
0x33: {  	p0 =	seq.s32 s10, $0x1;
	s10 =	sld [smem:$0x3F89];
	_ =	sdelay $0x3  }
0x34: {  	[smem:$0x3F89] =	sst s10  }
0x35: {  	s10 =	sld [smem:$0x3F88];
	_ =	sdelay $0x3  }
0x36: {  	p1 =	seq.s32 s10, $0x1;
	s10 =	sld [smem:$0x3F89];
	_ =	sdelay $0x3  }
0x37: {  	[smem:$0x3F89] =	sst s10  }
0x38: {  	s10 =	sld [smem:$0x3F8A]  }
0x39: {  	_ = 	snop;
	(pc) =	sbr.ind lr, $3  }
0x3a: {  	_ = 	snop  }
0x3b: {  	_ = 	snop  }
0x3c: {  	p2 =	seq.s32 s10, $0x1;
	s10 =	sld [smem:$0x3F89]  }
0x3d: {  	_ =	shalt  }
0x3e: {  	_ =	shalt  }
0x3f: {  	_ =	shalt  }
0x40: {  	_ =	shalt  }
0x41: {  	_ =	shalt  }
0x42: {  	_ =	shalt  }
0x43: {  	_ =	shalt  }
0x44: {  	_ =	shalt  }
0x45: {  	_ =	shalt  }
0x46: {  	_ =	shalt  }
0x47: {  	_ =	shalt  }
0x48: {  	_ =	shalt  }
0x49: {  	_ =	shalt  }
0x4a: {  	_ =	shalt  }
0x4b: {  	_ =	shalt  }
0x4c: {  	_ =	shalt  }
0x4d: {  	_ =	shalt  }
0x4e: {  	_ =	shalt  }
0x4f: {  	_ =	shalt  }
0x50: {  	_ =	shalt  }
0x51: {  	_ =	shalt  }
0x52: {  	_ =	shalt  }
0x53: {  	_ =	shalt  }
0x54: {  	_ =	shalt  }
0x55: {  	_ =	shalt  }
0x56: {  	_ =	shalt  }
0x57: {  	_ =	shalt  }
0x58: {  	_ =	shalt  }
0x59: {  	_ =	shalt  }
0x5a: {  	_ =	shalt  }
0x5b: {  	_ =	shalt  }
0x5c: {  	_ =	shalt  }
0x5d: {  	_ =	shalt  }
0x5e: {  	_ =	shalt  }
0x5f: {  	_ =	shalt  }
0x60: {  	_ =	shalt  }
0x61: {  	_ =	shalt  }
0x62: {  	_ =	shalt  }
0x63: {  	_ =	shalt  }
0x64: {  	_ =	shalt  }
0x65: {  	_ =	shalt  }
0x66: {  	_ =	shalt  }
0x67: {  	_ =	shalt  }
0x68: {  	_ =	shalt  }
0x69: {  	_ =	shalt  }
0x6a: {  	_ =	shalt  }
0x6b: {  	_ =	shalt  }
0x6c: {  	_ =	shalt  }
0x6d: {  	_ =	shalt  }
0x6e: {  	_ =	shalt  }
0x6f: {  	_ =	shalt  }
0x70: {  	_ =	shalt  }
0x71: {  	_ =	shalt  }
0x72: {  	_ =	shalt  }
0x73: {  	_ =	shalt  }
0x74: {  	_ =	shalt  }
0x75: {  	_ =	shalt  }
0x76: {  	_ =	shalt  }
0x77: {  	_ =	shalt  }
0x78: {  	_ =	shalt  }
0x79: {  	_ =	shalt  }
0x7a: {  	_ =	shalt  }
0x7b: {  	_ =	shalt  }
0x7c: {  	_ =	shalt  }
0x7d: {  	_ =	shalt  }
0x7e: {  	_ =	shalt  }
0x7f: {  	_ =	shalt  }
0x80: {  	_ =	shalt  }
0x81: {  	_ =	shalt  }
0x82: {  	_ =	shalt  }
0x83: {  	_ =	shalt  }
0x84: {  	_ =	shalt  }
0x85: {  	_ =	shalt  }
0x86: {  	_ =	shalt  }
0x87: {  	_ =	shalt  }
.Lfunc_end0:
.L_simem_size_0:
called_computation.3_lowered:
.L_overlay_start_0:
0x88: {  	s2 =	sld [smem:$0x3FD9]  }
0x89: {  	s3 =	sld [smem:$0x3FFE];
	_ =	sdelay $0x1  }
0x8a: {  	s1 =	srdreg.scid  }
0x8b: {  	s0 =	sand.u32 $0x1, s1  }
0x8c: {  	s16 =	sshll.u32 s0, $0xA;
	s2 =	sadd.s32 s3, s2  }
0x8d: {  	s2 =	sadd.s32 s2, s16  }
0x8e: {  	[smem:$0x3F95] =	sst s2  }
0x8f: {  	_ = 	snop  }
0x90: {  	(tm) =	ssettm $0x1  }
0x91: {  	s17 =	sld [smem:$0x3FFB];
	_ =	sdelay $0x3  }
0x92: {  	_ =	strace s17  }
0x93: {  	s2 =	sld [smem:$0x3FFC];
	_ =	sdelay $0x3  }
0x94: {  	_ =	strace s2  }
0x95: {  	s2 =	sld [smem:$0x3FFD];
	_ =	sdelay $0x3  }
0x96: {  	_ =	strace s2  }
0x97: {  	_ =	strace $0x8FFFFFFF  }
0x98: {  	s18 =	sld [smem:$0x3FDB];
	_ =	sdelay $0x1  }
0x99: {  	s19 =	simm.s32 $_scs_section_size  }
0x9a: {  	s4 =	simm.s32 $_size__tile_overlayer_lowered;
	s5 =	simm.s32 $_tile_overlayer_lowered  }
0x9b: {  	s22 =	simm.s32 $0x1BFF;
	s21 =	sshll.u32 s5, $0x1;
	s2 =	sadd.s32 s19, s18  }
0x9c: {  	s6 =	simm.s32 $0x0;
	s20 =	sshll.u32 s4, $0x1;
	s4 =	sadd.s32 s21, s2  }
0x9d: {  	[timem:s6], [sflag:s22] =	dma.local [hbm:s4], s20  }
0x9e: {  	_ =	swait.ge [sflag:s22], s20  }
0x9f: {  	s3 =	ssub.s32 $0x0, s20;
	[sflag:s22] =	ssyncset.done $0x0  }
0xa0: {  	[sflag:s22] =	ssyncadd.s32 s3;
	_ =	sdelay $0x1  }
0xa1: {  	s23 =	simm.s32 $0x1B8B  }
0xa2: {  	_ =	swait.ge [sflag:s23], $0x1  }
0xa3: {  	[sflag:s23] =	ssyncset.done $0x0  }
0xa4: {  	s25 =	simm.s32 $0x1B8E;
	s24 =	sld [smem:$0x3FFE];
	[sflag:s23] =	ssyncadd.s32 $0xFFFFFFFF  }
0xa5: {  	s26 =	simm.s32 $execute0_lowered;
	[smem:$0x3FD2] =	sst s25  }
0xa6: {  	s4 =	sshll.u32 s26, $0x1;
	_ =	strace $0x8000004F;
	[dreg:$0x1] =	wrdreg $0xFFFFFFFF  }
0xa7: {  	s28 =	simm.s32 $_size_execute0_lowered;
	s2 =	sadd.s32 s2, s4;
	[dreg:$0x0] =	wrdreg $0x0  }
0xa8: {  	s4 =	sshll.u32 s28, $0x1;
	[dreg:$0x2] =	wrdreg s2  }
0xa9: {  	[dreg:$0x3] =	wrdreg s4  }
0xaa: {  	[dreg:$0x4] =	wrdreg $0xC0  }
0xab: {  	_ =	task [dreg:s6], $0x5FFFF  }
0xac: {  	[dreg:$0x1] =	wrdreg $0xFFFFFFFF  }
0xad: {  	[dreg:$0x0] =	wrdreg $0x60  }
0xae: {  	[dreg:$0x2] =	wrdreg s24  }
0xaf: {  	[dreg:$0x3] =	wrdreg $0x9  }
0xb0: {  	_ =	task.clear_ibuf [dreg:s6], $0x4FFFF;
	_ =	strace $0x9000004F  }
0xb1: {  	s29 =	simm.s32 $0x9;
	_ =	strace $0x80000051  }
0xb2: {  	_ =	swait.ge [sflag:s29], $0x1  }
0xb3: {  	[sflag:s29] =	ssyncadd.s32 $0xFFFFFFFF  }
0xb4: {  	_ =	strace $0x90000051  }
0xb5: {  	_ =	sfence  }
0xb6: {  	s30 =	sld [smem:$0x0];
	_ =	sdelay $0x2  }
0xb7: {  	s31 =	sshll.u32 s1, $0xD;
	s1 =	sshrl.u32 s1, $0x2  }
0xb8: {  	s3 =	sand.u32 $0x4000, s31;
	s1 =	sadd.s32 s1, s30  }
0xb9: {  	s0 =	sor.u32 s3, s0;
	s1 =	sshll.u32 s1, $0x11  }
0xba: {  	s0 =	sor.u32 s1, s0  }
0xbb: {  	s0 =	sadd.s32 $0x8F2B, s0  }
0xbc: {  	[sflag:s0] =	ssyncadd.remote.s32 $0x1  }
0xbd: {  	_ =	sfence.sel $0xFFFF  }
0xbe: {  	[dreg:$0x0] =	wrdreg $0xFFFFFFFF;
	(pc) =	sbr.abs _section_cstart, $3  }
0xbf: {  	[dreg:$0x1] =	wrdreg $0xFFFFFFFF  }
0xc0: {  	_ =	task.clear_ibuf [dreg:s6], $0x2FFFF;
	_ =	strace $0x9FFFFFFF  }
0xc1: {  	(tm) =	ssettm $0x7FFFFFFF  }
tec
execute0_lowered:
.L_overlay_start_1:
0x0: {  	(tag) =	ssettag $0x1  }
0x1: {  	s4 =	rddreg [dreg:$0x0]  }
0x2: {  	s0 =	rddreg [dreg:$0x1];
	s2 =	simm.s32 $0x0;
	s5 =	srdreg.scid  }
0x3: {  	s1 =	stileid.u32;
	s10 =	simm.s32 $0x0;
	[smem:$0x7FF] =	sst s2  }
0x4: {  	s3 =	sadd.s32 $0x61200, s4;
	s5 =	sand.u32 $0x1, s5;
	s6 =	sshll.u32 s1, $0xB  }
0x5: {  	s8 =	smul.u32 $0x11000, s1;
	_ =	strace $0x80000050;
	s7 =	sshll.u32 s5, $0xA  }
0x6: {  	s9 =	ssub.s32 $0x2, s5;
	s5 =	smul.u32 $0x8800, s5;
	s6 =	sor.u32 s7, s6  }
0x7: {  	s30 =	sshrl.u32 s9, $0x1;
	s8 =	sadd.s32 s8, s4;
	s6 =	sshrl.u32 s6, $0x3  }
0x8: {  	s7 =	ssub.s32 s9, s30;
	s31 =	sadd.s32 s5, s8;
	s8 =	simm.s32 $0x80  }
0x9: {  	s9 =	simm.s32 $0x1;
	s6 =	sadd.s32 s6, s4;
	s4 =	smax.u32 s7, $0x1  }
0xa: {  	s7 =	simm.s32 $0x2;
	s5 =	sadd.s32 $0x2D200, s6;
	s6 =	sadd.s32 $0x12C600, s31  }
.LBB2_1:
0xb: {  	s11 =	sadd.s32 $0x0, s5  }
0xc: {  	[tilespmem:s2], [sflag:$0x2] =	stream.linear.gather [hbm4b:s11+s2], $0x80, $0x38;
	[tilespmem:$0x8880] =	vst v63  }
0xd: {  	_ =	swait.ge [sflag:s7], $0x80  }
0xe: {  	[sflag:s7] =	ssyncset.done $0x0  }
0xf: {  	[sflag:s7] =	ssyncadd.s32 $0xFFFFFF80  }
0x10: {  	[tilespmem:s8], [sflag:$0x1] =	stream.indirect.gather [hbm4b:s3+s8], $0x110, s2, s8, $0xb8;
	[tilespmem:$0x8880] =	vst v63  }
0x11: {  	_ =	swait.ge [sflag:s9], $0x8800  }
0x12: {  	[sflag:s9] =	ssyncset.done $0x0  }
0x13: {  	[sflag:s9] =	ssyncadd.s32 $0xFFFF7800  }
0x14: {  	[hbm4b:s6+s2] =	stream.linear.scatter [tilespmem:s8], [sflag:$0x2], $0x8800, $0x38;
	[tilespmem:$0x8880] =	vst v63  }
0x15: {  	s12 =	simm.s32 $0x10;
	_ =	swait.ge [sflag:s7], $0x8800  }
0x16: {  	s13 =	simm.s32 $0x20;
	s11 =	sadd.s32 $0x1100, s6;
	[sflag:s7] =	ssyncset.done $0x0  }
.LBB2_2:
0x17: {  	s14 =	sadd.s32 s12, s5  }
0x18: {  	[sflag:s7] =	ssyncadd.s32 $0xFFFF7800;
	s12 =	smov.u32 s13;
	s15 =	sadd.s32 $0x10, s13  }
0x19: {  	[tilespmem:s2], [sflag:$0x2] =	stream.linear.gather [hbm4b:s14+s2], $0x80, $0x38;
	[tilespmem:$0x8880] =	vst v63  }
0x1a: {  	p0 =	sne.s32 s13, $0x70;
	_ =	swait.ge [sflag:s7], $0x80  }
0x1b: {  	[sflag:s7] =	ssyncset.done $0x0  }
0x1c: {  	[sflag:s7] =	ssyncadd.s32 $0xFFFFFF80  }
0x1d: {  	[tilespmem:s8], [sflag:$0x1] =	stream.indirect.gather [hbm4b:s3+s8], $0x110, s2, s8, $0xb8;
	[tilespmem:$0x8880] =	vst v63  }
0x1e: {  	_ =	swait.ge [sflag:s9], $0x8800  }
.Ltmp0:
0x1f: {  	[sflag:s9] =	ssyncset.done $0x0;
	(pc) =	sbr.rel @p0 .LBB2_2-.Ltmp0, $4  }
0x20: {  	[sflag:s9] =	ssyncadd.s32 $0xFFFF7800  }
0x21: {  	[hbm4b:s11+s2] =	stream.linear.scatter [tilespmem:s8], [sflag:$0x2], $0x8800, $0x38;
	[tilespmem:$0x8880] =	vst v63  }
0x22: {  	_ =	swait.ge [sflag:s7], $0x8800  }
0x23: {  	s13 =	smov.u32 s15;
	s11 =	sadd.s32 $0x1100, s11;
	[sflag:s7] =	ssyncset.done $0x0  }
0x24: {  	s12 =	sadd.s32 s12, s5;
	[sflag:s7] =	ssyncadd.s32 $0xFFFF7800  }
0x25: {  	[tilespmem:s2], [sflag:$0x2] =	stream.linear.gather [hbm4b:s12+s2], $0x80, $0x38;
	[tilespmem:$0x8880] =	vst v63  }
0x26: {  	_ =	swait.ge [sflag:s7], $0x80  }
0x27: {  	[sflag:s7] =	ssyncset.done $0x0  }
0x28: {  	[sflag:s7] =	ssyncadd.s32 $0xFFFFFF80  }
0x29: {  	[tilespmem:s8], [sflag:$0x1] =	stream.indirect.gather [hbm4b:s3+s8], $0x110, s2, s8, $0xb8;
	[tilespmem:$0x8880] =	vst v63  }
0x2a: {  	s10 =	sadd.s32 $0x1, s10;
	_ =	swait.ge [sflag:s9], $0x8800  }
0x2b: {  	p0 =	sne.s32 s10, s4;
	[sflag:s9] =	ssyncset.done $0x0  }
.Ltmp1:
0x2c: {  	[sflag:s9] =	ssyncadd.s32 $0xFFFF7800;
	(pc) =	sbr.rel @p0 .LBB2_1-.Ltmp1, $4  }
0x2d: {  	[hbm4b:s11+s2] =	stream.linear.scatter [tilespmem:s8], [sflag:$0x2], $0x8800, $0x38;
	[tilespmem:$0x8880] =	vst v63  }
0x2e: {  	_ =	swait.ge [sflag:s7], $0x8800  }
0x2f: {  	[sflag:s7] =	ssyncset.done $0x0  }
0x30: {  	[sflag:s7] =	ssyncadd.s32 $0xFFFF7800  }
0x31: {  	_ =	sfence.sel $0x180000  }
0x32: {  	[bflag:$0x0] =	sbarrier.arrive $0xFFFF  }
0x33: {  	p0 =	sne.s32 s1, $0x0;
	_ =	strace $0x90000050  }
0x34: {  	s0 =	sadd.s32 @!p0 $0x100000, s0;
	[bflag:$0x2] =	sbarrier.arrive $0xFFFF  }
0x35: {  	[sflag:s0] =	ssyncadd.tile.s32 @!p0 $0x1;
	_ =	shalt  }
.Lfunc_end2:
_tile_overlayer_lowered:
.L_overlay_start_2:
0x36: {  	(tag) =	ssettag $0x2  }
0x37: {  	s0 =	rddreg [dreg:$0x0];
	s2 =	stileid.u32  }
0x38: {  	s1 =	rddreg [dreg:$0x1];
	p0 =	sne.s32 s2, $0x0  }
0x39: {  	s3 =	rddreg [dreg:$0x2];
	[bflag:$0x3] =	sbarrier.arrive $0xFFFF;
	s2 =	simm.s32 @!p0 $0x1C02  }
0x3a: {  	[timem:s3], [sflag:s2] =	dma.local @!p0 [hbm:s0], s1  }
0x3b: {  	s0 =	simm.s32 @!p0 $0x2  }
0x3c: {  	_ =	swait.ge @!p0 [sflag:s0], s1  }
0x3d: {  	s1 =	ssub.s32 @!p0 $0x0, s1;
	[sflag:s0] =	ssyncset.done @!p0 $0x0  }
0x3e: {  	[sflag:s0] =	ssyncadd.s32 @!p0 s1  }
0x3f: {  	[bflag:$0x3] =	sbarrier.arrive $0xFFFF  }
0x40: {  	_ =	shalt  }

</sc_bundles>
